<compile_context>
chip_gen: v7x
topology: tpu7x:2x2x1
jax: 0.10.2.dev20260603
libtpu: 0.0.44.dev20260713+nightly
codegen_flags: <defaults>
</compile_context>

<pallas_src>
import functools
import math

import jax
import jax.numpy as jnp
from jax import lax
from jax.experimental import pallas as pl
from jax.experimental.pallas import tpu as pltpu
from jax.experimental.pallas import tpu_sc as plsc

VOCAB = 100000
D = 64
SCALE = math.sqrt(D)

NC = 2
NS = 16
NW = NC * NS

B_SEQ = 4096
T_SEQ = 200
B_TOK = B_SEQ * T_SEQ
PER_W = B_TOK // NW
IDX_ROWS_PER_W = PER_W // 128
CROWS = 1
CH = CROWS * 128
NCH = PER_W // CH
NB = 4
PREP_COLS = 4096
PREP_GRID = 25
TBL_ROWS = PREP_GRID * PREP_COLS


def _prep_body(x_ref, o_ref):
    x = x_ref[...]
    ya = x[:, : PREP_COLS // 2].T
    yb = x[:, PREP_COLS // 2 :].T
    o_ref[...] = jnp.concatenate([ya, yb], axis=1) * SCALE


def _prep_table(table):
    tt = table.T
    out = pl.pallas_call(
        _prep_body,
        grid=(PREP_GRID,),
        in_specs=[pl.BlockSpec((D, PREP_COLS), lambda i: (0, i))],
        out_specs=pl.BlockSpec((PREP_COLS // 2, 128), lambda i: (i, 0)),
        out_shape=jax.ShapeDtypeStruct((TBL_ROWS // 2, 128), jnp.float32),
    )(tt)
    return out.reshape(TBL_ROWS, D)


def _gather_body(tok_hbm, table_hbm, out_hbm, idx_v,
                 r0, r1, r2, r3, t0, t1, t2, t3,
                 g0, g1, g2, g3, s0, s1, s2, s3):
    wid = lax.axis_index("s") * NC + lax.axis_index("c")
    m_base = wid * PER_W

    def gather_descs(h, rbuf, gsem):
        return [
            pltpu.make_async_copy(
                table_hbm.at[idx_v.at[h * CROWS + k]],
                rbuf.at[pl.ds(k * 128, 128)],
                gsem,
            )
            for k in range(CROWS)
        ]

    def scatter_descs(h, tbuf, ssem):
        m0 = m_base + h * CH
        t = m0 // B_SEQ
        c0 = (m0 % B_SEQ) // 128
        return [
            pltpu.make_async_copy(
                tbuf.at[:, :, pl.ds(128 * cc, 128)],
                out_hbm.at[t, :, c0 + cc, :, :],
                ssem,
            )
            for cc in range(CH // 128)
        ]

    def start(ds):
        for d in ds:
            d.start()

    def wait(ds):
        for d in ds:
            d.wait()

    def transpose_scale(rbuf, tbuf):
        iot = lax.iota(jnp.int32, 16)
        d0s = [jnp.right_shift(16 * k + iot, 3) for k in range(D // 16)]
        drs = [jnp.bitwise_and(16 * k + iot, 7) for k in range(D // 16)]

        @plsc.parallel_loop(0, CH, unroll=4)
        def _(i):
            cidx = jnp.full((16,), 0, jnp.int32) + i
            for k in range(D // 16):
                vals = rbuf[i, pl.ds(16 * k, 16)]
                plsc.store_scatter(tbuf, [d0s[k], drs[k], cidx], vals)

    pltpu.sync_copy(tok_hbm.at[wid], idx_v)

    rb = (r0, r1, r2, r3)
    tb = (t0, t1, t2, t3)
    gs = (g0, g1, g2, g3)
    ss = (s0, s1, s2, s3)

    for b in range(NB):
        start(gather_descs(b, rb[b], gs[b]))

    def step(p, carry):
        for b in range(NB):
            h = NB * p + b
            wait(gather_descs(h, rb[b], gs[b]))

            @pl.when(p >= 1)
            def _():
                wait(scatter_descs(h - NB, tb[b], ss[b]))

            transpose_scale(rb[b], tb[b])

            @pl.when(p < NCH // NB - 1)
            def _():
                start(gather_descs(h + NB, rb[b], gs[b]))

            start(scatter_descs(h, tb[b], ss[b]))
        return carry

    lax.fori_loop(0, NCH // NB, step, 0)

    for b in range(NB):
        wait(scatter_descs(NCH - NB + b, tb[b], ss[b]))


def _sc_gather(tok3d, table):
    kern = functools.partial(
        pl.kernel,
        mesh=plsc.VectorSubcoreMesh(core_axis_name="c", subcore_axis_name="s"),
        out_type=jax.ShapeDtypeStruct((T_SEQ, 8, 32, 8, 128), jnp.float32),
        scratch_types=(
            [pltpu.VMEM((IDX_ROWS_PER_W, 128), jnp.int32)]
            + [pltpu.VMEM((CH, D), jnp.float32)] * 4
            + [pltpu.VMEM((8, 8, CH + 1), jnp.float32)] * 4
            + [pltpu.SemaphoreType.DMA] * 8
        ),
        compiler_params=pltpu.CompilerParams(use_tc_tiling_on_sc=False, needs_layout_passes=False),
    )(_gather_body)
    return kern(tok3d, table)


def kernel(tokens, embedding_table):
    half = PREP_COLS // 2
    shift = half.bit_length() - 1
    t32 = tokens.astype(jnp.int32).T
    g = (
        jnp.bitwise_and(t32, ~(PREP_COLS - 1))
        + 2 * jnp.bitwise_and(t32, half - 1)
        + jnp.bitwise_and(jnp.right_shift(t32, shift), 1)
    )
    tok3d = g.reshape(NW, IDX_ROWS_PER_W, 128)
    out5 = _sc_gather(tok3d, _prep_table(embedding_table))
    outp = out5.transpose(0, 1, 3, 2, 4).reshape(T_SEQ, D, B_SEQ)
    return jnp.transpose(outp, (2, 0, 1))

# --- scband reference (transcript-rebuilt; emitter-appended) ---
"""Pipeline reference for scband-token-embedding-80161269612558 (READ-ONLY COPY).

The authoritative reference and input builder live on the scoring server;
editing this copy changes nothing except your own understanding.
"""

import jax, jax.numpy as jnp
import numpy as np
import math

VOCAB_SIZE = 100000
D_MODEL = 64

def setup_inputs(seed: int = 0) -> dict:
    key = jax.random.key(seed)
    k_tok, k_emb = jax.random.split(key)
    tokens = jax.random.randint(k_tok, (4096, 200), 0, VOCAB_SIZE, dtype=jnp.int64 if jax.config.jax_enable_x64 else jnp.int32)
    embedding_table = jax.random.normal(k_emb, (VOCAB_SIZE, D_MODEL), dtype=jnp.float32)
    return {"tokens": tokens, "embedding_table": embedding_table}

def reference(tokens, embedding_table):
    # Embedding lookup: (B, T) -> (B, T, d_model)
    embedded = jnp.take(embedding_table, tokens, axis=0)
    # Scale by sqrt(d_model)
    scale = math.sqrt(D_MODEL)
    embedded = embedded * scale
    return embedded

if __name__ == "__main__":
    import jax
    _d = setup_inputs()
    print(jax.jit(kernel)(*tuple(_d.values())))

</pallas_src>

<mosaic_0001>
#map = affine_map<(d0, d1) -> (0, 0, 0)>
#map1 = affine_map<(d0, d1) -> (0, 0)>
#map2 = affine_map<(d0, d1) -> (0, 0, 0, 0, 0)>
module attributes {stable_mosaic.version = 14 : i64} {
  func.func @_gather_body(%arg0: i32, %arg1: i32, %arg2: memref<32x200x128xi32, #tpu.memory_space<hbm>>, %arg3: memref<102400x64xf32, #tpu.memory_space<hbm>>, %arg4: memref<200x8x32x8x128xf32, #tpu.memory_space<hbm>>, %arg5: memref<200x128xi32, #tpu.memory_space<vmem>>, %arg6: memref<128x64xf32, #tpu.memory_space<vmem>>, %arg7: memref<128x64xf32, #tpu.memory_space<vmem>>, %arg8: memref<128x64xf32, #tpu.memory_space<vmem>>, %arg9: memref<128x64xf32, #tpu.memory_space<vmem>>, %arg10: memref<8x8x129xf32, #tpu.memory_space<vmem>>, %arg11: memref<8x8x129xf32, #tpu.memory_space<vmem>>, %arg12: memref<8x8x129xf32, #tpu.memory_space<vmem>>, %arg13: memref<8x8x129xf32, #tpu.memory_space<vmem>>, %arg14: memref<!tpu.dma_semaphore, #tpu.memory_space<semaphore_mem>>, %arg15: memref<!tpu.dma_semaphore, #tpu.memory_space<semaphore_mem>>, %arg16: memref<!tpu.dma_semaphore, #tpu.memory_space<semaphore_mem>>, %arg17: memref<!tpu.dma_semaphore, #tpu.memory_space<semaphore_mem>>, %arg18: memref<!tpu.dma_semaphore, #tpu.memory_space<semaphore_mem>>, %arg19: memref<!tpu.dma_semaphore, #tpu.memory_space<semaphore_mem>>, %arg20: memref<!tpu.dma_semaphore, #tpu.memory_space<semaphore_mem>>, %arg21: memref<!tpu.dma_semaphore, #tpu.memory_space<semaphore_mem>>) attributes {dimension_semantics = [#tpu.dimension_semantics<core_parallel>, #tpu.dimension_semantics<subcore_parallel>], iteration_bounds = array<i64: 2, 16>, scalar_prefetch = 0 : i64, scratch_operands = 17 : i64, tpu.core_type = #tpu.core_type<sc_vector_subcore>, window_params = [{transform_indices = #map}, {transform_indices = #map1}, {transform_indices = #map2}]} {
    %mul3A = arith.constant 2 : i32
    %mul3A_0 = arith.muli %arg1, %mul3A : i32
    %add3A = arith.addi %mul3A_0, %arg0 : i32
    %mul3A_1 = arith.constant 25600 : i32
    %mul3A_2 = arith.muli %add3A, %mul3A_1 : i32
    "tpu.region"() ({
      %run_scoped3A = tpu.sem_alloc : memref<!tpu.dma_semaphore, #tpu.memory_space<semaphore_mem>>
      %dma_start3A_380 = arith.constant 0 : i32
      %dma_start3A_381 = arith.constant 0 : i32
      %dma_start3A_382 = tpu.memref_slice %arg2[%add3A, %dma_start3A_380, %dma_start3A_381] : memref<32x200x128xi32, #tpu.memory_space<hbm>> -> memref<1x200x128xi32, #tpu.memory_space<hbm>>
      %dma_start3A_383 = tpu.memref_squeeze %dma_start3A_382 : memref<1x200x128xi32, #tpu.memory_space<hbm>> -> memref<200x128xi32, #tpu.memory_space<hbm>>
      %dma_start3A_384 = arith.constant 0 : i32
      %dma_start3A_385 = arith.constant 0 : i32
      %dma_start3A_386 = tpu.memref_slice %arg2[%add3A, %dma_start3A_384, %dma_start3A_385] : memref<32x200x128xi32, #tpu.memory_space<hbm>> -> memref<1x200x128xi32, #tpu.memory_space<hbm>>
      %dma_start3A_387 = tpu.memref_squeeze %dma_start3A_386 : memref<1x200x128xi32, #tpu.memory_space<hbm>> -> memref<200x128xi32, #tpu.memory_space<hbm>>
      tpu.enqueue_dma source(%dma_start3A_387 : memref<200x128xi32, #tpu.memory_space<hbm>>) target(%arg5 : memref<200x128xi32, #tpu.memory_space<vmem>>) target_semaphore(%run_scoped3A : memref<!tpu.dma_semaphore, #tpu.memory_space<semaphore_mem>>)
      %dma_wait3A_388 = arith.constant 0 : i32
      %dma_wait3A_389 = arith.constant 0 : i32
      %dma_wait3A_390 = tpu.memref_slice %arg2[%add3A, %dma_wait3A_388, %dma_wait3A_389] : memref<32x200x128xi32, #tpu.memory_space<hbm>> -> memref<1x200x128xi32, #tpu.memory_space<hbm>>
      %dma_wait3A_391 = tpu.memref_squeeze %dma_wait3A_390 : memref<1x200x128xi32, #tpu.memory_space<hbm>> -> memref<200x128xi32, #tpu.memory_space<hbm>>
      %dma_wait3A_392 = arith.constant 0 : i32
      %dma_wait3A_393 = arith.constant 0 : i32
      %dma_wait3A_394 = tpu.memref_slice %arg2[%add3A, %dma_wait3A_392, %dma_wait3A_393] : memref<32x200x128xi32, #tpu.memory_space<hbm>> -> memref<1x200x128xi32, #tpu.memory_space<hbm>>
      %dma_wait3A_395 = tpu.memref_squeeze %dma_wait3A_394 : memref<1x200x128xi32, #tpu.memory_space<hbm>> -> memref<200x128xi32, #tpu.memory_space<hbm>>
      tpu.wait_dma2 semaphore(%run_scoped3A : memref<!tpu.dma_semaphore, #tpu.memory_space<semaphore_mem>>) src(%dma_wait3A_395 : memref<200x128xi32, #tpu.memory_space<hbm>>) dst(%arg5 : memref<200x128xi32, #tpu.memory_space<vmem>>)
      tpu.yield
    }) : () -> ()
    %dma_start3A = arith.constant 0 : i32
    %dma_start3A_3 = arith.constant 0 : i32
    %dma_start3A_4 = arith.constant 0 : i32
    %dma_start3A_5 = tpu.memref_slice %arg6[%dma_start3A_3, %dma_start3A_4] : memref<128x64xf32, #tpu.memory_space<vmem>> -> memref<128x64xf32, #tpu.memory_space<vmem>>
    %dma_start3A_6 = arith.constant 0 : i32
    %dma_start3A_7 = tpu.memref_slice %arg5[%dma_start3A, %dma_start3A_6] : memref<200x128xi32, #tpu.memory_space<vmem>> -> memref<1x128xi32, #tpu.memory_space<vmem>>
    %dma_start3A_8 = tpu.memref_squeeze %dma_start3A_7 : memref<1x128xi32, #tpu.memory_space<vmem>> -> memref<128xi32, #tpu.memory_space<vmem>>
    %dma_start3A_9 = arith.constant 0 : i32
    %dma_start3A_10 = arith.constant 0 : i32
    %dma_start3A_11 = tpu.memref_slice %arg3[%dma_start3A_9, %dma_start3A_10] : memref<102400x64xf32, #tpu.memory_space<hbm>> -> memref<102400x64xf32, #tpu.memory_space<hbm>>
    tpu.enqueue_indirect_dma source(%dma_start3A_11 : memref<102400x64xf32, #tpu.memory_space<hbm>>) target(%dma_start3A_5 : memref<128x64xf32, #tpu.memory_space<vmem>>) offsets(%dma_start3A_8 : memref<128xi32, #tpu.memory_space<vmem>>) semaphore(%arg14 : memref<!tpu.dma_semaphore, #tpu.memory_space<semaphore_mem>>)
    %dma_start3A_12 = arith.constant 1 : i32
    %dma_start3A_13 = arith.constant 0 : i32
    %dma_start3A_14 = arith.constant 0 : i32
    %dma_start3A_15 = tpu.memref_slice %arg7[%dma_start3A_13, %dma_start3A_14] : memref<128x64xf32, #tpu.memory_space<vmem>> -> memref<128x64xf32, #tpu.memory_space<vmem>>
    %dma_start3A_16 = arith.constant 0 : i32
    %dma_start3A_17 = tpu.memref_slice %arg5[%dma_start3A_12, %dma_start3A_16] : memref<200x128xi32, #tpu.memory_space<vmem>> -> memref<1x128xi32, #tpu.memory_space<vmem>>
    %dma_start3A_18 = tpu.memref_squeeze %dma_start3A_17 : memref<1x128xi32, #tpu.memory_space<vmem>> -> memref<128xi32, #tpu.memory_space<vmem>>
    %dma_start3A_19 = arith.constant 0 : i32
    %dma_start3A_20 = arith.constant 0 : i32
    %dma_start3A_21 = tpu.memref_slice %arg3[%dma_start3A_19, %dma_start3A_20] : memref<102400x64xf32, #tpu.memory_space<hbm>> -> memref<102400x64xf32, #tpu.memory_space<hbm>>
    tpu.enqueue_indirect_dma source(%dma_start3A_21 : memref<102400x64xf32, #tpu.memory_space<hbm>>) target(%dma_start3A_15 : memref<128x64xf32, #tpu.memory_space<vmem>>) offsets(%dma_start3A_18 : memref<128xi32, #tpu.memory_space<vmem>>) semaphore(%arg15 : memref<!tpu.dma_semaphore, #tpu.memory_space<semaphore_mem>>)
    %dma_start3A_22 = arith.constant 2 : i32
    %dma_start3A_23 = arith.constant 0 : i32
    %dma_start3A_24 = arith.constant 0 : i32
    %dma_start3A_25 = tpu.memref_slice %arg8[%dma_start3A_23, %dma_start3A_24] : memref<128x64xf32, #tpu.memory_space<vmem>> -> memref<128x64xf32, #tpu.memory_space<vmem>>
    %dma_start3A_26 = arith.constant 0 : i32
    %dma_start3A_27 = tpu.memref_slice %arg5[%dma_start3A_22, %dma_start3A_26] : memref<200x128xi32, #tpu.memory_space<vmem>> -> memref<1x128xi32, #tpu.memory_space<vmem>>
    %dma_start3A_28 = tpu.memref_squeeze %dma_start3A_27 : memref<1x128xi32, #tpu.memory_space<vmem>> -> memref<128xi32, #tpu.memory_space<vmem>>
    %dma_start3A_29 = arith.constant 0 : i32
    %dma_start3A_30 = arith.constant 0 : i32
    %dma_start3A_31 = tpu.memref_slice %arg3[%dma_start3A_29, %dma_start3A_30] : memref<102400x64xf32, #tpu.memory_space<hbm>> -> memref<102400x64xf32, #tpu.memory_space<hbm>>
    tpu.enqueue_indirect_dma source(%dma_start3A_31 : memref<102400x64xf32, #tpu.memory_space<hbm>>) target(%dma_start3A_25 : memref<128x64xf32, #tpu.memory_space<vmem>>) offsets(%dma_start3A_28 : memref<128xi32, #tpu.memory_space<vmem>>) semaphore(%arg16 : memref<!tpu.dma_semaphore, #tpu.memory_space<semaphore_mem>>)
    %dma_start3A_32 = arith.constant 3 : i32
    %dma_start3A_33 = arith.constant 0 : i32
    %dma_start3A_34 = arith.constant 0 : i32
    %dma_start3A_35 = tpu.memref_slice %arg9[%dma_start3A_33, %dma_start3A_34] : memref<128x64xf32, #tpu.memory_space<vmem>> -> memref<128x64xf32, #tpu.memory_space<vmem>>
    %dma_start3A_36 = arith.constant 0 : i32
    %dma_start3A_37 = tpu.memref_slice %arg5[%dma_start3A_32, %dma_start3A_36] : memref<200x128xi32, #tpu.memory_space<vmem>> -> memref<1x128xi32, #tpu.memory_space<vmem>>
    %dma_start3A_38 = tpu.memref_squeeze %dma_start3A_37 : memref<1x128xi32, #tpu.memory_space<vmem>> -> memref<128xi32, #tpu.memory_space<vmem>>
    %dma_start3A_39 = arith.constant 0 : i32
    %dma_start3A_40 = arith.constant 0 : i32
    %dma_start3A_41 = tpu.memref_slice %arg3[%dma_start3A_39, %dma_start3A_40] : memref<102400x64xf32, #tpu.memory_space<hbm>> -> memref<102400x64xf32, #tpu.memory_space<hbm>>
    tpu.enqueue_indirect_dma source(%dma_start3A_41 : memref<102400x64xf32, #tpu.memory_space<hbm>>) target(%dma_start3A_35 : memref<128x64xf32, #tpu.memory_space<vmem>>) offsets(%dma_start3A_38 : memref<128xi32, #tpu.memory_space<vmem>>) semaphore(%arg17 : memref<!tpu.dma_semaphore, #tpu.memory_space<semaphore_mem>>)
    %scan3A = arith.constant 0 : i32
    %scan3A_42 = arith.constant 0 : i32
    %scan3A_43 = arith.constant 50 : i32
    %scan3A_44 = arith.addi %scan3A_42, %scan3A_43 : i32
    %scan3A_45 = arith.constant 1 : i32
    scf.for %scan3A_380 = %scan3A_42 to %scan3A_44 step %scan3A_45  : i32 {
      %mul3A_381 = arith.constant 4 : i32
      %mul3A_382 = arith.muli %mul3A_381, %scan3A_380 : i32
      %add3A_383 = arith.constant 0 : i32
      %add3A_384 = arith.addi %mul3A_382, %add3A_383 : i32
      %mul3A_385 = arith.constant 1 : i32
      %mul3A_386 = arith.muli %add3A_384, %mul3A_385 : i32
      %add3A_387 = arith.constant 0 : i32
      %add3A_388 = arith.addi %mul3A_386, %add3A_387 : i32
      %dma_wait3A_389 = arith.constant 0 : i32
      %dma_wait3A_390 = arith.constant 0 : i32
      %dma_wait3A_391 = tpu.memref_slice %arg6[%dma_wait3A_389, %dma_wait3A_390] : memref<128x64xf32, #tpu.memory_space<vmem>> -> memref<128x64xf32, #tpu.memory_space<vmem>>
      %dma_wait3A_392 = arith.constant 0 : i32
      %dma_wait3A_393 = tpu.memref_slice %arg5[%add3A_388, %dma_wait3A_392] : memref<200x128xi32, #tpu.memory_space<vmem>> -> memref<1x128xi32, #tpu.memory_space<vmem>>
      %dma_wait3A_394 = tpu.memref_squeeze %dma_wait3A_393 : memref<1x128xi32, #tpu.memory_space<vmem>> -> memref<128xi32, #tpu.memory_space<vmem>>
      %dma_wait3A_395 = arith.constant 0 : i32
      %dma_wait3A_396 = arith.constant 0 : i32
      %dma_wait3A_397 = tpu.memref_slice %arg3[%dma_wait3A_395, %dma_wait3A_396] : memref<102400x64xf32, #tpu.memory_space<hbm>> -> memref<102400x64xf32, #tpu.memory_space<hbm>>
      tpu.wait_indirect_dma semaphore(%arg14 : memref<!tpu.dma_semaphore, #tpu.memory_space<semaphore_mem>>) src(%dma_wait3A_397 : memref<102400x64xf32, #tpu.memory_space<hbm>>) dst(%dma_wait3A_391 : memref<128x64xf32, #tpu.memory_space<vmem>>)
      %ge3A = arith.constant 1 : i32
      %ge3A_398 = arith.cmpi sge, %scan3A_380, %ge3A : i32
      %convert_element_type3A = arith.extui %ge3A_398 : i1 to i32
      %cond3A = arith.constant 0 : i32
      %cond3A_399 = arith.cmpi ne, %convert_element_type3A, %cond3A : i32
      scf.if %cond3A_399 {
        %sub3A_1039 = arith.constant 4 : i32
        %sub3A_1040 = arith.subi %add3A_384, %sub3A_1039 : i32
        %mul3A_1041 = arith.constant 128 : i32
        %mul3A_1042 = arith.muli %sub3A_1040, %mul3A_1041 : i32
        %add3A_1043 = arith.addi %mul3A_2, %mul3A_1042 : i32
        %jit3A_1044 = arith.constant 4096 : i32
        %div3A_1045 = arith.divsi %add3A_1043, %jit3A_1044 : i32
        %sign3A_1046 = arith.constant 0 : i32
        %sign3A_1047 = arith.cmpi sgt, %add3A_1043, %sign3A_1046 : i32
        %sign3A_1048 = arith.extui %sign3A_1047 : i1 to i32
        %sign3A_1049 = arith.constant 0 : i32
        %sign3A_1050 = arith.cmpi slt, %add3A_1043, %sign3A_1049 : i32
        %sign3A_1051 = arith.extui %sign3A_1050 : i1 to i32
        %sign3A_1052 = arith.subi %sign3A_1048, %sign3A_1051 : i32
        %sign3A_1053 = arith.constant 0 : i32
        %sign3A_1054 = arith.cmpi sgt, %jit3A_1044, %sign3A_1053 : i32
        %sign3A_1055 = arith.extui %sign3A_1054 : i1 to i32
        %sign3A_1056 = arith.constant 0 : i32
        %sign3A_1057 = arith.cmpi slt, %jit3A_1044, %sign3A_1056 : i32
        %sign3A_1058 = arith.extui %sign3A_1057 : i1 to i32
        %sign3A_1059 = arith.subi %sign3A_1055, %sign3A_1058 : i32
        %ne3A_1060 = arith.cmpi ne, %sign3A_1052, %sign3A_1059 : i32
        %rem3A_1061 = arith.remsi %add3A_1043, %jit3A_1044 : i32
        %ne3A_1062 = arith.constant 0 : i32
        %ne3A_1063 = arith.cmpi ne, %rem3A_1061, %ne3A_1062 : i32
        %and3A_1064 = arith.andi %ne3A_1060, %ne3A_1063 : i1
        %sub3A_1065 = arith.constant 1 : i32
        %sub3A_1066 = arith.subi %div3A_1045, %sub3A_1065 : i32
        %select_n3A_1067 = arith.select %and3A_1064, %sub3A_1066, %div3A_1045 : i32
        %jit3A_1068 = arith.constant 4096 : i32
        %eq3A_1069 = arith.constant 0 : i32
        %eq3A_1070 = arith.cmpi eq, %jit3A_1068, %eq3A_1069 : i32
        %jit3A_1071 = arith.constant 1 : i32
        %select_n3A_1072 = arith.select %eq3A_1070, %jit3A_1071, %jit3A_1068 : i32
        %rem3A_1073 = arith.remsi %add3A_1043, %select_n3A_1072 : i32
        %ne3A_1074 = arith.constant 0 : i32
        %ne3A_1075 = arith.cmpi ne, %rem3A_1073, %ne3A_1074 : i32
        %lt3A_1076 = arith.constant 0 : i32
        %lt3A_1077 = arith.cmpi slt, %rem3A_1073, %lt3A_1076 : i32
        %lt3A_1078 = arith.constant 0 : i32
        %lt3A_1079 = arith.cmpi slt, %select_n3A_1072, %lt3A_1078 : i32
        %ne3A_1080 = arith.xori %lt3A_1077, %lt3A_1079 : i1
        %and3A_1081 = arith.andi %ne3A_1080, %ne3A_1075 : i1
        %add3A_1082 = arith.addi %rem3A_1073, %select_n3A_1072 : i32
        %select_n3A_1083 = arith.select %and3A_1081, %add3A_1082, %rem3A_1073 : i32
        %jit3A_1084 = arith.constant 128 : i32
        %div3A_1085 = arith.divsi %select_n3A_1083, %jit3A_1084 : i32
        %sign3A_1086 = arith.constant 0 : i32
        %sign3A_1087 = arith.cmpi sgt, %select_n3A_1083, %sign3A_1086 : i32
        %sign3A_1088 = arith.extui %sign3A_1087 : i1 to i32
        %sign3A_1089 = arith.constant 0 : i32
        %sign3A_1090 = arith.cmpi slt, %select_n3A_1083, %sign3A_1089 : i32
        %sign3A_1091 = arith.extui %sign3A_1090 : i1 to i32
        %sign3A_1092 = arith.subi %sign3A_1088, %sign3A_1091 : i32
        %sign3A_1093 = arith.constant 0 : i32
        %sign3A_1094 = arith.cmpi sgt, %jit3A_1084, %sign3A_1093 : i32
        %sign3A_1095 = arith.extui %sign3A_1094 : i1 to i32
        %sign3A_1096 = arith.constant 0 : i32
        %sign3A_1097 = arith.cmpi slt, %jit3A_1084, %sign3A_1096 : i32
        %sign3A_1098 = arith.extui %sign3A_1097 : i1 to i32
        %sign3A_1099 = arith.subi %sign3A_1095, %sign3A_1098 : i32
        %ne3A_1100 = arith.cmpi ne, %sign3A_1092, %sign3A_1099 : i32
        %rem3A_1101 = arith.remsi %select_n3A_1083, %jit3A_1084 : i32
        %ne3A_1102 = arith.constant 0 : i32
        %ne3A_1103 = arith.cmpi ne, %rem3A_1101, %ne3A_1102 : i32
        %and3A_1104 = arith.andi %ne3A_1100, %ne3A_1103 : i1
        %sub3A_1105 = arith.constant 1 : i32
        %sub3A_1106 = arith.subi %div3A_1085, %sub3A_1105 : i32
        %select_n3A_1107 = arith.select %and3A_1104, %sub3A_1106, %div3A_1085 : i32
        %add3A_1108 = arith.constant 0 : i32
        %add3A_1109 = arith.addi %select_n3A_1107, %add3A_1108 : i32
        %dma_wait3A_1110 = arith.constant 0 : i32
        %dma_wait3A_1111 = arith.constant 0 : i32
        %dma_wait3A_1112 = arith.constant 0 : i32
        %dma_wait3A_1113 = tpu.memref_slice %arg10[%dma_wait3A_1110, %dma_wait3A_1111, %dma_wait3A_1112] : memref<8x8x129xf32, #tpu.memory_space<vmem>> -> memref<8x8x128xf32, #tpu.memory_space<vmem>>
        %dma_wait3A_1114 = arith.constant 0 : i32
        %dma_wait3A_1115 = arith.constant 0 : i32
        %dma_wait3A_1116 = arith.constant 0 : i32
        %dma_wait3A_1117 = tpu.memref_slice %arg4[%select_n3A_1067, %dma_wait3A_1114, %add3A_1109, %dma_wait3A_1115, %dma_wait3A_1116] : memref<200x8x32x8x128xf32, #tpu.memory_space<hbm>> -> memref<1x8x1x8x128xf32, #tpu.memory_space<hbm>>
        %dma_wait3A_1118 = tpu.memref_squeeze %dma_wait3A_1117 : memref<1x8x1x8x128xf32, #tpu.memory_space<hbm>> -> memref<8x8x128xf32, #tpu.memory_space<hbm>>
        %dma_wait3A_1119 = arith.constant 0 : i32
        %dma_wait3A_1120 = arith.constant 0 : i32
        %dma_wait3A_1121 = arith.constant 0 : i32
        %dma_wait3A_1122 = tpu.memref_slice %arg4[%select_n3A_1067, %dma_wait3A_1119, %add3A_1109, %dma_wait3A_1120, %dma_wait3A_1121] : memref<200x8x32x8x128xf32, #tpu.memory_space<hbm>> -> memref<1x8x1x8x128xf32, #tpu.memory_space<hbm>>
        %dma_wait3A_1123 = tpu.memref_squeeze %dma_wait3A_1122 : memref<1x8x1x8x128xf32, #tpu.memory_space<hbm>> -> memref<8x8x128xf32, #tpu.memory_space<hbm>>
        %dma_wait3A_1124 = arith.constant 0 : i32
        %dma_wait3A_1125 = arith.constant 0 : i32
        %dma_wait3A_1126 = arith.constant 0 : i32
        %dma_wait3A_1127 = tpu.memref_slice %arg10[%dma_wait3A_1124, %dma_wait3A_1125, %dma_wait3A_1126] : memref<8x8x129xf32, #tpu.memory_space<vmem>> -> memref<8x8x128xf32, #tpu.memory_space<vmem>>
        tpu.wait_dma2 semaphore(%arg18 : memref<!tpu.dma_semaphore, #tpu.memory_space<semaphore_mem>>) src(%dma_wait3A_1127 : memref<8x8x128xf32, #tpu.memory_space<vmem>>) dst(%dma_wait3A_1123 : memref<8x8x128xf32, #tpu.memory_space<hbm>>)
      } else {
      }
      %iota3A = tpu.iota {dimensions = array<i32: 0>} : vector<16xi32>
      %add3A_400 = arith.constant 0 : i32
      %add3A_401 = vector.broadcast %add3A_400 : i32 to vector<16xi32>
      %add3A_402 = arith.addi %add3A_401, %iota3A : vector<16xi32>
      %shift_right_arithmetic3A = arith.constant 3 : i32
      %shift_right_arithmetic3A_403 = vector.broadcast %shift_right_arithmetic3A : i32 to vector<16xi32>
      %shift_right_arithmetic3A_404 = arith.shrsi %add3A_402, %shift_right_arithmetic3A_403 : vector<16xi32>
      %add3A_405 = arith.constant 16 : i32
      %add3A_406 = vector.broadcast %add3A_405 : i32 to vector<16xi32>
      %add3A_407 = arith.addi %add3A_406, %iota3A : vector<16xi32>
      %shift_right_arithmetic3A_408 = arith.constant 3 : i32
      %shift_right_arithmetic3A_409 = vector.broadcast %shift_right_arithmetic3A_408 : i32 to vector<16xi32>
      %shift_right_arithmetic3A_410 = arith.shrsi %add3A_407, %shift_right_arithmetic3A_409 : vector<16xi32>
      %add3A_411 = arith.constant 32 : i32
      %add3A_412 = vector.broadcast %add3A_411 : i32 to vector<16xi32>
      %add3A_413 = arith.addi %add3A_412, %iota3A : vector<16xi32>
      %shift_right_arithmetic3A_414 = arith.constant 3 : i32
      %shift_right_arithmetic3A_415 = vector.broadcast %shift_right_arithmetic3A_414 : i32 to vector<16xi32>
      %shift_right_arithmetic3A_416 = arith.shrsi %add3A_413, %shift_right_arithmetic3A_415 : vector<16xi32>
      %add3A_417 = arith.constant 48 : i32
      %add3A_418 = vector.broadcast %add3A_417 : i32 to vector<16xi32>
      %add3A_419 = arith.addi %add3A_418, %iota3A : vector<16xi32>
      %shift_right_arithmetic3A_420 = arith.constant 3 : i32
      %shift_right_arithmetic3A_421 = vector.broadcast %shift_right_arithmetic3A_420 : i32 to vector<16xi32>
      %shift_right_arithmetic3A_422 = arith.shrsi %add3A_419, %shift_right_arithmetic3A_421 : vector<16xi32>
      %add3A_423 = arith.constant 0 : i32
      %add3A_424 = vector.broadcast %add3A_423 : i32 to vector<16xi32>
      %add3A_425 = arith.addi %add3A_424, %iota3A : vector<16xi32>
      %and3A_426 = arith.constant 7 : i32
      %and3A_427 = vector.broadcast %and3A_426 : i32 to vector<16xi32>
      %and3A_428 = arith.andi %add3A_425, %and3A_427 : vector<16xi32>
      %add3A_429 = arith.constant 16 : i32
      %add3A_430 = vector.broadcast %add3A_429 : i32 to vector<16xi32>
      %add3A_431 = arith.addi %add3A_430, %iota3A : vector<16xi32>
      %and3A_432 = arith.constant 7 : i32
      %and3A_433 = vector.broadcast %and3A_432 : i32 to vector<16xi32>
      %and3A_434 = arith.andi %add3A_431, %and3A_433 : vector<16xi32>
      %add3A_435 = arith.constant 32 : i32
      %add3A_436 = vector.broadcast %add3A_435 : i32 to vector<16xi32>
      %add3A_437 = arith.addi %add3A_436, %iota3A : vector<16xi32>
      %and3A_438 = arith.constant 7 : i32
      %and3A_439 = vector.broadcast %and3A_438 : i32 to vector<16xi32>
      %and3A_440 = arith.andi %add3A_437, %and3A_439 : vector<16xi32>
      %add3A_441 = arith.constant 48 : i32
      %add3A_442 = vector.broadcast %add3A_441 : i32 to vector<16xi32>
      %add3A_443 = arith.addi %add3A_442, %iota3A : vector<16xi32>
      %and3A_444 = arith.constant 7 : i32
      %and3A_445 = vector.broadcast %and3A_444 : i32 to vector<16xi32>
      %and3A_446 = arith.andi %add3A_443, %and3A_445 : vector<16xi32>
      %parallel_loop3A = arith.constant 0 : i32
      %parallel_loop3A_447 = arith.constant 128 : i32
      %parallel_loop3A_448 = arith.constant 1 : i32
      scf.for %parallel_loop3A_1039 = %parallel_loop3A to %parallel_loop3A_447 step %parallel_loop3A_448  : i32 {
        %parallel_loop3A_1040 = arith.constant 0 : i32
        %parallel_loop3A_1041 = vector.broadcast %parallel_loop3A_1040 : i32 to vector<16xi32>
        %parallel_loop3A_1042 = vector.broadcast %parallel_loop3A_1039 : i32 to vector<16xi32>
        %parallel_loop3A_1043 = arith.addi %parallel_loop3A_1041, %parallel_loop3A_1042 : vector<16xi32>
        %parallel_loop3A_1044 = arith.index_cast %parallel_loop3A_1039 : i32 to index
        %parallel_loop3A_1045 = arith.constant 0 : index
        %parallel_loop3A_1046 = tpu.vector_load %arg6[%parallel_loop3A_1044, %parallel_loop3A_1045] {strides = array<i32>} : memref<128x64xf32, #tpu.memory_space<vmem>>, vector<16xf32>,
        tpu.vector_store_idx %arg10[%shift_right_arithmetic3A_404, %and3A_428, %parallel_loop3A_1043], %parallel_loop3A_1046 : memref<8x8x129xf32, #tpu.memory_space<vmem>>[vector<16xi32>, vector<16xi32>, vector<16xi32>], vector<16xf32>,
        %parallel_loop3A_1047 = arith.index_cast %parallel_loop3A_1039 : i32 to index
        %parallel_loop3A_1048 = arith.constant 16 : index
        %parallel_loop3A_1049 = tpu.vector_load %arg6[%parallel_loop3A_1047, %parallel_loop3A_1048] {strides = array<i32>} : memref<128x64xf32, #tpu.memory_space<vmem>>, vector<16xf32>,
        tpu.vector_store_idx %arg10[%shift_right_arithmetic3A_410, %and3A_434, %parallel_loop3A_1043], %parallel_loop3A_1049 : memref<8x8x129xf32, #tpu.memory_space<vmem>>[vector<16xi32>, vector<16xi32>, vector<16xi32>], vector<16xf32>,
        %parallel_loop3A_1050 = arith.index_cast %parallel_loop3A_1039 : i32 to index
        %parallel_loop3A_1051 = arith.constant 32 : index
        %parallel_loop3A_1052 = tpu.vector_load %arg6[%parallel_loop3A_1050, %parallel_loop3A_1051] {strides = array<i32>} : memref<128x64xf32, #tpu.memory_space<vmem>>, vector<16xf32>,
        tpu.vector_store_idx %arg10[%shift_right_arithmetic3A_416, %and3A_440, %parallel_loop3A_1043], %parallel_loop3A_1052 : memref<8x8x129xf32, #tpu.memory_space<vmem>>[vector<16xi32>, vector<16xi32>, vector<16xi32>], vector<16xf32>,
        %parallel_loop3A_1053 = arith.index_cast %parallel_loop3A_1039 : i32 to index
        %parallel_loop3A_1054 = arith.constant 48 : index
        %parallel_loop3A_1055 = tpu.vector_load %arg6[%parallel_loop3A_1053, %parallel_loop3A_1054] {strides = array<i32>} : memref<128x64xf32, #tpu.memory_space<vmem>>, vector<16xf32>,
        tpu.vector_store_idx %arg10[%shift_right_arithmetic3A_422, %and3A_446, %parallel_loop3A_1043], %parallel_loop3A_1055 : memref<8x8x129xf32, #tpu.memory_space<vmem>>[vector<16xi32>, vector<16xi32>, vector<16xi32>], vector<16xf32>,
      } {sc.loop_unroll_factor = 4 : i64, sc.parallel_access}
      %lt3A_449 = arith.constant 49 : i32
      %lt3A_450 = arith.cmpi slt, %scan3A_380, %lt3A_449 : i32
      %convert_element_type3A_451 = arith.extui %lt3A_450 : i1 to i32
      %cond3A_452 = arith.constant 0 : i32
      %cond3A_453 = arith.cmpi ne, %convert_element_type3A_451, %cond3A_452 : i32
      scf.if %cond3A_453 {
        %add3A_1039 = arith.constant 4 : i32
        %add3A_1040 = arith.addi %add3A_384, %add3A_1039 : i32
        %mul3A_1041 = arith.constant 1 : i32
        %mul3A_1042 = arith.muli %add3A_1040, %mul3A_1041 : i32
        %add3A_1043 = arith.constant 0 : i32
        %add3A_1044 = arith.addi %mul3A_1042, %add3A_1043 : i32
        %dma_start3A_1045 = arith.constant 0 : i32
        %dma_start3A_1046 = arith.constant 0 : i32
        %dma_start3A_1047 = tpu.memref_slice %arg6[%dma_start3A_1045, %dma_start3A_1046] : memref<128x64xf32, #tpu.memory_space<vmem>> -> memref<128x64xf32, #tpu.memory_space<vmem>>
        %dma_start3A_1048 = arith.constant 0 : i32
        %dma_start3A_1049 = tpu.memref_slice %arg5[%add3A_1044, %dma_start3A_1048] : memref<200x128xi32, #tpu.memory_space<vmem>> -> memref<1x128xi32, #tpu.memory_space<vmem>>
        %dma_start3A_1050 = tpu.memref_squeeze %dma_start3A_1049 : memref<1x128xi32, #tpu.memory_space<vmem>> -> memref<128xi32, #tpu.memory_space<vmem>>
        %dma_start3A_1051 = arith.constant 0 : i32
        %dma_start3A_1052 = arith.constant 0 : i32
        %dma_start3A_1053 = tpu.memref_slice %arg3[%dma_start3A_1051, %dma_start3A_1052] : memref<102400x64xf32, #tpu.memory_space<hbm>> -> memref<102400x64xf32, #tpu.memory_space<hbm>>
        tpu.enqueue_indirect_dma source(%dma_start3A_1053 : memref<102400x64xf32, #tpu.memory_space<hbm>>) target(%dma_start3A_1047 : memref<128x64xf32, #tpu.memory_space<vmem>>) offsets(%dma_start3A_1050 : memref<128xi32, #tpu.memory_space<vmem>>) semaphore(%arg14 : memref<!tpu.dma_semaphore, #tpu.memory_space<semaphore_mem>>)
      } else {
      }
      %mul3A_454 = arith.constant 128 : i32
      %mul3A_455 = arith.muli %add3A_384, %mul3A_454 : i32
      %add3A_456 = arith.addi %mul3A_2, %mul3A_455 : i32
      %jit3A_457 = arith.constant 4096 : i32
      %div3A_458 = arith.divsi %add3A_456, %jit3A_457 : i32
      %sign3A_459 = arith.constant 0 : i32
      %sign3A_460 = arith.cmpi sgt, %add3A_456, %sign3A_459 : i32
      %sign3A_461 = arith.extui %sign3A_460 : i1 to i32
      %sign3A_462 = arith.constant 0 : i32
      %sign3A_463 = arith.cmpi slt, %add3A_456, %sign3A_462 : i32
      %sign3A_464 = arith.extui %sign3A_463 : i1 to i32
      %sign3A_465 = arith.subi %sign3A_461, %sign3A_464 : i32
      %sign3A_466 = arith.constant 0 : i32
      %sign3A_467 = arith.cmpi sgt, %jit3A_457, %sign3A_466 : i32
      %sign3A_468 = arith.extui %sign3A_467 : i1 to i32
      %sign3A_469 = arith.constant 0 : i32
      %sign3A_470 = arith.cmpi slt, %jit3A_457, %sign3A_469 : i32
      %sign3A_471 = arith.extui %sign3A_470 : i1 to i32
      %sign3A_472 = arith.subi %sign3A_468, %sign3A_471 : i32
      %ne3A_473 = arith.cmpi ne, %sign3A_465, %sign3A_472 : i32
      %rem3A_474 = arith.remsi %add3A_456, %jit3A_457 : i32
      %ne3A_475 = arith.constant 0 : i32
      %ne3A_476 = arith.cmpi ne, %rem3A_474, %ne3A_475 : i32
      %and3A_477 = arith.andi %ne3A_473, %ne3A_476 : i1
      %sub3A_478 = arith.constant 1 : i32
      %sub3A_479 = arith.subi %div3A_458, %sub3A_478 : i32
      %select_n3A_480 = arith.select %and3A_477, %sub3A_479, %div3A_458 : i32
      %jit3A_481 = arith.constant 4096 : i32
      %eq3A_482 = arith.constant 0 : i32
      %eq3A_483 = arith.cmpi eq, %jit3A_481, %eq3A_482 : i32
      %jit3A_484 = arith.constant 1 : i32
      %select_n3A_485 = arith.select %eq3A_483, %jit3A_484, %jit3A_481 : i32
      %rem3A_486 = arith.remsi %add3A_456, %select_n3A_485 : i32
      %ne3A_487 = arith.constant 0 : i32
      %ne3A_488 = arith.cmpi ne, %rem3A_486, %ne3A_487 : i32
      %lt3A_489 = arith.constant 0 : i32
      %lt3A_490 = arith.cmpi slt, %rem3A_486, %lt3A_489 : i32
      %lt3A_491 = arith.constant 0 : i32
      %lt3A_492 = arith.cmpi slt, %select_n3A_485, %lt3A_491 : i32
      %ne3A_493 = arith.xori %lt3A_490, %lt3A_492 : i1
      %and3A_494 = arith.andi %ne3A_493, %ne3A_488 : i1
      %add3A_495 = arith.addi %rem3A_486, %select_n3A_485 : i32
      %select_n3A_496 = arith.select %and3A_494, %add3A_495, %rem3A_486 : i32
      %jit3A_497 = arith.constant 128 : i32
      %div3A_498 = arith.divsi %select_n3A_496, %jit3A_497 : i32
      %sign3A_499 = arith.constant 0 : i32
      %sign3A_500 = arith.cmpi sgt, %select_n3A_496, %sign3A_499 : i32
      %sign3A_501 = arith.extui %sign3A_500 : i1 to i32
      %sign3A_502 = arith.constant 0 : i32
      %sign3A_503 = arith.cmpi slt, %select_n3A_496, %sign3A_502 : i32
      %sign3A_504 = arith.extui %sign3A_503 : i1 to i32
      %sign3A_505 = arith.subi %sign3A_501, %sign3A_504 : i32
      %sign3A_506 = arith.constant 0 : i32
      %sign3A_507 = arith.cmpi sgt, %jit3A_497, %sign3A_506 : i32
      %sign3A_508 = arith.extui %sign3A_507 : i1 to i32
      %sign3A_509 = arith.constant 0 : i32
      %sign3A_510 = arith.cmpi slt, %jit3A_497, %sign3A_509 : i32
      %sign3A_511 = arith.extui %sign3A_510 : i1 to i32
      %sign3A_512 = arith.subi %sign3A_508, %sign3A_511 : i32
      %ne3A_513 = arith.cmpi ne, %sign3A_505, %sign3A_512 : i32
      %rem3A_514 = arith.remsi %select_n3A_496, %jit3A_497 : i32
      %ne3A_515 = arith.constant 0 : i32
      %ne3A_516 = arith.cmpi ne, %rem3A_514, %ne3A_515 : i32
      %and3A_517 = arith.andi %ne3A_513, %ne3A_516 : i1
      %sub3A_518 = arith.constant 1 : i32
      %sub3A_519 = arith.subi %div3A_498, %sub3A_518 : i32
      %select_n3A_520 = arith.select %and3A_517, %sub3A_519, %div3A_498 : i32
      %add3A_521 = arith.constant 0 : i32
      %add3A_522 = arith.addi %select_n3A_520, %add3A_521 : i32
      %dma_start3A_523 = arith.constant 0 : i32
      %dma_start3A_524 = arith.constant 0 : i32
      %dma_start3A_525 = arith.constant 0 : i32
      %dma_start3A_526 = tpu.memref_slice %arg10[%dma_start3A_523, %dma_start3A_524, %dma_start3A_525] : memref<8x8x129xf32, #tpu.memory_space<vmem>> -> memref<8x8x128xf32, #tpu.memory_space<vmem>>
      %dma_start3A_527 = arith.constant 0 : i32
      %dma_start3A_528 = arith.constant 0 : i32
      %dma_start3A_529 = arith.constant 0 : i32
      %dma_start3A_530 = tpu.memref_slice %arg4[%select_n3A_480, %dma_start3A_527, %add3A_522, %dma_start3A_528, %dma_start3A_529] : memref<200x8x32x8x128xf32, #tpu.memory_space<hbm>> -> memref<1x8x1x8x128xf32, #tpu.memory_space<hbm>>
      %dma_start3A_531 = tpu.memref_squeeze %dma_start3A_530 : memref<1x8x1x8x128xf32, #tpu.memory_space<hbm>> -> memref<8x8x128xf32, #tpu.memory_space<hbm>>
      %dma_start3A_532 = arith.constant 0 : i32
      %dma_start3A_533 = arith.constant 0 : i32
      %dma_start3A_534 = arith.constant 0 : i32
      %dma_start3A_535 = tpu.memref_slice %arg4[%select_n3A_480, %dma_start3A_532, %add3A_522, %dma_start3A_533, %dma_start3A_534] : memref<200x8x32x8x128xf32, #tpu.memory_space<hbm>> -> memref<1x8x1x8x128xf32, #tpu.memory_space<hbm>>
      %dma_start3A_536 = tpu.memref_squeeze %dma_start3A_535 : memref<1x8x1x8x128xf32, #tpu.memory_space<hbm>> -> memref<8x8x128xf32, #tpu.memory_space<hbm>>
      %dma_start3A_537 = arith.constant 0 : i32
      %dma_start3A_538 = arith.constant 0 : i32
      %dma_start3A_539 = arith.constant 0 : i32
      %dma_start3A_540 = tpu.memref_slice %arg10[%dma_start3A_537, %dma_start3A_538, %dma_start3A_539] : memref<8x8x129xf32, #tpu.memory_space<vmem>> -> memref<8x8x128xf32, #tpu.memory_space<vmem>>
      tpu.enqueue_dma source(%dma_start3A_540 : memref<8x8x128xf32, #tpu.memory_space<vmem>>) target(%dma_start3A_536 : memref<8x8x128xf32, #tpu.memory_space<hbm>>) target_semaphore(%arg18 : memref<!tpu.dma_semaphore, #tpu.memory_space<semaphore_mem>>)
      %mul3A_541 = arith.constant 4 : i32
      %mul3A_542 = arith.muli %mul3A_541, %scan3A_380 : i32
      %add3A_543 = arith.constant 1 : i32
      %add3A_544 = arith.addi %mul3A_542, %add3A_543 : i32
      %mul3A_545 = arith.constant 1 : i32
      %mul3A_546 = arith.muli %add3A_544, %mul3A_545 : i32
      %add3A_547 = arith.constant 0 : i32
      %add3A_548 = arith.addi %mul3A_546, %add3A_547 : i32
      %dma_wait3A_549 = arith.constant 0 : i32
      %dma_wait3A_550 = arith.constant 0 : i32
      %dma_wait3A_551 = tpu.memref_slice %arg7[%dma_wait3A_549, %dma_wait3A_550] : memref<128x64xf32, #tpu.memory_space<vmem>> -> memref<128x64xf32, #tpu.memory_space<vmem>>
      %dma_wait3A_552 = arith.constant 0 : i32
      %dma_wait3A_553 = tpu.memref_slice %arg5[%add3A_548, %dma_wait3A_552] : memref<200x128xi32, #tpu.memory_space<vmem>> -> memref<1x128xi32, #tpu.memory_space<vmem>>
      %dma_wait3A_554 = tpu.memref_squeeze %dma_wait3A_553 : memref<1x128xi32, #tpu.memory_space<vmem>> -> memref<128xi32, #tpu.memory_space<vmem>>
      %dma_wait3A_555 = arith.constant 0 : i32
      %dma_wait3A_556 = arith.constant 0 : i32
      %dma_wait3A_557 = tpu.memref_slice %arg3[%dma_wait3A_555, %dma_wait3A_556] : memref<102400x64xf32, #tpu.memory_space<hbm>> -> memref<102400x64xf32, #tpu.memory_space<hbm>>
      tpu.wait_indirect_dma semaphore(%arg15 : memref<!tpu.dma_semaphore, #tpu.memory_space<semaphore_mem>>) src(%dma_wait3A_557 : memref<102400x64xf32, #tpu.memory_space<hbm>>) dst(%dma_wait3A_551 : memref<128x64xf32, #tpu.memory_space<vmem>>)
      %ge3A_558 = arith.constant 1 : i32
      %ge3A_559 = arith.cmpi sge, %scan3A_380, %ge3A_558 : i32
      %convert_element_type3A_560 = arith.extui %ge3A_559 : i1 to i32
      %cond3A_561 = arith.constant 0 : i32
      %cond3A_562 = arith.cmpi ne, %convert_element_type3A_560, %cond3A_561 : i32
      scf.if %cond3A_562 {
        %sub3A_1039 = arith.constant 4 : i32
        %sub3A_1040 = arith.subi %add3A_544, %sub3A_1039 : i32
        %mul3A_1041 = arith.constant 128 : i32
        %mul3A_1042 = arith.muli %sub3A_1040, %mul3A_1041 : i32
        %add3A_1043 = arith.addi %mul3A_2, %mul3A_1042 : i32
        %jit3A_1044 = arith.constant 4096 : i32
        %div3A_1045 = arith.divsi %add3A_1043, %jit3A_1044 : i32
        %sign3A_1046 = arith.constant 0 : i32
        %sign3A_1047 = arith.cmpi sgt, %add3A_1043, %sign3A_1046 : i32
        %sign3A_1048 = arith.extui %sign3A_1047 : i1 to i32
        %sign3A_1049 = arith.constant 0 : i32
        %sign3A_1050 = arith.cmpi slt, %add3A_1043, %sign3A_1049 : i32
        %sign3A_1051 = arith.extui %sign3A_1050 : i1 to i32
        %sign3A_1052 = arith.subi %sign3A_1048, %sign3A_1051 : i32
        %sign3A_1053 = arith.constant 0 : i32
        %sign3A_1054 = arith.cmpi sgt, %jit3A_1044, %sign3A_1053 : i32
        %sign3A_1055 = arith.extui %sign3A_1054 : i1 to i32
        %sign3A_1056 = arith.constant 0 : i32
        %sign3A_1057 = arith.cmpi slt, %jit3A_1044, %sign3A_1056 : i32
        %sign3A_1058 = arith.extui %sign3A_1057 : i1 to i32
        %sign3A_1059 = arith.subi %sign3A_1055, %sign3A_1058 : i32
        %ne3A_1060 = arith.cmpi ne, %sign3A_1052, %sign3A_1059 : i32
        %rem3A_1061 = arith.remsi %add3A_1043, %jit3A_1044 : i32
        %ne3A_1062 = arith.constant 0 : i32
        %ne3A_1063 = arith.cmpi ne, %rem3A_1061, %ne3A_1062 : i32
        %and3A_1064 = arith.andi %ne3A_1060, %ne3A_1063 : i1
        %sub3A_1065 = arith.constant 1 : i32
        %sub3A_1066 = arith.subi %div3A_1045, %sub3A_1065 : i32
        %select_n3A_1067 = arith.select %and3A_1064, %sub3A_1066, %div3A_1045 : i32
        %jit3A_1068 = arith.constant 4096 : i32
        %eq3A_1069 = arith.constant 0 : i32
        %eq3A_1070 = arith.cmpi eq, %jit3A_1068, %eq3A_1069 : i32
        %jit3A_1071 = arith.constant 1 : i32
        %select_n3A_1072 = arith.select %eq3A_1070, %jit3A_1071, %jit3A_1068 : i32
        %rem3A_1073 = arith.remsi %add3A_1043, %select_n3A_1072 : i32
        %ne3A_1074 = arith.constant 0 : i32
        %ne3A_1075 = arith.cmpi ne, %rem3A_1073, %ne3A_1074 : i32
        %lt3A_1076 = arith.constant 0 : i32
        %lt3A_1077 = arith.cmpi slt, %rem3A_1073, %lt3A_1076 : i32
        %lt3A_1078 = arith.constant 0 : i32
        %lt3A_1079 = arith.cmpi slt, %select_n3A_1072, %lt3A_1078 : i32
        %ne3A_1080 = arith.xori %lt3A_1077, %lt3A_1079 : i1
        %and3A_1081 = arith.andi %ne3A_1080, %ne3A_1075 : i1
        %add3A_1082 = arith.addi %rem3A_1073, %select_n3A_1072 : i32
        %select_n3A_1083 = arith.select %and3A_1081, %add3A_1082, %rem3A_1073 : i32
        %jit3A_1084 = arith.constant 128 : i32
        %div3A_1085 = arith.divsi %select_n3A_1083, %jit3A_1084 : i32
        %sign3A_1086 = arith.constant 0 : i32
        %sign3A_1087 = arith.cmpi sgt, %select_n3A_1083, %sign3A_1086 : i32
        %sign3A_1088 = arith.extui %sign3A_1087 : i1 to i32
        %sign3A_1089 = arith.constant 0 : i32
        %sign3A_1090 = arith.cmpi slt, %select_n3A_1083, %sign3A_1089 : i32
        %sign3A_1091 = arith.extui %sign3A_1090 : i1 to i32
        %sign3A_1092 = arith.subi %sign3A_1088, %sign3A_1091 : i32
        %sign3A_1093 = arith.constant 0 : i32
        %sign3A_1094 = arith.cmpi sgt, %jit3A_1084, %sign3A_1093 : i32
        %sign3A_1095 = arith.extui %sign3A_1094 : i1 to i32
        %sign3A_1096 = arith.constant 0 : i32
        %sign3A_1097 = arith.cmpi slt, %jit3A_1084, %sign3A_1096 : i32
        %sign3A_1098 = arith.extui %sign3A_1097 : i1 to i32
        %sign3A_1099 = arith.subi %sign3A_1095, %sign3A_1098 : i32
        %ne3A_1100 = arith.cmpi ne, %sign3A_1092, %sign3A_1099 : i32
        %rem3A_1101 = arith.remsi %select_n3A_1083, %jit3A_1084 : i32
        %ne3A_1102 = arith.constant 0 : i32
        %ne3A_1103 = arith.cmpi ne, %rem3A_1101, %ne3A_1102 : i32
        %and3A_1104 = arith.andi %ne3A_1100, %ne3A_1103 : i1
        %sub3A_1105 = arith.constant 1 : i32
        %sub3A_1106 = arith.subi %div3A_1085, %sub3A_1105 : i32
        %select_n3A_1107 = arith.select %and3A_1104, %sub3A_1106, %div3A_1085 : i32
        %add3A_1108 = arith.constant 0 : i32
        %add3A_1109 = arith.addi %select_n3A_1107, %add3A_1108 : i32
        %dma_wait3A_1110 = arith.constant 0 : i32
        %dma_wait3A_1111 = arith.constant 0 : i32
        %dma_wait3A_1112 = arith.constant 0 : i32
        %dma_wait3A_1113 = tpu.memref_slice %arg11[%dma_wait3A_1110, %dma_wait3A_1111, %dma_wait3A_1112] : memref<8x8x129xf32, #tpu.memory_space<vmem>> -> memref<8x8x128xf32, #tpu.memory_space<vmem>>
        %dma_wait3A_1114 = arith.constant 0 : i32
        %dma_wait3A_1115 = arith.constant 0 : i32
        %dma_wait3A_1116 = arith.constant 0 : i32
        %dma_wait3A_1117 = tpu.memref_slice %arg4[%select_n3A_1067, %dma_wait3A_1114, %add3A_1109, %dma_wait3A_1115, %dma_wait3A_1116] : memref<200x8x32x8x128xf32, #tpu.memory_space<hbm>> -> memref<1x8x1x8x128xf32, #tpu.memory_space<hbm>>
        %dma_wait3A_1118 = tpu.memref_squeeze %dma_wait3A_1117 : memref<1x8x1x8x128xf32, #tpu.memory_space<hbm>> -> memref<8x8x128xf32, #tpu.memory_space<hbm>>
        %dma_wait3A_1119 = arith.constant 0 : i32
        %dma_wait3A_1120 = arith.constant 0 : i32
        %dma_wait3A_1121 = arith.constant 0 : i32
        %dma_wait3A_1122 = tpu.memref_slice %arg4[%select_n3A_1067, %dma_wait3A_1119, %add3A_1109, %dma_wait3A_1120, %dma_wait3A_1121] : memref<200x8x32x8x128xf32, #tpu.memory_space<hbm>> -> memref<1x8x1x8x128xf32, #tpu.memory_space<hbm>>
        %dma_wait3A_1123 = tpu.memref_squeeze %dma_wait3A_1122 : memref<1x8x1x8x128xf32, #tpu.memory_space<hbm>> -> memref<8x8x128xf32, #tpu.memory_space<hbm>>
        %dma_wait3A_1124 = arith.constant 0 : i32
        %dma_wait3A_1125 = arith.constant 0 : i32
        %dma_wait3A_1126 = arith.constant 0 : i32
        %dma_wait3A_1127 = tpu.memref_slice %arg11[%dma_wait3A_1124, %dma_wait3A_1125, %dma_wait3A_1126] : memref<8x8x129xf32, #tpu.memory_space<vmem>> -> memref<8x8x128xf32, #tpu.memory_space<vmem>>
        tpu.wait_dma2 semaphore(%arg19 : memref<!tpu.dma_semaphore, #tpu.memory_space<semaphore_mem>>) src(%dma_wait3A_1127 : memref<8x8x128xf32, #tpu.memory_space<vmem>>) dst(%dma_wait3A_1123 : memref<8x8x128xf32, #tpu.memory_space<hbm>>)
      } else {
      }
      %iota3A_563 = tpu.iota {dimensions = array<i32: 0>} : vector<16xi32>
      %add3A_564 = arith.constant 0 : i32
      %add3A_565 = vector.broadcast %add3A_564 : i32 to vector<16xi32>
      %add3A_566 = arith.addi %add3A_565, %iota3A_563 : vector<16xi32>
      %shift_right_arithmetic3A_567 = arith.constant 3 : i32
      %shift_right_arithmetic3A_568 = vector.broadcast %shift_right_arithmetic3A_567 : i32 to vector<16xi32>
      %shift_right_arithmetic3A_569 = arith.shrsi %add3A_566, %shift_right_arithmetic3A_568 : vector<16xi32>
      %add3A_570 = arith.constant 16 : i32
      %add3A_571 = vector.broadcast %add3A_570 : i32 to vector<16xi32>
      %add3A_572 = arith.addi %add3A_571, %iota3A_563 : vector<16xi32>
      %shift_right_arithmetic3A_573 = arith.constant 3 : i32
      %shift_right_arithmetic3A_574 = vector.broadcast %shift_right_arithmetic3A_573 : i32 to vector<16xi32>
      %shift_right_arithmetic3A_575 = arith.shrsi %add3A_572, %shift_right_arithmetic3A_574 : vector<16xi32>
      %add3A_576 = arith.constant 32 : i32
      %add3A_577 = vector.broadcast %add3A_576 : i32 to vector<16xi32>
      %add3A_578 = arith.addi %add3A_577, %iota3A_563 : vector<16xi32>
      %shift_right_arithmetic3A_579 = arith.constant 3 : i32
      %shift_right_arithmetic3A_580 = vector.broadcast %shift_right_arithmetic3A_579 : i32 to vector<16xi32>
      %shift_right_arithmetic3A_581 = arith.shrsi %add3A_578, %shift_right_arithmetic3A_580 : vector<16xi32>
      %add3A_582 = arith.constant 48 : i32
      %add3A_583 = vector.broadcast %add3A_582 : i32 to vector<16xi32>
      %add3A_584 = arith.addi %add3A_583, %iota3A_563 : vector<16xi32>
      %shift_right_arithmetic3A_585 = arith.constant 3 : i32
      %shift_right_arithmetic3A_586 = vector.broadcast %shift_right_arithmetic3A_585 : i32 to vector<16xi32>
      %shift_right_arithmetic3A_587 = arith.shrsi %add3A_584, %shift_right_arithmetic3A_586 : vector<16xi32>
      %add3A_588 = arith.constant 0 : i32
      %add3A_589 = vector.broadcast %add3A_588 : i32 to vector<16xi32>
      %add3A_590 = arith.addi %add3A_589, %iota3A_563 : vector<16xi32>
      %and3A_591 = arith.constant 7 : i32
      %and3A_592 = vector.broadcast %and3A_591 : i32 to vector<16xi32>
      %and3A_593 = arith.andi %add3A_590, %and3A_592 : vector<16xi32>
      %add3A_594 = arith.constant 16 : i32
      %add3A_595 = vector.broadcast %add3A_594 : i32 to vector<16xi32>
      %add3A_596 = arith.addi %add3A_595, %iota3A_563 : vector<16xi32>
      %and3A_597 = arith.constant 7 : i32
      %and3A_598 = vector.broadcast %and3A_597 : i32 to vector<16xi32>
      %and3A_599 = arith.andi %add3A_596, %and3A_598 : vector<16xi32>
      %add3A_600 = arith.constant 32 : i32
      %add3A_601 = vector.broadcast %add3A_600 : i32 to vector<16xi32>
      %add3A_602 = arith.addi %add3A_601, %iota3A_563 : vector<16xi32>
      %and3A_603 = arith.constant 7 : i32
      %and3A_604 = vector.broadcast %and3A_603 : i32 to vector<16xi32>
      %and3A_605 = arith.andi %add3A_602, %and3A_604 : vector<16xi32>
      %add3A_606 = arith.constant 48 : i32
      %add3A_607 = vector.broadcast %add3A_606 : i32 to vector<16xi32>
      %add3A_608 = arith.addi %add3A_607, %iota3A_563 : vector<16xi32>
      %and3A_609 = arith.constant 7 : i32
      %and3A_610 = vector.broadcast %and3A_609 : i32 to vector<16xi32>
      %and3A_611 = arith.andi %add3A_608, %and3A_610 : vector<16xi32>
      %parallel_loop3A_612 = arith.constant 0 : i32
      %parallel_loop3A_613 = arith.constant 128 : i32
      %parallel_loop3A_614 = arith.constant 1 : i32
      scf.for %parallel_loop3A_1039 = %parallel_loop3A_612 to %parallel_loop3A_613 step %parallel_loop3A_614  : i32 {
        %parallel_loop3A_1040 = arith.constant 0 : i32
        %parallel_loop3A_1041 = vector.broadcast %parallel_loop3A_1040 : i32 to vector<16xi32>
        %parallel_loop3A_1042 = vector.broadcast %parallel_loop3A_1039 : i32 to vector<16xi32>
        %parallel_loop3A_1043 = arith.addi %parallel_loop3A_1041, %parallel_loop3A_1042 : vector<16xi32>
        %parallel_loop3A_1044 = arith.index_cast %parallel_loop3A_1039 : i32 to index
        %parallel_loop3A_1045 = arith.constant 0 : index
        %parallel_loop3A_1046 = tpu.vector_load %arg7[%parallel_loop3A_1044, %parallel_loop3A_1045] {strides = array<i32>} : memref<128x64xf32, #tpu.memory_space<vmem>>, vector<16xf32>,
        tpu.vector_store_idx %arg11[%shift_right_arithmetic3A_569, %and3A_593, %parallel_loop3A_1043], %parallel_loop3A_1046 : memref<8x8x129xf32, #tpu.memory_space<vmem>>[vector<16xi32>, vector<16xi32>, vector<16xi32>], vector<16xf32>,
        %parallel_loop3A_1047 = arith.index_cast %parallel_loop3A_1039 : i32 to index
        %parallel_loop3A_1048 = arith.constant 16 : index
        %parallel_loop3A_1049 = tpu.vector_load %arg7[%parallel_loop3A_1047, %parallel_loop3A_1048] {strides = array<i32>} : memref<128x64xf32, #tpu.memory_space<vmem>>, vector<16xf32>,
        tpu.vector_store_idx %arg11[%shift_right_arithmetic3A_575, %and3A_599, %parallel_loop3A_1043], %parallel_loop3A_1049 : memref<8x8x129xf32, #tpu.memory_space<vmem>>[vector<16xi32>, vector<16xi32>, vector<16xi32>], vector<16xf32>,
        %parallel_loop3A_1050 = arith.index_cast %parallel_loop3A_1039 : i32 to index
        %parallel_loop3A_1051 = arith.constant 32 : index
        %parallel_loop3A_1052 = tpu.vector_load %arg7[%parallel_loop3A_1050, %parallel_loop3A_1051] {strides = array<i32>} : memref<128x64xf32, #tpu.memory_space<vmem>>, vector<16xf32>,
        tpu.vector_store_idx %arg11[%shift_right_arithmetic3A_581, %and3A_605, %parallel_loop3A_1043], %parallel_loop3A_1052 : memref<8x8x129xf32, #tpu.memory_space<vmem>>[vector<16xi32>, vector<16xi32>, vector<16xi32>], vector<16xf32>,
        %parallel_loop3A_1053 = arith.index_cast %parallel_loop3A_1039 : i32 to index
        %parallel_loop3A_1054 = arith.constant 48 : index
        %parallel_loop3A_1055 = tpu.vector_load %arg7[%parallel_loop3A_1053, %parallel_loop3A_1054] {strides = array<i32>} : memref<128x64xf32, #tpu.memory_space<vmem>>, vector<16xf32>,
        tpu.vector_store_idx %arg11[%shift_right_arithmetic3A_587, %and3A_611, %parallel_loop3A_1043], %parallel_loop3A_1055 : memref<8x8x129xf32, #tpu.memory_space<vmem>>[vector<16xi32>, vector<16xi32>, vector<16xi32>], vector<16xf32>,
      } {sc.loop_unroll_factor = 4 : i64, sc.parallel_access}
      %lt3A_615 = arith.constant 49 : i32
      %lt3A_616 = arith.cmpi slt, %scan3A_380, %lt3A_615 : i32
      %convert_element_type3A_617 = arith.extui %lt3A_616 : i1 to i32
      %cond3A_618 = arith.constant 0 : i32
      %cond3A_619 = arith.cmpi ne, %convert_element_type3A_617, %cond3A_618 : i32
      scf.if %cond3A_619 {
        %add3A_1039 = arith.constant 4 : i32
        %add3A_1040 = arith.addi %add3A_544, %add3A_1039 : i32
        %mul3A_1041 = arith.constant 1 : i32
        %mul3A_1042 = arith.muli %add3A_1040, %mul3A_1041 : i32
        %add3A_1043 = arith.constant 0 : i32
        %add3A_1044 = arith.addi %mul3A_1042, %add3A_1043 : i32
        %dma_start3A_1045 = arith.constant 0 : i32
        %dma_start3A_1046 = arith.constant 0 : i32
        %dma_start3A_1047 = tpu.memref_slice %arg7[%dma_start3A_1045, %dma_start3A_1046] : memref<128x64xf32, #tpu.memory_space<vmem>> -> memref<128x64xf32, #tpu.memory_space<vmem>>
        %dma_start3A_1048 = arith.constant 0 : i32
        %dma_start3A_1049 = tpu.memref_slice %arg5[%add3A_1044, %dma_start3A_1048] : memref<200x128xi32, #tpu.memory_space<vmem>> -> memref<1x128xi32, #tpu.memory_space<vmem>>
        %dma_start3A_1050 = tpu.memref_squeeze %dma_start3A_1049 : memref<1x128xi32, #tpu.memory_space<vmem>> -> memref<128xi32, #tpu.memory_space<vmem>>
        %dma_start3A_1051 = arith.constant 0 : i32
        %dma_start3A_1052 = arith.constant 0 : i32
        %dma_start3A_1053 = tpu.memref_slice %arg3[%dma_start3A_1051, %dma_start3A_1052] : memref<102400x64xf32, #tpu.memory_space<hbm>> -> memref<102400x64xf32, #tpu.memory_space<hbm>>
        tpu.enqueue_indirect_dma source(%dma_start3A_1053 : memref<102400x64xf32, #tpu.memory_space<hbm>>) target(%dma_start3A_1047 : memref<128x64xf32, #tpu.memory_space<vmem>>) offsets(%dma_start3A_1050 : memref<128xi32, #tpu.memory_space<vmem>>) semaphore(%arg15 : memref<!tpu.dma_semaphore, #tpu.memory_space<semaphore_mem>>)
      } else {
      }
      %mul3A_620 = arith.constant 128 : i32
      %mul3A_621 = arith.muli %add3A_544, %mul3A_620 : i32
      %add3A_622 = arith.addi %mul3A_2, %mul3A_621 : i32
      %jit3A_623 = arith.constant 4096 : i32
      %div3A_624 = arith.divsi %add3A_622, %jit3A_623 : i32
      %sign3A_625 = arith.constant 0 : i32
      %sign3A_626 = arith.cmpi sgt, %add3A_622, %sign3A_625 : i32
      %sign3A_627 = arith.extui %sign3A_626 : i1 to i32
      %sign3A_628 = arith.constant 0 : i32
      %sign3A_629 = arith.cmpi slt, %add3A_622, %sign3A_628 : i32
      %sign3A_630 = arith.extui %sign3A_629 : i1 to i32
      %sign3A_631 = arith.subi %sign3A_627, %sign3A_630 : i32
      %sign3A_632 = arith.constant 0 : i32
      %sign3A_633 = arith.cmpi sgt, %jit3A_623, %sign3A_632 : i32
      %sign3A_634 = arith.extui %sign3A_633 : i1 to i32
      %sign3A_635 = arith.constant 0 : i32
      %sign3A_636 = arith.cmpi slt, %jit3A_623, %sign3A_635 : i32
      %sign3A_637 = arith.extui %sign3A_636 : i1 to i32
      %sign3A_638 = arith.subi %sign3A_634, %sign3A_637 : i32
      %ne3A_639 = arith.cmpi ne, %sign3A_631, %sign3A_638 : i32
      %rem3A_640 = arith.remsi %add3A_622, %jit3A_623 : i32
      %ne3A_641 = arith.constant 0 : i32
      %ne3A_642 = arith.cmpi ne, %rem3A_640, %ne3A_641 : i32
      %and3A_643 = arith.andi %ne3A_639, %ne3A_642 : i1
      %sub3A_644 = arith.constant 1 : i32
      %sub3A_645 = arith.subi %div3A_624, %sub3A_644 : i32
      %select_n3A_646 = arith.select %and3A_643, %sub3A_645, %div3A_624 : i32
      %jit3A_647 = arith.constant 4096 : i32
      %eq3A_648 = arith.constant 0 : i32
      %eq3A_649 = arith.cmpi eq, %jit3A_647, %eq3A_648 : i32
      %jit3A_650 = arith.constant 1 : i32
      %select_n3A_651 = arith.select %eq3A_649, %jit3A_650, %jit3A_647 : i32
      %rem3A_652 = arith.remsi %add3A_622, %select_n3A_651 : i32
      %ne3A_653 = arith.constant 0 : i32
      %ne3A_654 = arith.cmpi ne, %rem3A_652, %ne3A_653 : i32
      %lt3A_655 = arith.constant 0 : i32
      %lt3A_656 = arith.cmpi slt, %rem3A_652, %lt3A_655 : i32
      %lt3A_657 = arith.constant 0 : i32
      %lt3A_658 = arith.cmpi slt, %select_n3A_651, %lt3A_657 : i32
      %ne3A_659 = arith.xori %lt3A_656, %lt3A_658 : i1
      %and3A_660 = arith.andi %ne3A_659, %ne3A_654 : i1
      %add3A_661 = arith.addi %rem3A_652, %select_n3A_651 : i32
      %select_n3A_662 = arith.select %and3A_660, %add3A_661, %rem3A_652 : i32
      %jit3A_663 = arith.constant 128 : i32
      %div3A_664 = arith.divsi %select_n3A_662, %jit3A_663 : i32
      %sign3A_665 = arith.constant 0 : i32
      %sign3A_666 = arith.cmpi sgt, %select_n3A_662, %sign3A_665 : i32
      %sign3A_667 = arith.extui %sign3A_666 : i1 to i32
      %sign3A_668 = arith.constant 0 : i32
      %sign3A_669 = arith.cmpi slt, %select_n3A_662, %sign3A_668 : i32
      %sign3A_670 = arith.extui %sign3A_669 : i1 to i32
      %sign3A_671 = arith.subi %sign3A_667, %sign3A_670 : i32
      %sign3A_672 = arith.constant 0 : i32
      %sign3A_673 = arith.cmpi sgt, %jit3A_663, %sign3A_672 : i32
      %sign3A_674 = arith.extui %sign3A_673 : i1 to i32
      %sign3A_675 = arith.constant 0 : i32
      %sign3A_676 = arith.cmpi slt, %jit3A_663, %sign3A_675 : i32
      %sign3A_677 = arith.extui %sign3A_676 : i1 to i32
      %sign3A_678 = arith.subi %sign3A_674, %sign3A_677 : i32
      %ne3A_679 = arith.cmpi ne, %sign3A_671, %sign3A_678 : i32
      %rem3A_680 = arith.remsi %select_n3A_662, %jit3A_663 : i32
      %ne3A_681 = arith.constant 0 : i32
      %ne3A_682 = arith.cmpi ne, %rem3A_680, %ne3A_681 : i32
      %and3A_683 = arith.andi %ne3A_679, %ne3A_682 : i1
      %sub3A_684 = arith.constant 1 : i32
      %sub3A_685 = arith.subi %div3A_664, %sub3A_684 : i32
      %select_n3A_686 = arith.select %and3A_683, %sub3A_685, %div3A_664 : i32
      %add3A_687 = arith.constant 0 : i32
      %add3A_688 = arith.addi %select_n3A_686, %add3A_687 : i32
      %dma_start3A_689 = arith.constant 0 : i32
      %dma_start3A_690 = arith.constant 0 : i32
      %dma_start3A_691 = arith.constant 0 : i32
      %dma_start3A_692 = tpu.memref_slice %arg11[%dma_start3A_689, %dma_start3A_690, %dma_start3A_691] : memref<8x8x129xf32, #tpu.memory_space<vmem>> -> memref<8x8x128xf32, #tpu.memory_space<vmem>>
      %dma_start3A_693 = arith.constant 0 : i32
      %dma_start3A_694 = arith.constant 0 : i32
      %dma_start3A_695 = arith.constant 0 : i32
      %dma_start3A_696 = tpu.memref_slice %arg4[%select_n3A_646, %dma_start3A_693, %add3A_688, %dma_start3A_694, %dma_start3A_695] : memref<200x8x32x8x128xf32, #tpu.memory_space<hbm>> -> memref<1x8x1x8x128xf32, #tpu.memory_space<hbm>>
      %dma_start3A_697 = tpu.memref_squeeze %dma_start3A_696 : memref<1x8x1x8x128xf32, #tpu.memory_space<hbm>> -> memref<8x8x128xf32, #tpu.memory_space<hbm>>
      %dma_start3A_698 = arith.constant 0 : i32
      %dma_start3A_699 = arith.constant 0 : i32
      %dma_start3A_700 = arith.constant 0 : i32
      %dma_start3A_701 = tpu.memref_slice %arg4[%select_n3A_646, %dma_start3A_698, %add3A_688, %dma_start3A_699, %dma_start3A_700] : memref<200x8x32x8x128xf32, #tpu.memory_space<hbm>> -> memref<1x8x1x8x128xf32, #tpu.memory_space<hbm>>
      %dma_start3A_702 = tpu.memref_squeeze %dma_start3A_701 : memref<1x8x1x8x128xf32, #tpu.memory_space<hbm>> -> memref<8x8x128xf32, #tpu.memory_space<hbm>>
      %dma_start3A_703 = arith.constant 0 : i32
      %dma_start3A_704 = arith.constant 0 : i32
      %dma_start3A_705 = arith.constant 0 : i32
      %dma_start3A_706 = tpu.memref_slice %arg11[%dma_start3A_703, %dma_start3A_704, %dma_start3A_705] : memref<8x8x129xf32, #tpu.memory_space<vmem>> -> memref<8x8x128xf32, #tpu.memory_space<vmem>>
      tpu.enqueue_dma source(%dma_start3A_706 : memref<8x8x128xf32, #tpu.memory_space<vmem>>) target(%dma_start3A_702 : memref<8x8x128xf32, #tpu.memory_space<hbm>>) target_semaphore(%arg19 : memref<!tpu.dma_semaphore, #tpu.memory_space<semaphore_mem>>)
      %mul3A_707 = arith.constant 4 : i32
      %mul3A_708 = arith.muli %mul3A_707, %scan3A_380 : i32
      %add3A_709 = arith.constant 2 : i32
      %add3A_710 = arith.addi %mul3A_708, %add3A_709 : i32
      %mul3A_711 = arith.constant 1 : i32
      %mul3A_712 = arith.muli %add3A_710, %mul3A_711 : i32
      %add3A_713 = arith.constant 0 : i32
      %add3A_714 = arith.addi %mul3A_712, %add3A_713 : i32
      %dma_wait3A_715 = arith.constant 0 : i32
      %dma_wait3A_716 = arith.constant 0 : i32
      %dma_wait3A_717 = tpu.memref_slice %arg8[%dma_wait3A_715, %dma_wait3A_716] : memref<128x64xf32, #tpu.memory_space<vmem>> -> memref<128x64xf32, #tpu.memory_space<vmem>>
      %dma_wait3A_718 = arith.constant 0 : i32
      %dma_wait3A_719 = tpu.memref_slice %arg5[%add3A_714, %dma_wait3A_718] : memref<200x128xi32, #tpu.memory_space<vmem>> -> memref<1x128xi32, #tpu.memory_space<vmem>>
      %dma_wait3A_720 = tpu.memref_squeeze %dma_wait3A_719 : memref<1x128xi32, #tpu.memory_space<vmem>> -> memref<128xi32, #tpu.memory_space<vmem>>
      %dma_wait3A_721 = arith.constant 0 : i32
      %dma_wait3A_722 = arith.constant 0 : i32
      %dma_wait3A_723 = tpu.memref_slice %arg3[%dma_wait3A_721, %dma_wait3A_722] : memref<102400x64xf32, #tpu.memory_space<hbm>> -> memref<102400x64xf32, #tpu.memory_space<hbm>>
      tpu.wait_indirect_dma semaphore(%arg16 : memref<!tpu.dma_semaphore, #tpu.memory_space<semaphore_mem>>) src(%dma_wait3A_723 : memref<102400x64xf32, #tpu.memory_space<hbm>>) dst(%dma_wait3A_717 : memref<128x64xf32, #tpu.memory_space<vmem>>)
      %ge3A_724 = arith.constant 1 : i32
      %ge3A_725 = arith.cmpi sge, %scan3A_380, %ge3A_724 : i32
      %convert_element_type3A_726 = arith.extui %ge3A_725 : i1 to i32
      %cond3A_727 = arith.constant 0 : i32
      %cond3A_728 = arith.cmpi ne, %convert_element_type3A_726, %cond3A_727 : i32
      scf.if %cond3A_728 {
        %sub3A_1039 = arith.constant 4 : i32
        %sub3A_1040 = arith.subi %add3A_710, %sub3A_1039 : i32
        %mul3A_1041 = arith.constant 128 : i32
        %mul3A_1042 = arith.muli %sub3A_1040, %mul3A_1041 : i32
        %add3A_1043 = arith.addi %mul3A_2, %mul3A_1042 : i32
        %jit3A_1044 = arith.constant 4096 : i32
        %div3A_1045 = arith.divsi %add3A_1043, %jit3A_1044 : i32
        %sign3A_1046 = arith.constant 0 : i32
        %sign3A_1047 = arith.cmpi sgt, %add3A_1043, %sign3A_1046 : i32
        %sign3A_1048 = arith.extui %sign3A_1047 : i1 to i32
        %sign3A_1049 = arith.constant 0 : i32
        %sign3A_1050 = arith.cmpi slt, %add3A_1043, %sign3A_1049 : i32
        %sign3A_1051 = arith.extui %sign3A_1050 : i1 to i32
        %sign3A_1052 = arith.subi %sign3A_1048, %sign3A_1051 : i32
        %sign3A_1053 = arith.constant 0 : i32
        %sign3A_1054 = arith.cmpi sgt, %jit3A_1044, %sign3A_1053 : i32
        %sign3A_1055 = arith.extui %sign3A_1054 : i1 to i32
        %sign3A_1056 = arith.constant 0 : i32
        %sign3A_1057 = arith.cmpi slt, %jit3A_1044, %sign3A_1056 : i32
        %sign3A_1058 = arith.extui %sign3A_1057 : i1 to i32
        %sign3A_1059 = arith.subi %sign3A_1055, %sign3A_1058 : i32
        %ne3A_1060 = arith.cmpi ne, %sign3A_1052, %sign3A_1059 : i32
        %rem3A_1061 = arith.remsi %add3A_1043, %jit3A_1044 : i32
        %ne3A_1062 = arith.constant 0 : i32
        %ne3A_1063 = arith.cmpi ne, %rem3A_1061, %ne3A_1062 : i32
        %and3A_1064 = arith.andi %ne3A_1060, %ne3A_1063 : i1
        %sub3A_1065 = arith.constant 1 : i32
        %sub3A_1066 = arith.subi %div3A_1045, %sub3A_1065 : i32
        %select_n3A_1067 = arith.select %and3A_1064, %sub3A_1066, %div3A_1045 : i32
        %jit3A_1068 = arith.constant 4096 : i32
        %eq3A_1069 = arith.constant 0 : i32
        %eq3A_1070 = arith.cmpi eq, %jit3A_1068, %eq3A_1069 : i32
        %jit3A_1071 = arith.constant 1 : i32
        %select_n3A_1072 = arith.select %eq3A_1070, %jit3A_1071, %jit3A_1068 : i32
        %rem3A_1073 = arith.remsi %add3A_1043, %select_n3A_1072 : i32
        %ne3A_1074 = arith.constant 0 : i32
        %ne3A_1075 = arith.cmpi ne, %rem3A_1073, %ne3A_1074 : i32
        %lt3A_1076 = arith.constant 0 : i32
        %lt3A_1077 = arith.cmpi slt, %rem3A_1073, %lt3A_1076 : i32
        %lt3A_1078 = arith.constant 0 : i32
        %lt3A_1079 = arith.cmpi slt, %select_n3A_1072, %lt3A_1078 : i32
        %ne3A_1080 = arith.xori %lt3A_1077, %lt3A_1079 : i1
        %and3A_1081 = arith.andi %ne3A_1080, %ne3A_1075 : i1
        %add3A_1082 = arith.addi %rem3A_1073, %select_n3A_1072 : i32
        %select_n3A_1083 = arith.select %and3A_1081, %add3A_1082, %rem3A_1073 : i32
        %jit3A_1084 = arith.constant 128 : i32
        %div3A_1085 = arith.divsi %select_n3A_1083, %jit3A_1084 : i32
        %sign3A_1086 = arith.constant 0 : i32
        %sign3A_1087 = arith.cmpi sgt, %select_n3A_1083, %sign3A_1086 : i32
        %sign3A_1088 = arith.extui %sign3A_1087 : i1 to i32
        %sign3A_1089 = arith.constant 0 : i32
        %sign3A_1090 = arith.cmpi slt, %select_n3A_1083, %sign3A_1089 : i32
        %sign3A_1091 = arith.extui %sign3A_1090 : i1 to i32
        %sign3A_1092 = arith.subi %sign3A_1088, %sign3A_1091 : i32
        %sign3A_1093 = arith.constant 0 : i32
        %sign3A_1094 = arith.cmpi sgt, %jit3A_1084, %sign3A_1093 : i32
        %sign3A_1095 = arith.extui %sign3A_1094 : i1 to i32
        %sign3A_1096 = arith.constant 0 : i32
        %sign3A_1097 = arith.cmpi slt, %jit3A_1084, %sign3A_1096 : i32
        %sign3A_1098 = arith.extui %sign3A_1097 : i1 to i32
        %sign3A_1099 = arith.subi %sign3A_1095, %sign3A_1098 : i32
        %ne3A_1100 = arith.cmpi ne, %sign3A_1092, %sign3A_1099 : i32
        %rem3A_1101 = arith.remsi %select_n3A_1083, %jit3A_1084 : i32
        %ne3A_1102 = arith.constant 0 : i32
        %ne3A_1103 = arith.cmpi ne, %rem3A_1101, %ne3A_1102 : i32
        %and3A_1104 = arith.andi %ne3A_1100, %ne3A_1103 : i1
        %sub3A_1105 = arith.constant 1 : i32
        %sub3A_1106 = arith.subi %div3A_1085, %sub3A_1105 : i32
        %select_n3A_1107 = arith.select %and3A_1104, %sub3A_1106, %div3A_1085 : i32
        %add3A_1108 = arith.constant 0 : i32
        %add3A_1109 = arith.addi %select_n3A_1107, %add3A_1108 : i32
        %dma_wait3A_1110 = arith.constant 0 : i32
        %dma_wait3A_1111 = arith.constant 0 : i32
        %dma_wait3A_1112 = arith.constant 0 : i32
        %dma_wait3A_1113 = tpu.memref_slice %arg12[%dma_wait3A_1110, %dma_wait3A_1111, %dma_wait3A_1112] : memref<8x8x129xf32, #tpu.memory_space<vmem>> -> memref<8x8x128xf32, #tpu.memory_space<vmem>>
        %dma_wait3A_1114 = arith.constant 0 : i32
        %dma_wait3A_1115 = arith.constant 0 : i32
        %dma_wait3A_1116 = arith.constant 0 : i32
        %dma_wait3A_1117 = tpu.memref_slice %arg4[%select_n3A_1067, %dma_wait3A_1114, %add3A_1109, %dma_wait3A_1115, %dma_wait3A_1116] : memref<200x8x32x8x128xf32, #tpu.memory_space<hbm>> -> memref<1x8x1x8x128xf32, #tpu.memory_space<hbm>>
        %dma_wait3A_1118 = tpu.memref_squeeze %dma_wait3A_1117 : memref<1x8x1x8x128xf32, #tpu.memory_space<hbm>> -> memref<8x8x128xf32, #tpu.memory_space<hbm>>
        %dma_wait3A_1119 = arith.constant 0 : i32
        %dma_wait3A_1120 = arith.constant 0 : i32
        %dma_wait3A_1121 = arith.constant 0 : i32
        %dma_wait3A_1122 = tpu.memref_slice %arg4[%select_n3A_1067, %dma_wait3A_1119, %add3A_1109, %dma_wait3A_1120, %dma_wait3A_1121] : memref<200x8x32x8x128xf32, #tpu.memory_space<hbm>> -> memref<1x8x1x8x128xf32, #tpu.memory_space<hbm>>
        %dma_wait3A_1123 = tpu.memref_squeeze %dma_wait3A_1122 : memref<1x8x1x8x128xf32, #tpu.memory_space<hbm>> -> memref<8x8x128xf32, #tpu.memory_space<hbm>>
        %dma_wait3A_1124 = arith.constant 0 : i32
        %dma_wait3A_1125 = arith.constant 0 : i32
        %dma_wait3A_1126 = arith.constant 0 : i32
        %dma_wait3A_1127 = tpu.memref_slice %arg12[%dma_wait3A_1124, %dma_wait3A_1125, %dma_wait3A_1126] : memref<8x8x129xf32, #tpu.memory_space<vmem>> -> memref<8x8x128xf32, #tpu.memory_space<vmem>>
        tpu.wait_dma2 semaphore(%arg20 : memref<!tpu.dma_semaphore, #tpu.memory_space<semaphore_mem>>) src(%dma_wait3A_1127 : memref<8x8x128xf32, #tpu.memory_space<vmem>>) dst(%dma_wait3A_1123 : memref<8x8x128xf32, #tpu.memory_space<hbm>>)
      } else {
      }
      %iota3A_729 = tpu.iota {dimensions = array<i32: 0>} : vector<16xi32>
      %add3A_730 = arith.constant 0 : i32
      %add3A_731 = vector.broadcast %add3A_730 : i32 to vector<16xi32>
      %add3A_732 = arith.addi %add3A_731, %iota3A_729 : vector<16xi32>
      %shift_right_arithmetic3A_733 = arith.constant 3 : i32
      %shift_right_arithmetic3A_734 = vector.broadcast %shift_right_arithmetic3A_733 : i32 to vector<16xi32>
      %shift_right_arithmetic3A_735 = arith.shrsi %add3A_732, %shift_right_arithmetic3A_734 : vector<16xi32>
      %add3A_736 = arith.constant 16 : i32
      %add3A_737 = vector.broadcast %add3A_736 : i32 to vector<16xi32>
      %add3A_738 = arith.addi %add3A_737, %iota3A_729 : vector<16xi32>
      %shift_right_arithmetic3A_739 = arith.constant 3 : i32
      %shift_right_arithmetic3A_740 = vector.broadcast %shift_right_arithmetic3A_739 : i32 to vector<16xi32>
      %shift_right_arithmetic3A_741 = arith.shrsi %add3A_738, %shift_right_arithmetic3A_740 : vector<16xi32>
      %add3A_742 = arith.constant 32 : i32
      %add3A_743 = vector.broadcast %add3A_742 : i32 to vector<16xi32>
      %add3A_744 = arith.addi %add3A_743, %iota3A_729 : vector<16xi32>
      %shift_right_arithmetic3A_745 = arith.constant 3 : i32
      %shift_right_arithmetic3A_746 = vector.broadcast %shift_right_arithmetic3A_745 : i32 to vector<16xi32>
      %shift_right_arithmetic3A_747 = arith.shrsi %add3A_744, %shift_right_arithmetic3A_746 : vector<16xi32>
      %add3A_748 = arith.constant 48 : i32
      %add3A_749 = vector.broadcast %add3A_748 : i32 to vector<16xi32>
      %add3A_750 = arith.addi %add3A_749, %iota3A_729 : vector<16xi32>
      %shift_right_arithmetic3A_751 = arith.constant 3 : i32
      %shift_right_arithmetic3A_752 = vector.broadcast %shift_right_arithmetic3A_751 : i32 to vector<16xi32>
      %shift_right_arithmetic3A_753 = arith.shrsi %add3A_750, %shift_right_arithmetic3A_752 : vector<16xi32>
      %add3A_754 = arith.constant 0 : i32
      %add3A_755 = vector.broadcast %add3A_754 : i32 to vector<16xi32>
      %add3A_756 = arith.addi %add3A_755, %iota3A_729 : vector<16xi32>
      %and3A_757 = arith.constant 7 : i32
      %and3A_758 = vector.broadcast %and3A_757 : i32 to vector<16xi32>
      %and3A_759 = arith.andi %add3A_756, %and3A_758 : vector<16xi32>
      %add3A_760 = arith.constant 16 : i32
      %add3A_761 = vector.broadcast %add3A_760 : i32 to vector<16xi32>
      %add3A_762 = arith.addi %add3A_761, %iota3A_729 : vector<16xi32>
      %and3A_763 = arith.constant 7 : i32
      %and3A_764 = vector.broadcast %and3A_763 : i32 to vector<16xi32>
      %and3A_765 = arith.andi %add3A_762, %and3A_764 : vector<16xi32>
      %add3A_766 = arith.constant 32 : i32
      %add3A_767 = vector.broadcast %add3A_766 : i32 to vector<16xi32>
      %add3A_768 = arith.addi %add3A_767, %iota3A_729 : vector<16xi32>
      %and3A_769 = arith.constant 7 : i32
      %and3A_770 = vector.broadcast %and3A_769 : i32 to vector<16xi32>
      %and3A_771 = arith.andi %add3A_768, %and3A_770 : vector<16xi32>
      %add3A_772 = arith.constant 48 : i32
      %add3A_773 = vector.broadcast %add3A_772 : i32 to vector<16xi32>
      %add3A_774 = arith.addi %add3A_773, %iota3A_729 : vector<16xi32>
      %and3A_775 = arith.constant 7 : i32
      %and3A_776 = vector.broadcast %and3A_775 : i32 to vector<16xi32>
      %and3A_777 = arith.andi %add3A_774, %and3A_776 : vector<16xi32>
      %parallel_loop3A_778 = arith.constant 0 : i32
      %parallel_loop3A_779 = arith.constant 128 : i32
      %parallel_loop3A_780 = arith.constant 1 : i32
      scf.for %parallel_loop3A_1039 = %parallel_loop3A_778 to %parallel_loop3A_779 step %parallel_loop3A_780  : i32 {
        %parallel_loop3A_1040 = arith.constant 0 : i32
        %parallel_loop3A_1041 = vector.broadcast %parallel_loop3A_1040 : i32 to vector<16xi32>
        %parallel_loop3A_1042 = vector.broadcast %parallel_loop3A_1039 : i32 to vector<16xi32>
        %parallel_loop3A_1043 = arith.addi %parallel_loop3A_1041, %parallel_loop3A_1042 : vector<16xi32>
        %parallel_loop3A_1044 = arith.index_cast %parallel_loop3A_1039 : i32 to index
        %parallel_loop3A_1045 = arith.constant 0 : index
        %parallel_loop3A_1046 = tpu.vector_load %arg8[%parallel_loop3A_1044, %parallel_loop3A_1045] {strides = array<i32>} : memref<128x64xf32, #tpu.memory_space<vmem>>, vector<16xf32>,
        tpu.vector_store_idx %arg12[%shift_right_arithmetic3A_735, %and3A_759, %parallel_loop3A_1043], %parallel_loop3A_1046 : memref<8x8x129xf32, #tpu.memory_space<vmem>>[vector<16xi32>, vector<16xi32>, vector<16xi32>], vector<16xf32>,
        %parallel_loop3A_1047 = arith.index_cast %parallel_loop3A_1039 : i32 to index
        %parallel_loop3A_1048 = arith.constant 16 : index
        %parallel_loop3A_1049 = tpu.vector_load %arg8[%parallel_loop3A_1047, %parallel_loop3A_1048] {strides = array<i32>} : memref<128x64xf32, #tpu.memory_space<vmem>>, vector<16xf32>,
        tpu.vector_store_idx %arg12[%shift_right_arithmetic3A_741, %and3A_765, %parallel_loop3A_1043], %parallel_loop3A_1049 : memref<8x8x129xf32, #tpu.memory_space<vmem>>[vector<16xi32>, vector<16xi32>, vector<16xi32>], vector<16xf32>,
        %parallel_loop3A_1050 = arith.index_cast %parallel_loop3A_1039 : i32 to index
        %parallel_loop3A_1051 = arith.constant 32 : index
        %parallel_loop3A_1052 = tpu.vector_load %arg8[%parallel_loop3A_1050, %parallel_loop3A_1051] {strides = array<i32>} : memref<128x64xf32, #tpu.memory_space<vmem>>, vector<16xf32>,
        tpu.vector_store_idx %arg12[%shift_right_arithmetic3A_747, %and3A_771, %parallel_loop3A_1043], %parallel_loop3A_1052 : memref<8x8x129xf32, #tpu.memory_space<vmem>>[vector<16xi32>, vector<16xi32>, vector<16xi32>], vector<16xf32>,
        %parallel_loop3A_1053 = arith.index_cast %parallel_loop3A_1039 : i32 to index
        %parallel_loop3A_1054 = arith.constant 48 : index
        %parallel_loop3A_1055 = tpu.vector_load %arg8[%parallel_loop3A_1053, %parallel_loop3A_1054] {strides = array<i32>} : memref<128x64xf32, #tpu.memory_space<vmem>>, vector<16xf32>,
        tpu.vector_store_idx %arg12[%shift_right_arithmetic3A_753, %and3A_777, %parallel_loop3A_1043], %parallel_loop3A_1055 : memref<8x8x129xf32, #tpu.memory_space<vmem>>[vector<16xi32>, vector<16xi32>, vector<16xi32>], vector<16xf32>,
      } {sc.loop_unroll_factor = 4 : i64, sc.parallel_access}
      %lt3A_781 = arith.constant 49 : i32
      %lt3A_782 = arith.cmpi slt, %scan3A_380, %lt3A_781 : i32
      %convert_element_type3A_783 = arith.extui %lt3A_782 : i1 to i32
      %cond3A_784 = arith.constant 0 : i32
      %cond3A_785 = arith.cmpi ne, %convert_element_type3A_783, %cond3A_784 : i32
      scf.if %cond3A_785 {
        %add3A_1039 = arith.constant 4 : i32
        %add3A_1040 = arith.addi %add3A_710, %add3A_1039 : i32
        %mul3A_1041 = arith.constant 1 : i32
        %mul3A_1042 = arith.muli %add3A_1040, %mul3A_1041 : i32
        %add3A_1043 = arith.constant 0 : i32
        %add3A_1044 = arith.addi %mul3A_1042, %add3A_1043 : i32
        %dma_start3A_1045 = arith.constant 0 : i32
        %dma_start3A_1046 = arith.constant 0 : i32
        %dma_start3A_1047 = tpu.memref_slice %arg8[%dma_start3A_1045, %dma_start3A_1046] : memref<128x64xf32, #tpu.memory_space<vmem>> -> memref<128x64xf32, #tpu.memory_space<vmem>>
        %dma_start3A_1048 = arith.constant 0 : i32
        %dma_start3A_1049 = tpu.memref_slice %arg5[%add3A_1044, %dma_start3A_1048] : memref<200x128xi32, #tpu.memory_space<vmem>> -> memref<1x128xi32, #tpu.memory_space<vmem>>
        %dma_start3A_1050 = tpu.memref_squeeze %dma_start3A_1049 : memref<1x128xi32, #tpu.memory_space<vmem>> -> memref<128xi32, #tpu.memory_space<vmem>>
        %dma_start3A_1051 = arith.constant 0 : i32
        %dma_start3A_1052 = arith.constant 0 : i32
        %dma_start3A_1053 = tpu.memref_slice %arg3[%dma_start3A_1051, %dma_start3A_1052] : memref<102400x64xf32, #tpu.memory_space<hbm>> -> memref<102400x64xf32, #tpu.memory_space<hbm>>
        tpu.enqueue_indirect_dma source(%dma_start3A_1053 : memref<102400x64xf32, #tpu.memory_space<hbm>>) target(%dma_start3A_1047 : memref<128x64xf32, #tpu.memory_space<vmem>>) offsets(%dma_start3A_1050 : memref<128xi32, #tpu.memory_space<vmem>>) semaphore(%arg16 : memref<!tpu.dma_semaphore, #tpu.memory_space<semaphore_mem>>)
      } else {
      }
      %mul3A_786 = arith.constant 128 : i32
      %mul3A_787 = arith.muli %add3A_710, %mul3A_786 : i32
      %add3A_788 = arith.addi %mul3A_2, %mul3A_787 : i32
      %jit3A_789 = arith.constant 4096 : i32
      %div3A_790 = arith.divsi %add3A_788, %jit3A_789 : i32
      %sign3A_791 = arith.constant 0 : i32
      %sign3A_792 = arith.cmpi sgt, %add3A_788, %sign3A_791 : i32
      %sign3A_793 = arith.extui %sign3A_792 : i1 to i32
      %sign3A_794 = arith.constant 0 : i32
      %sign3A_795 = arith.cmpi slt, %add3A_788, %sign3A_794 : i32
      %sign3A_796 = arith.extui %sign3A_795 : i1 to i32
      %sign3A_797 = arith.subi %sign3A_793, %sign3A_796 : i32
      %sign3A_798 = arith.constant 0 : i32
      %sign3A_799 = arith.cmpi sgt, %jit3A_789, %sign3A_798 : i32
      %sign3A_800 = arith.extui %sign3A_799 : i1 to i32
      %sign3A_801 = arith.constant 0 : i32
      %sign3A_802 = arith.cmpi slt, %jit3A_789, %sign3A_801 : i32
      %sign3A_803 = arith.extui %sign3A_802 : i1 to i32
      %sign3A_804 = arith.subi %sign3A_800, %sign3A_803 : i32
      %ne3A_805 = arith.cmpi ne, %sign3A_797, %sign3A_804 : i32
      %rem3A_806 = arith.remsi %add3A_788, %jit3A_789 : i32
      %ne3A_807 = arith.constant 0 : i32
      %ne3A_808 = arith.cmpi ne, %rem3A_806, %ne3A_807 : i32
      %and3A_809 = arith.andi %ne3A_805, %ne3A_808 : i1
      %sub3A_810 = arith.constant 1 : i32
      %sub3A_811 = arith.subi %div3A_790, %sub3A_810 : i32
      %select_n3A_812 = arith.select %and3A_809, %sub3A_811, %div3A_790 : i32
      %jit3A_813 = arith.constant 4096 : i32
      %eq3A_814 = arith.constant 0 : i32
      %eq3A_815 = arith.cmpi eq, %jit3A_813, %eq3A_814 : i32
      %jit3A_816 = arith.constant 1 : i32
      %select_n3A_817 = arith.select %eq3A_815, %jit3A_816, %jit3A_813 : i32
      %rem3A_818 = arith.remsi %add3A_788, %select_n3A_817 : i32
      %ne3A_819 = arith.constant 0 : i32
      %ne3A_820 = arith.cmpi ne, %rem3A_818, %ne3A_819 : i32
      %lt3A_821 = arith.constant 0 : i32
      %lt3A_822 = arith.cmpi slt, %rem3A_818, %lt3A_821 : i32
      %lt3A_823 = arith.constant 0 : i32
      %lt3A_824 = arith.cmpi slt, %select_n3A_817, %lt3A_823 : i32
      %ne3A_825 = arith.xori %lt3A_822, %lt3A_824 : i1
      %and3A_826 = arith.andi %ne3A_825, %ne3A_820 : i1
      %add3A_827 = arith.addi %rem3A_818, %select_n3A_817 : i32
      %select_n3A_828 = arith.select %and3A_826, %add3A_827, %rem3A_818 : i32
      %jit3A_829 = arith.constant 128 : i32
      %div3A_830 = arith.divsi %select_n3A_828, %jit3A_829 : i32
      %sign3A_831 = arith.constant 0 : i32
      %sign3A_832 = arith.cmpi sgt, %select_n3A_828, %sign3A_831 : i32
      %sign3A_833 = arith.extui %sign3A_832 : i1 to i32
      %sign3A_834 = arith.constant 0 : i32
      %sign3A_835 = arith.cmpi slt, %select_n3A_828, %sign3A_834 : i32
      %sign3A_836 = arith.extui %sign3A_835 : i1 to i32
      %sign3A_837 = arith.subi %sign3A_833, %sign3A_836 : i32
      %sign3A_838 = arith.constant 0 : i32
      %sign3A_839 = arith.cmpi sgt, %jit3A_829, %sign3A_838 : i32
      %sign3A_840 = arith.extui %sign3A_839 : i1 to i32
      %sign3A_841 = arith.constant 0 : i32
      %sign3A_842 = arith.cmpi slt, %jit3A_829, %sign3A_841 : i32
      %sign3A_843 = arith.extui %sign3A_842 : i1 to i32
      %sign3A_844 = arith.subi %sign3A_840, %sign3A_843 : i32
      %ne3A_845 = arith.cmpi ne, %sign3A_837, %sign3A_844 : i32
      %rem3A_846 = arith.remsi %select_n3A_828, %jit3A_829 : i32
      %ne3A_847 = arith.constant 0 : i32
      %ne3A_848 = arith.cmpi ne, %rem3A_846, %ne3A_847 : i32
      %and3A_849 = arith.andi %ne3A_845, %ne3A_848 : i1
      %sub3A_850 = arith.constant 1 : i32
      %sub3A_851 = arith.subi %div3A_830, %sub3A_850 : i32
      %select_n3A_852 = arith.select %and3A_849, %sub3A_851, %div3A_830 : i32
      %add3A_853 = arith.constant 0 : i32
      %add3A_854 = arith.addi %select_n3A_852, %add3A_853 : i32
      %dma_start3A_855 = arith.constant 0 : i32
      %dma_start3A_856 = arith.constant 0 : i32
      %dma_start3A_857 = arith.constant 0 : i32
      %dma_start3A_858 = tpu.memref_slice %arg12[%dma_start3A_855, %dma_start3A_856, %dma_start3A_857] : memref<8x8x129xf32, #tpu.memory_space<vmem>> -> memref<8x8x128xf32, #tpu.memory_space<vmem>>
      %dma_start3A_859 = arith.constant 0 : i32
      %dma_start3A_860 = arith.constant 0 : i32
      %dma_start3A_861 = arith.constant 0 : i32
      %dma_start3A_862 = tpu.memref_slice %arg4[%select_n3A_812, %dma_start3A_859, %add3A_854, %dma_start3A_860, %dma_start3A_861] : memref<200x8x32x8x128xf32, #tpu.memory_space<hbm>> -> memref<1x8x1x8x128xf32, #tpu.memory_space<hbm>>
      %dma_start3A_863 = tpu.memref_squeeze %dma_start3A_862 : memref<1x8x1x8x128xf32, #tpu.memory_space<hbm>> -> memref<8x8x128xf32, #tpu.memory_space<hbm>>
      %dma_start3A_864 = arith.constant 0 : i32
      %dma_start3A_865 = arith.constant 0 : i32
      %dma_start3A_866 = arith.constant 0 : i32
      %dma_start3A_867 = tpu.memref_slice %arg4[%select_n3A_812, %dma_start3A_864, %add3A_854, %dma_start3A_865, %dma_start3A_866] : memref<200x8x32x8x128xf32, #tpu.memory_space<hbm>> -> memref<1x8x1x8x128xf32, #tpu.memory_space<hbm>>
      %dma_start3A_868 = tpu.memref_squeeze %dma_start3A_867 : memref<1x8x1x8x128xf32, #tpu.memory_space<hbm>> -> memref<8x8x128xf32, #tpu.memory_space<hbm>>
      %dma_start3A_869 = arith.constant 0 : i32
      %dma_start3A_870 = arith.constant 0 : i32
      %dma_start3A_871 = arith.constant 0 : i32
      %dma_start3A_872 = tpu.memref_slice %arg12[%dma_start3A_869, %dma_start3A_870, %dma_start3A_871] : memref<8x8x129xf32, #tpu.memory_space<vmem>> -> memref<8x8x128xf32, #tpu.memory_space<vmem>>
      tpu.enqueue_dma source(%dma_start3A_872 : memref<8x8x128xf32, #tpu.memory_space<vmem>>) target(%dma_start3A_868 : memref<8x8x128xf32, #tpu.memory_space<hbm>>) target_semaphore(%arg20 : memref<!tpu.dma_semaphore, #tpu.memory_space<semaphore_mem>>)
      %mul3A_873 = arith.constant 4 : i32
      %mul3A_874 = arith.muli %mul3A_873, %scan3A_380 : i32
      %add3A_875 = arith.constant 3 : i32
      %add3A_876 = arith.addi %mul3A_874, %add3A_875 : i32
      %mul3A_877 = arith.constant 1 : i32
      %mul3A_878 = arith.muli %add3A_876, %mul3A_877 : i32
      %add3A_879 = arith.constant 0 : i32
      %add3A_880 = arith.addi %mul3A_878, %add3A_879 : i32
      %dma_wait3A_881 = arith.constant 0 : i32
      %dma_wait3A_882 = arith.constant 0 : i32
      %dma_wait3A_883 = tpu.memref_slice %arg9[%dma_wait3A_881, %dma_wait3A_882] : memref<128x64xf32, #tpu.memory_space<vmem>> -> memref<128x64xf32, #tpu.memory_space<vmem>>
      %dma_wait3A_884 = arith.constant 0 : i32
      %dma_wait3A_885 = tpu.memref_slice %arg5[%add3A_880, %dma_wait3A_884] : memref<200x128xi32, #tpu.memory_space<vmem>> -> memref<1x128xi32, #tpu.memory_space<vmem>>
      %dma_wait3A_886 = tpu.memref_squeeze %dma_wait3A_885 : memref<1x128xi32, #tpu.memory_space<vmem>> -> memref<128xi32, #tpu.memory_space<vmem>>
      %dma_wait3A_887 = arith.constant 0 : i32
      %dma_wait3A_888 = arith.constant 0 : i32
      %dma_wait3A_889 = tpu.memref_slice %arg3[%dma_wait3A_887, %dma_wait3A_888] : memref<102400x64xf32, #tpu.memory_space<hbm>> -> memref<102400x64xf32, #tpu.memory_space<hbm>>
      tpu.wait_indirect_dma semaphore(%arg17 : memref<!tpu.dma_semaphore, #tpu.memory_space<semaphore_mem>>) src(%dma_wait3A_889 : memref<102400x64xf32, #tpu.memory_space<hbm>>) dst(%dma_wait3A_883 : memref<128x64xf32, #tpu.memory_space<vmem>>)
      %ge3A_890 = arith.constant 1 : i32
      %ge3A_891 = arith.cmpi sge, %scan3A_380, %ge3A_890 : i32
      %convert_element_type3A_892 = arith.extui %ge3A_891 : i1 to i32
      %cond3A_893 = arith.constant 0 : i32
      %cond3A_894 = arith.cmpi ne, %convert_element_type3A_892, %cond3A_893 : i32
      scf.if %cond3A_894 {
        %sub3A_1039 = arith.constant 4 : i32
        %sub3A_1040 = arith.subi %add3A_876, %sub3A_1039 : i32
        %mul3A_1041 = arith.constant 128 : i32
        %mul3A_1042 = arith.muli %sub3A_1040, %mul3A_1041 : i32
        %add3A_1043 = arith.addi %mul3A_2, %mul3A_1042 : i32
        %jit3A_1044 = arith.constant 4096 : i32
        %div3A_1045 = arith.divsi %add3A_1043, %jit3A_1044 : i32
        %sign3A_1046 = arith.constant 0 : i32
        %sign3A_1047 = arith.cmpi sgt, %add3A_1043, %sign3A_1046 : i32
        %sign3A_1048 = arith.extui %sign3A_1047 : i1 to i32
        %sign3A_1049 = arith.constant 0 : i32
        %sign3A_1050 = arith.cmpi slt, %add3A_1043, %sign3A_1049 : i32
        %sign3A_1051 = arith.extui %sign3A_1050 : i1 to i32
        %sign3A_1052 = arith.subi %sign3A_1048, %sign3A_1051 : i32
        %sign3A_1053 = arith.constant 0 : i32
        %sign3A_1054 = arith.cmpi sgt, %jit3A_1044, %sign3A_1053 : i32
        %sign3A_1055 = arith.extui %sign3A_1054 : i1 to i32
        %sign3A_1056 = arith.constant 0 : i32
        %sign3A_1057 = arith.cmpi slt, %jit3A_1044, %sign3A_1056 : i32
        %sign3A_1058 = arith.extui %sign3A_1057 : i1 to i32
        %sign3A_1059 = arith.subi %sign3A_1055, %sign3A_1058 : i32
        %ne3A_1060 = arith.cmpi ne, %sign3A_1052, %sign3A_1059 : i32
        %rem3A_1061 = arith.remsi %add3A_1043, %jit3A_1044 : i32
        %ne3A_1062 = arith.constant 0 : i32
        %ne3A_1063 = arith.cmpi ne, %rem3A_1061, %ne3A_1062 : i32
        %and3A_1064 = arith.andi %ne3A_1060, %ne3A_1063 : i1
        %sub3A_1065 = arith.constant 1 : i32
        %sub3A_1066 = arith.subi %div3A_1045, %sub3A_1065 : i32
        %select_n3A_1067 = arith.select %and3A_1064, %sub3A_1066, %div3A_1045 : i32
        %jit3A_1068 = arith.constant 4096 : i32
        %eq3A_1069 = arith.constant 0 : i32
        %eq3A_1070 = arith.cmpi eq, %jit3A_1068, %eq3A_1069 : i32
        %jit3A_1071 = arith.constant 1 : i32
        %select_n3A_1072 = arith.select %eq3A_1070, %jit3A_1071, %jit3A_1068 : i32
        %rem3A_1073 = arith.remsi %add3A_1043, %select_n3A_1072 : i32
        %ne3A_1074 = arith.constant 0 : i32
        %ne3A_1075 = arith.cmpi ne, %rem3A_1073, %ne3A_1074 : i32
        %lt3A_1076 = arith.constant 0 : i32
        %lt3A_1077 = arith.cmpi slt, %rem3A_1073, %lt3A_1076 : i32
        %lt3A_1078 = arith.constant 0 : i32
        %lt3A_1079 = arith.cmpi slt, %select_n3A_1072, %lt3A_1078 : i32
        %ne3A_1080 = arith.xori %lt3A_1077, %lt3A_1079 : i1
        %and3A_1081 = arith.andi %ne3A_1080, %ne3A_1075 : i1
        %add3A_1082 = arith.addi %rem3A_1073, %select_n3A_1072 : i32
        %select_n3A_1083 = arith.select %and3A_1081, %add3A_1082, %rem3A_1073 : i32
        %jit3A_1084 = arith.constant 128 : i32
        %div3A_1085 = arith.divsi %select_n3A_1083, %jit3A_1084 : i32
        %sign3A_1086 = arith.constant 0 : i32
        %sign3A_1087 = arith.cmpi sgt, %select_n3A_1083, %sign3A_1086 : i32
        %sign3A_1088 = arith.extui %sign3A_1087 : i1 to i32
        %sign3A_1089 = arith.constant 0 : i32
        %sign3A_1090 = arith.cmpi slt, %select_n3A_1083, %sign3A_1089 : i32
        %sign3A_1091 = arith.extui %sign3A_1090 : i1 to i32
        %sign3A_1092 = arith.subi %sign3A_1088, %sign3A_1091 : i32
        %sign3A_1093 = arith.constant 0 : i32
        %sign3A_1094 = arith.cmpi sgt, %jit3A_1084, %sign3A_1093 : i32
        %sign3A_1095 = arith.extui %sign3A_1094 : i1 to i32
        %sign3A_1096 = arith.constant 0 : i32
        %sign3A_1097 = arith.cmpi slt, %jit3A_1084, %sign3A_1096 : i32
        %sign3A_1098 = arith.extui %sign3A_1097 : i1 to i32
        %sign3A_1099 = arith.subi %sign3A_1095, %sign3A_1098 : i32
        %ne3A_1100 = arith.cmpi ne, %sign3A_1092, %sign3A_1099 : i32
        %rem3A_1101 = arith.remsi %select_n3A_1083, %jit3A_1084 : i32
        %ne3A_1102 = arith.constant 0 : i32
        %ne3A_1103 = arith.cmpi ne, %rem3A_1101, %ne3A_1102 : i32
        %and3A_1104 = arith.andi %ne3A_1100, %ne3A_1103 : i1
        %sub3A_1105 = arith.constant 1 : i32
        %sub3A_1106 = arith.subi %div3A_1085, %sub3A_1105 : i32
        %select_n3A_1107 = arith.select %and3A_1104, %sub3A_1106, %div3A_1085 : i32
        %add3A_1108 = arith.constant 0 : i32
        %add3A_1109 = arith.addi %select_n3A_1107, %add3A_1108 : i32
        %dma_wait3A_1110 = arith.constant 0 : i32
        %dma_wait3A_1111 = arith.constant 0 : i32
        %dma_wait3A_1112 = arith.constant 0 : i32
        %dma_wait3A_1113 = tpu.memref_slice %arg13[%dma_wait3A_1110, %dma_wait3A_1111, %dma_wait3A_1112] : memref<8x8x129xf32, #tpu.memory_space<vmem>> -> memref<8x8x128xf32, #tpu.memory_space<vmem>>
        %dma_wait3A_1114 = arith.constant 0 : i32
        %dma_wait3A_1115 = arith.constant 0 : i32
        %dma_wait3A_1116 = arith.constant 0 : i32
        %dma_wait3A_1117 = tpu.memref_slice %arg4[%select_n3A_1067, %dma_wait3A_1114, %add3A_1109, %dma_wait3A_1115, %dma_wait3A_1116] : memref<200x8x32x8x128xf32, #tpu.memory_space<hbm>> -> memref<1x8x1x8x128xf32, #tpu.memory_space<hbm>>
        %dma_wait3A_1118 = tpu.memref_squeeze %dma_wait3A_1117 : memref<1x8x1x8x128xf32, #tpu.memory_space<hbm>> -> memref<8x8x128xf32, #tpu.memory_space<hbm>>
        %dma_wait3A_1119 = arith.constant 0 : i32
        %dma_wait3A_1120 = arith.constant 0 : i32
        %dma_wait3A_1121 = arith.constant 0 : i32
        %dma_wait3A_1122 = tpu.memref_slice %arg4[%select_n3A_1067, %dma_wait3A_1119, %add3A_1109, %dma_wait3A_1120, %dma_wait3A_1121] : memref<200x8x32x8x128xf32, #tpu.memory_space<hbm>> -> memref<1x8x1x8x128xf32, #tpu.memory_space<hbm>>
        %dma_wait3A_1123 = tpu.memref_squeeze %dma_wait3A_1122 : memref<1x8x1x8x128xf32, #tpu.memory_space<hbm>> -> memref<8x8x128xf32, #tpu.memory_space<hbm>>
        %dma_wait3A_1124 = arith.constant 0 : i32
        %dma_wait3A_1125 = arith.constant 0 : i32
        %dma_wait3A_1126 = arith.constant 0 : i32
        %dma_wait3A_1127 = tpu.memref_slice %arg13[%dma_wait3A_1124, %dma_wait3A_1125, %dma_wait3A_1126] : memref<8x8x129xf32, #tpu.memory_space<vmem>> -> memref<8x8x128xf32, #tpu.memory_space<vmem>>
        tpu.wait_dma2 semaphore(%arg21 : memref<!tpu.dma_semaphore, #tpu.memory_space<semaphore_mem>>) src(%dma_wait3A_1127 : memref<8x8x128xf32, #tpu.memory_space<vmem>>) dst(%dma_wait3A_1123 : memref<8x8x128xf32, #tpu.memory_space<hbm>>)
      } else {
      }
      %iota3A_895 = tpu.iota {dimensions = array<i32: 0>} : vector<16xi32>
      %add3A_896 = arith.constant 0 : i32
      %add3A_897 = vector.broadcast %add3A_896 : i32 to vector<16xi32>
      %add3A_898 = arith.addi %add3A_897, %iota3A_895 : vector<16xi32>
      %shift_right_arithmetic3A_899 = arith.constant 3 : i32
      %shift_right_arithmetic3A_900 = vector.broadcast %shift_right_arithmetic3A_899 : i32 to vector<16xi32>
      %shift_right_arithmetic3A_901 = arith.shrsi %add3A_898, %shift_right_arithmetic3A_900 : vector<16xi32>
      %add3A_902 = arith.constant 16 : i32
      %add3A_903 = vector.broadcast %add3A_902 : i32 to vector<16xi32>
      %add3A_904 = arith.addi %add3A_903, %iota3A_895 : vector<16xi32>
      %shift_right_arithmetic3A_905 = arith.constant 3 : i32
      %shift_right_arithmetic3A_906 = vector.broadcast %shift_right_arithmetic3A_905 : i32 to vector<16xi32>
      %shift_right_arithmetic3A_907 = arith.shrsi %add3A_904, %shift_right_arithmetic3A_906 : vector<16xi32>
      %add3A_908 = arith.constant 32 : i32
      %add3A_909 = vector.broadcast %add3A_908 : i32 to vector<16xi32>
      %add3A_910 = arith.addi %add3A_909, %iota3A_895 : vector<16xi32>
      %shift_right_arithmetic3A_911 = arith.constant 3 : i32
      %shift_right_arithmetic3A_912 = vector.broadcast %shift_right_arithmetic3A_911 : i32 to vector<16xi32>
      %shift_right_arithmetic3A_913 = arith.shrsi %add3A_910, %shift_right_arithmetic3A_912 : vector<16xi32>
      %add3A_914 = arith.constant 48 : i32
      %add3A_915 = vector.broadcast %add3A_914 : i32 to vector<16xi32>
      %add3A_916 = arith.addi %add3A_915, %iota3A_895 : vector<16xi32>
      %shift_right_arithmetic3A_917 = arith.constant 3 : i32
      %shift_right_arithmetic3A_918 = vector.broadcast %shift_right_arithmetic3A_917 : i32 to vector<16xi32>
      %shift_right_arithmetic3A_919 = arith.shrsi %add3A_916, %shift_right_arithmetic3A_918 : vector<16xi32>
      %add3A_920 = arith.constant 0 : i32
      %add3A_921 = vector.broadcast %add3A_920 : i32 to vector<16xi32>
      %add3A_922 = arith.addi %add3A_921, %iota3A_895 : vector<16xi32>
      %and3A_923 = arith.constant 7 : i32
      %and3A_924 = vector.broadcast %and3A_923 : i32 to vector<16xi32>
      %and3A_925 = arith.andi %add3A_922, %and3A_924 : vector<16xi32>
      %add3A_926 = arith.constant 16 : i32
      %add3A_927 = vector.broadcast %add3A_926 : i32 to vector<16xi32>
      %add3A_928 = arith.addi %add3A_927, %iota3A_895 : vector<16xi32>
      %and3A_929 = arith.constant 7 : i32
      %and3A_930 = vector.broadcast %and3A_929 : i32 to vector<16xi32>
      %and3A_931 = arith.andi %add3A_928, %and3A_930 : vector<16xi32>
      %add3A_932 = arith.constant 32 : i32
      %add3A_933 = vector.broadcast %add3A_932 : i32 to vector<16xi32>
      %add3A_934 = arith.addi %add3A_933, %iota3A_895 : vector<16xi32>
      %and3A_935 = arith.constant 7 : i32
      %and3A_936 = vector.broadcast %and3A_935 : i32 to vector<16xi32>
      %and3A_937 = arith.andi %add3A_934, %and3A_936 : vector<16xi32>
      %add3A_938 = arith.constant 48 : i32
      %add3A_939 = vector.broadcast %add3A_938 : i32 to vector<16xi32>
      %add3A_940 = arith.addi %add3A_939, %iota3A_895 : vector<16xi32>
      %and3A_941 = arith.constant 7 : i32
      %and3A_942 = vector.broadcast %and3A_941 : i32 to vector<16xi32>
      %and3A_943 = arith.andi %add3A_940, %and3A_942 : vector<16xi32>
      %parallel_loop3A_944 = arith.constant 0 : i32
      %parallel_loop3A_945 = arith.constant 128 : i32
      %parallel_loop3A_946 = arith.constant 1 : i32
      scf.for %parallel_loop3A_1039 = %parallel_loop3A_944 to %parallel_loop3A_945 step %parallel_loop3A_946  : i32 {
        %parallel_loop3A_1040 = arith.constant 0 : i32
        %parallel_loop3A_1041 = vector.broadcast %parallel_loop3A_1040 : i32 to vector<16xi32>
        %parallel_loop3A_1042 = vector.broadcast %parallel_loop3A_1039 : i32 to vector<16xi32>
        %parallel_loop3A_1043 = arith.addi %parallel_loop3A_1041, %parallel_loop3A_1042 : vector<16xi32>
        %parallel_loop3A_1044 = arith.index_cast %parallel_loop3A_1039 : i32 to index
        %parallel_loop3A_1045 = arith.constant 0 : index
        %parallel_loop3A_1046 = tpu.vector_load %arg9[%parallel_loop3A_1044, %parallel_loop3A_1045] {strides = array<i32>} : memref<128x64xf32, #tpu.memory_space<vmem>>, vector<16xf32>,
        tpu.vector_store_idx %arg13[%shift_right_arithmetic3A_901, %and3A_925, %parallel_loop3A_1043], %parallel_loop3A_1046 : memref<8x8x129xf32, #tpu.memory_space<vmem>>[vector<16xi32>, vector<16xi32>, vector<16xi32>], vector<16xf32>,
        %parallel_loop3A_1047 = arith.index_cast %parallel_loop3A_1039 : i32 to index
        %parallel_loop3A_1048 = arith.constant 16 : index
        %parallel_loop3A_1049 = tpu.vector_load %arg9[%parallel_loop3A_1047, %parallel_loop3A_1048] {strides = array<i32>} : memref<128x64xf32, #tpu.memory_space<vmem>>, vector<16xf32>,
        tpu.vector_store_idx %arg13[%shift_right_arithmetic3A_907, %and3A_931, %parallel_loop3A_1043], %parallel_loop3A_1049 : memref<8x8x129xf32, #tpu.memory_space<vmem>>[vector<16xi32>, vector<16xi32>, vector<16xi32>], vector<16xf32>,
        %parallel_loop3A_1050 = arith.index_cast %parallel_loop3A_1039 : i32 to index
        %parallel_loop3A_1051 = arith.constant 32 : index
        %parallel_loop3A_1052 = tpu.vector_load %arg9[%parallel_loop3A_1050, %parallel_loop3A_1051] {strides = array<i32>} : memref<128x64xf32, #tpu.memory_space<vmem>>, vector<16xf32>,
        tpu.vector_store_idx %arg13[%shift_right_arithmetic3A_913, %and3A_937, %parallel_loop3A_1043], %parallel_loop3A_1052 : memref<8x8x129xf32, #tpu.memory_space<vmem>>[vector<16xi32>, vector<16xi32>, vector<16xi32>], vector<16xf32>,
        %parallel_loop3A_1053 = arith.index_cast %parallel_loop3A_1039 : i32 to index
        %parallel_loop3A_1054 = arith.constant 48 : index
        %parallel_loop3A_1055 = tpu.vector_load %arg9[%parallel_loop3A_1053, %parallel_loop3A_1054] {strides = array<i32>} : memref<128x64xf32, #tpu.memory_space<vmem>>, vector<16xf32>,
        tpu.vector_store_idx %arg13[%shift_right_arithmetic3A_919, %and3A_943, %parallel_loop3A_1043], %parallel_loop3A_1055 : memref<8x8x129xf32, #tpu.memory_space<vmem>>[vector<16xi32>, vector<16xi32>, vector<16xi32>], vector<16xf32>,
      } {sc.loop_unroll_factor = 4 : i64, sc.parallel_access}
      %lt3A_947 = arith.constant 49 : i32
      %lt3A_948 = arith.cmpi slt, %scan3A_380, %lt3A_947 : i32
      %convert_element_type3A_949 = arith.extui %lt3A_948 : i1 to i32
      %cond3A_950 = arith.constant 0 : i32
      %cond3A_951 = arith.cmpi ne, %convert_element_type3A_949, %cond3A_950 : i32
      scf.if %cond3A_951 {
        %add3A_1039 = arith.constant 4 : i32
        %add3A_1040 = arith.addi %add3A_876, %add3A_1039 : i32
        %mul3A_1041 = arith.constant 1 : i32
        %mul3A_1042 = arith.muli %add3A_1040, %mul3A_1041 : i32
        %add3A_1043 = arith.constant 0 : i32
        %add3A_1044 = arith.addi %mul3A_1042, %add3A_1043 : i32
        %dma_start3A_1045 = arith.constant 0 : i32
        %dma_start3A_1046 = arith.constant 0 : i32
        %dma_start3A_1047 = tpu.memref_slice %arg9[%dma_start3A_1045, %dma_start3A_1046] : memref<128x64xf32, #tpu.memory_space<vmem>> -> memref<128x64xf32, #tpu.memory_space<vmem>>
        %dma_start3A_1048 = arith.constant 0 : i32
        %dma_start3A_1049 = tpu.memref_slice %arg5[%add3A_1044, %dma_start3A_1048] : memref<200x128xi32, #tpu.memory_space<vmem>> -> memref<1x128xi32, #tpu.memory_space<vmem>>
        %dma_start3A_1050 = tpu.memref_squeeze %dma_start3A_1049 : memref<1x128xi32, #tpu.memory_space<vmem>> -> memref<128xi32, #tpu.memory_space<vmem>>
        %dma_start3A_1051 = arith.constant 0 : i32
        %dma_start3A_1052 = arith.constant 0 : i32
        %dma_start3A_1053 = tpu.memref_slice %arg3[%dma_start3A_1051, %dma_start3A_1052] : memref<102400x64xf32, #tpu.memory_space<hbm>> -> memref<102400x64xf32, #tpu.memory_space<hbm>>
        tpu.enqueue_indirect_dma source(%dma_start3A_1053 : memref<102400x64xf32, #tpu.memory_space<hbm>>) target(%dma_start3A_1047 : memref<128x64xf32, #tpu.memory_space<vmem>>) offsets(%dma_start3A_1050 : memref<128xi32, #tpu.memory_space<vmem>>) semaphore(%arg17 : memref<!tpu.dma_semaphore, #tpu.memory_space<semaphore_mem>>)
      } else {
      }
      %mul3A_952 = arith.constant 128 : i32
      %mul3A_953 = arith.muli %add3A_876, %mul3A_952 : i32
      %add3A_954 = arith.addi %mul3A_2, %mul3A_953 : i32
      %jit3A_955 = arith.constant 4096 : i32
      %div3A_956 = arith.divsi %add3A_954, %jit3A_955 : i32
      %sign3A_957 = arith.constant 0 : i32
      %sign3A_958 = arith.cmpi sgt, %add3A_954, %sign3A_957 : i32
      %sign3A_959 = arith.extui %sign3A_958 : i1 to i32
      %sign3A_960 = arith.constant 0 : i32
      %sign3A_961 = arith.cmpi slt, %add3A_954, %sign3A_960 : i32
      %sign3A_962 = arith.extui %sign3A_961 : i1 to i32
      %sign3A_963 = arith.subi %sign3A_959, %sign3A_962 : i32
      %sign3A_964 = arith.constant 0 : i32
      %sign3A_965 = arith.cmpi sgt, %jit3A_955, %sign3A_964 : i32
      %sign3A_966 = arith.extui %sign3A_965 : i1 to i32
      %sign3A_967 = arith.constant 0 : i32
      %sign3A_968 = arith.cmpi slt, %jit3A_955, %sign3A_967 : i32
      %sign3A_969 = arith.extui %sign3A_968 : i1 to i32
      %sign3A_970 = arith.subi %sign3A_966, %sign3A_969 : i32
      %ne3A_971 = arith.cmpi ne, %sign3A_963, %sign3A_970 : i32
      %rem3A_972 = arith.remsi %add3A_954, %jit3A_955 : i32
      %ne3A_973 = arith.constant 0 : i32
      %ne3A_974 = arith.cmpi ne, %rem3A_972, %ne3A_973 : i32
      %and3A_975 = arith.andi %ne3A_971, %ne3A_974 : i1
      %sub3A_976 = arith.constant 1 : i32
      %sub3A_977 = arith.subi %div3A_956, %sub3A_976 : i32
      %select_n3A_978 = arith.select %and3A_975, %sub3A_977, %div3A_956 : i32
      %jit3A_979 = arith.constant 4096 : i32
      %eq3A_980 = arith.constant 0 : i32
      %eq3A_981 = arith.cmpi eq, %jit3A_979, %eq3A_980 : i32
      %jit3A_982 = arith.constant 1 : i32
      %select_n3A_983 = arith.select %eq3A_981, %jit3A_982, %jit3A_979 : i32
      %rem3A_984 = arith.remsi %add3A_954, %select_n3A_983 : i32
      %ne3A_985 = arith.constant 0 : i32
      %ne3A_986 = arith.cmpi ne, %rem3A_984, %ne3A_985 : i32
      %lt3A_987 = arith.constant 0 : i32
      %lt3A_988 = arith.cmpi slt, %rem3A_984, %lt3A_987 : i32
      %lt3A_989 = arith.constant 0 : i32
      %lt3A_990 = arith.cmpi slt, %select_n3A_983, %lt3A_989 : i32
      %ne3A_991 = arith.xori %lt3A_988, %lt3A_990 : i1
      %and3A_992 = arith.andi %ne3A_991, %ne3A_986 : i1
      %add3A_993 = arith.addi %rem3A_984, %select_n3A_983 : i32
      %select_n3A_994 = arith.select %and3A_992, %add3A_993, %rem3A_984 : i32
      %jit3A_995 = arith.constant 128 : i32
      %div3A_996 = arith.divsi %select_n3A_994, %jit3A_995 : i32
      %sign3A_997 = arith.constant 0 : i32
      %sign3A_998 = arith.cmpi sgt, %select_n3A_994, %sign3A_997 : i32
      %sign3A_999 = arith.extui %sign3A_998 : i1 to i32
      %sign3A_1000 = arith.constant 0 : i32
      %sign3A_1001 = arith.cmpi slt, %select_n3A_994, %sign3A_1000 : i32
      %sign3A_1002 = arith.extui %sign3A_1001 : i1 to i32
      %sign3A_1003 = arith.subi %sign3A_999, %sign3A_1002 : i32
      %sign3A_1004 = arith.constant 0 : i32
      %sign3A_1005 = arith.cmpi sgt, %jit3A_995, %sign3A_1004 : i32
      %sign3A_1006 = arith.extui %sign3A_1005 : i1 to i32
      %sign3A_1007 = arith.constant 0 : i32
      %sign3A_1008 = arith.cmpi slt, %jit3A_995, %sign3A_1007 : i32
      %sign3A_1009 = arith.extui %sign3A_1008 : i1 to i32
      %sign3A_1010 = arith.subi %sign3A_1006, %sign3A_1009 : i32
      %ne3A_1011 = arith.cmpi ne, %sign3A_1003, %sign3A_1010 : i32
      %rem3A_1012 = arith.remsi %select_n3A_994, %jit3A_995 : i32
      %ne3A_1013 = arith.constant 0 : i32
      %ne3A_1014 = arith.cmpi ne, %rem3A_1012, %ne3A_1013 : i32
      %and3A_1015 = arith.andi %ne3A_1011, %ne3A_1014 : i1
      %sub3A_1016 = arith.constant 1 : i32
      %sub3A_1017 = arith.subi %div3A_996, %sub3A_1016 : i32
      %select_n3A_1018 = arith.select %and3A_1015, %sub3A_1017, %div3A_996 : i32
      %add3A_1019 = arith.constant 0 : i32
      %add3A_1020 = arith.addi %select_n3A_1018, %add3A_1019 : i32
      %dma_start3A_1021 = arith.constant 0 : i32
      %dma_start3A_1022 = arith.constant 0 : i32
      %dma_start3A_1023 = arith.constant 0 : i32
      %dma_start3A_1024 = tpu.memref_slice %arg13[%dma_start3A_1021, %dma_start3A_1022, %dma_start3A_1023] : memref<8x8x129xf32, #tpu.memory_space<vmem>> -> memref<8x8x128xf32, #tpu.memory_space<vmem>>
      %dma_start3A_1025 = arith.constant 0 : i32
      %dma_start3A_1026 = arith.constant 0 : i32
      %dma_start3A_1027 = arith.constant 0 : i32
      %dma_start3A_1028 = tpu.memref_slice %arg4[%select_n3A_978, %dma_start3A_1025, %add3A_1020, %dma_start3A_1026, %dma_start3A_1027] : memref<200x8x32x8x128xf32, #tpu.memory_space<hbm>> -> memref<1x8x1x8x128xf32, #tpu.memory_space<hbm>>
      %dma_start3A_1029 = tpu.memref_squeeze %dma_start3A_1028 : memref<1x8x1x8x128xf32, #tpu.memory_space<hbm>> -> memref<8x8x128xf32, #tpu.memory_space<hbm>>
      %dma_start3A_1030 = arith.constant 0 : i32
      %dma_start3A_1031 = arith.constant 0 : i32
      %dma_start3A_1032 = arith.constant 0 : i32
      %dma_start3A_1033 = tpu.memref_slice %arg4[%select_n3A_978, %dma_start3A_1030, %add3A_1020, %dma_start3A_1031, %dma_start3A_1032] : memref<200x8x32x8x128xf32, #tpu.memory_space<hbm>> -> memref<1x8x1x8x128xf32, #tpu.memory_space<hbm>>
      %dma_start3A_1034 = tpu.memref_squeeze %dma_start3A_1033 : memref<1x8x1x8x128xf32, #tpu.memory_space<hbm>> -> memref<8x8x128xf32, #tpu.memory_space<hbm>>
      %dma_start3A_1035 = arith.constant 0 : i32
      %dma_start3A_1036 = arith.constant 0 : i32
      %dma_start3A_1037 = arith.constant 0 : i32
      %dma_start3A_1038 = tpu.memref_slice %arg13[%dma_start3A_1035, %dma_start3A_1036, %dma_start3A_1037] : memref<8x8x129xf32, #tpu.memory_space<vmem>> -> memref<8x8x128xf32, #tpu.memory_space<vmem>>
      tpu.enqueue_dma source(%dma_start3A_1038 : memref<8x8x128xf32, #tpu.memory_space<vmem>>) target(%dma_start3A_1034 : memref<8x8x128xf32, #tpu.memory_space<hbm>>) target_semaphore(%arg21 : memref<!tpu.dma_semaphore, #tpu.memory_space<semaphore_mem>>)
    }
    %scan3A_46 = arith.constant 50 : i32
    %add3A_47 = arith.constant 25088 : i32
    %add3A_48 = arith.addi %mul3A_2, %add3A_47 : i32
    %jit3A = arith.constant 4096 : i32
    %div3A = arith.divsi %add3A_48, %jit3A : i32
    %sign3A = arith.constant 0 : i32
    %sign3A_49 = arith.cmpi sgt, %add3A_48, %sign3A : i32
    %sign3A_50 = arith.extui %sign3A_49 : i1 to i32
    %sign3A_51 = arith.constant 0 : i32
    %sign3A_52 = arith.cmpi slt, %add3A_48, %sign3A_51 : i32
    %sign3A_53 = arith.extui %sign3A_52 : i1 to i32
    %sign3A_54 = arith.subi %sign3A_50, %sign3A_53 : i32
    %sign3A_55 = arith.constant 0 : i32
    %sign3A_56 = arith.cmpi sgt, %jit3A, %sign3A_55 : i32
    %sign3A_57 = arith.extui %sign3A_56 : i1 to i32
    %sign3A_58 = arith.constant 0 : i32
    %sign3A_59 = arith.cmpi slt, %jit3A, %sign3A_58 : i32
    %sign3A_60 = arith.extui %sign3A_59 : i1 to i32
    %sign3A_61 = arith.subi %sign3A_57, %sign3A_60 : i32
    %ne3A = arith.cmpi ne, %sign3A_54, %sign3A_61 : i32
    %rem3A = arith.remsi %add3A_48, %jit3A : i32
    %ne3A_62 = arith.constant 0 : i32
    %ne3A_63 = arith.cmpi ne, %rem3A, %ne3A_62 : i32
    %and3A = arith.andi %ne3A, %ne3A_63 : i1
    %sub3A = arith.constant 1 : i32
    %sub3A_64 = arith.subi %div3A, %sub3A : i32
    %select_n3A = arith.select %and3A, %sub3A_64, %div3A : i32
    %jit3A_65 = arith.constant 4096 : i32
    %eq3A = arith.constant 0 : i32
    %eq3A_66 = arith.cmpi eq, %jit3A_65, %eq3A : i32
    %jit3A_67 = arith.constant 1 : i32
    %select_n3A_68 = arith.select %eq3A_66, %jit3A_67, %jit3A_65 : i32
    %rem3A_69 = arith.remsi %add3A_48, %select_n3A_68 : i32
    %ne3A_70 = arith.constant 0 : i32
    %ne3A_71 = arith.cmpi ne, %rem3A_69, %ne3A_70 : i32
    %lt3A = arith.constant 0 : i32
    %lt3A_72 = arith.cmpi slt, %rem3A_69, %lt3A : i32
    %lt3A_73 = arith.constant 0 : i32
    %lt3A_74 = arith.cmpi slt, %select_n3A_68, %lt3A_73 : i32
    %ne3A_75 = arith.xori %lt3A_72, %lt3A_74 : i1
    %and3A_76 = arith.andi %ne3A_75, %ne3A_71 : i1
    %add3A_77 = arith.addi %rem3A_69, %select_n3A_68 : i32
    %select_n3A_78 = arith.select %and3A_76, %add3A_77, %rem3A_69 : i32
    %jit3A_79 = arith.constant 128 : i32
    %div3A_80 = arith.divsi %select_n3A_78, %jit3A_79 : i32
    %sign3A_81 = arith.constant 0 : i32
    %sign3A_82 = arith.cmpi sgt, %select_n3A_78, %sign3A_81 : i32
    %sign3A_83 = arith.extui %sign3A_82 : i1 to i32
    %sign3A_84 = arith.constant 0 : i32
    %sign3A_85 = arith.cmpi slt, %select_n3A_78, %sign3A_84 : i32
    %sign3A_86 = arith.extui %sign3A_85 : i1 to i32
    %sign3A_87 = arith.subi %sign3A_83, %sign3A_86 : i32
    %sign3A_88 = arith.constant 0 : i32
    %sign3A_89 = arith.cmpi sgt, %jit3A_79, %sign3A_88 : i32
    %sign3A_90 = arith.extui %sign3A_89 : i1 to i32
    %sign3A_91 = arith.constant 0 : i32
    %sign3A_92 = arith.cmpi slt, %jit3A_79, %sign3A_91 : i32
    %sign3A_93 = arith.extui %sign3A_92 : i1 to i32
    %sign3A_94 = arith.subi %sign3A_90, %sign3A_93 : i32
    %ne3A_95 = arith.cmpi ne, %sign3A_87, %sign3A_94 : i32
    %rem3A_96 = arith.remsi %select_n3A_78, %jit3A_79 : i32
    %ne3A_97 = arith.constant 0 : i32
    %ne3A_98 = arith.cmpi ne, %rem3A_96, %ne3A_97 : i32
    %and3A_99 = arith.andi %ne3A_95, %ne3A_98 : i1
    %sub3A_100 = arith.constant 1 : i32
    %sub3A_101 = arith.subi %div3A_80, %sub3A_100 : i32
    %select_n3A_102 = arith.select %and3A_99, %sub3A_101, %div3A_80 : i32
    %add3A_103 = arith.constant 0 : i32
    %add3A_104 = arith.addi %select_n3A_102, %add3A_103 : i32
    %dma_wait3A = arith.constant 0 : i32
    %dma_wait3A_105 = arith.constant 0 : i32
    %dma_wait3A_106 = arith.constant 0 : i32
    %dma_wait3A_107 = tpu.memref_slice %arg10[%dma_wait3A, %dma_wait3A_105, %dma_wait3A_106] : memref<8x8x129xf32, #tpu.memory_space<vmem>> -> memref<8x8x128xf32, #tpu.memory_space<vmem>>
    %dma_wait3A_108 = arith.constant 0 : i32
    %dma_wait3A_109 = arith.constant 0 : i32
    %dma_wait3A_110 = arith.constant 0 : i32
    %dma_wait3A_111 = tpu.memref_slice %arg4[%select_n3A, %dma_wait3A_108, %add3A_104, %dma_wait3A_109, %dma_wait3A_110] : memref<200x8x32x8x128xf32, #tpu.memory_space<hbm>> -> memref<1x8x1x8x128xf32, #tpu.memory_space<hbm>>
    %dma_wait3A_112 = tpu.memref_squeeze %dma_wait3A_111 : memref<1x8x1x8x128xf32, #tpu.memory_space<hbm>> -> memref<8x8x128xf32, #tpu.memory_space<hbm>>
    %dma_wait3A_113 = arith.constant 0 : i32
    %dma_wait3A_114 = arith.constant 0 : i32
    %dma_wait3A_115 = arith.constant 0 : i32
    %dma_wait3A_116 = tpu.memref_slice %arg4[%select_n3A, %dma_wait3A_113, %add3A_104, %dma_wait3A_114, %dma_wait3A_115] : memref<200x8x32x8x128xf32, #tpu.memory_space<hbm>> -> memref<1x8x1x8x128xf32, #tpu.memory_space<hbm>>
    %dma_wait3A_117 = tpu.memref_squeeze %dma_wait3A_116 : memref<1x8x1x8x128xf32, #tpu.memory_space<hbm>> -> memref<8x8x128xf32, #tpu.memory_space<hbm>>
    %dma_wait3A_118 = arith.constant 0 : i32
    %dma_wait3A_119 = arith.constant 0 : i32
    %dma_wait3A_120 = arith.constant 0 : i32
    %dma_wait3A_121 = tpu.memref_slice %arg10[%dma_wait3A_118, %dma_wait3A_119, %dma_wait3A_120] : memref<8x8x129xf32, #tpu.memory_space<vmem>> -> memref<8x8x128xf32, #tpu.memory_space<vmem>>
    tpu.wait_dma2 semaphore(%arg18 : memref<!tpu.dma_semaphore, #tpu.memory_space<semaphore_mem>>) src(%dma_wait3A_121 : memref<8x8x128xf32, #tpu.memory_space<vmem>>) dst(%dma_wait3A_117 : memref<8x8x128xf32, #tpu.memory_space<hbm>>)
    %add3A_122 = arith.constant 25216 : i32
    %add3A_123 = arith.addi %mul3A_2, %add3A_122 : i32
    %jit3A_124 = arith.constant 4096 : i32
    %div3A_125 = arith.divsi %add3A_123, %jit3A_124 : i32
    %sign3A_126 = arith.constant 0 : i32
    %sign3A_127 = arith.cmpi sgt, %add3A_123, %sign3A_126 : i32
    %sign3A_128 = arith.extui %sign3A_127 : i1 to i32
    %sign3A_129 = arith.constant 0 : i32
    %sign3A_130 = arith.cmpi slt, %add3A_123, %sign3A_129 : i32
    %sign3A_131 = arith.extui %sign3A_130 : i1 to i32
    %sign3A_132 = arith.subi %sign3A_128, %sign3A_131 : i32
    %sign3A_133 = arith.constant 0 : i32
    %sign3A_134 = arith.cmpi sgt, %jit3A_124, %sign3A_133 : i32
    %sign3A_135 = arith.extui %sign3A_134 : i1 to i32
    %sign3A_136 = arith.constant 0 : i32
    %sign3A_137 = arith.cmpi slt, %jit3A_124, %sign3A_136 : i32
    %sign3A_138 = arith.extui %sign3A_137 : i1 to i32
    %sign3A_139 = arith.subi %sign3A_135, %sign3A_138 : i32
    %ne3A_140 = arith.cmpi ne, %sign3A_132, %sign3A_139 : i32
    %rem3A_141 = arith.remsi %add3A_123, %jit3A_124 : i32
    %ne3A_142 = arith.constant 0 : i32
    %ne3A_143 = arith.cmpi ne, %rem3A_141, %ne3A_142 : i32
    %and3A_144 = arith.andi %ne3A_140, %ne3A_143 : i1
    %sub3A_145 = arith.constant 1 : i32
    %sub3A_146 = arith.subi %div3A_125, %sub3A_145 : i32
    %select_n3A_147 = arith.select %and3A_144, %sub3A_146, %div3A_125 : i32
    %jit3A_148 = arith.constant 4096 : i32
    %eq3A_149 = arith.constant 0 : i32
    %eq3A_150 = arith.cmpi eq, %jit3A_148, %eq3A_149 : i32
    %jit3A_151 = arith.constant 1 : i32
    %select_n3A_152 = arith.select %eq3A_150, %jit3A_151, %jit3A_148 : i32
    %rem3A_153 = arith.remsi %add3A_123, %select_n3A_152 : i32
    %ne3A_154 = arith.constant 0 : i32
    %ne3A_155 = arith.cmpi ne, %rem3A_153, %ne3A_154 : i32
    %lt3A_156 = arith.constant 0 : i32
    %lt3A_157 = arith.cmpi slt, %rem3A_153, %lt3A_156 : i32
    %lt3A_158 = arith.constant 0 : i32
    %lt3A_159 = arith.cmpi slt, %select_n3A_152, %lt3A_158 : i32
    %ne3A_160 = arith.xori %lt3A_157, %lt3A_159 : i1
    %and3A_161 = arith.andi %ne3A_160, %ne3A_155 : i1
    %add3A_162 = arith.addi %rem3A_153, %select_n3A_152 : i32
    %select_n3A_163 = arith.select %and3A_161, %add3A_162, %rem3A_153 : i32
    %jit3A_164 = arith.constant 128 : i32
    %div3A_165 = arith.divsi %select_n3A_163, %jit3A_164 : i32
    %sign3A_166 = arith.constant 0 : i32
    %sign3A_167 = arith.cmpi sgt, %select_n3A_163, %sign3A_166 : i32
    %sign3A_168 = arith.extui %sign3A_167 : i1 to i32
    %sign3A_169 = arith.constant 0 : i32
    %sign3A_170 = arith.cmpi slt, %select_n3A_163, %sign3A_169 : i32
    %sign3A_171 = arith.extui %sign3A_170 : i1 to i32
    %sign3A_172 = arith.subi %sign3A_168, %sign3A_171 : i32
    %sign3A_173 = arith.constant 0 : i32
    %sign3A_174 = arith.cmpi sgt, %jit3A_164, %sign3A_173 : i32
    %sign3A_175 = arith.extui %sign3A_174 : i1 to i32
    %sign3A_176 = arith.constant 0 : i32
    %sign3A_177 = arith.cmpi slt, %jit3A_164, %sign3A_176 : i32
    %sign3A_178 = arith.extui %sign3A_177 : i1 to i32
    %sign3A_179 = arith.subi %sign3A_175, %sign3A_178 : i32
    %ne3A_180 = arith.cmpi ne, %sign3A_172, %sign3A_179 : i32
    %rem3A_181 = arith.remsi %select_n3A_163, %jit3A_164 : i32
    %ne3A_182 = arith.constant 0 : i32
    %ne3A_183 = arith.cmpi ne, %rem3A_181, %ne3A_182 : i32
    %and3A_184 = arith.andi %ne3A_180, %ne3A_183 : i1
    %sub3A_185 = arith.constant 1 : i32
    %sub3A_186 = arith.subi %div3A_165, %sub3A_185 : i32
    %select_n3A_187 = arith.select %and3A_184, %sub3A_186, %div3A_165 : i32
    %add3A_188 = arith.constant 0 : i32
    %add3A_189 = arith.addi %select_n3A_187, %add3A_188 : i32
    %dma_wait3A_190 = arith.constant 0 : i32
    %dma_wait3A_191 = arith.constant 0 : i32
    %dma_wait3A_192 = arith.constant 0 : i32
    %dma_wait3A_193 = tpu.memref_slice %arg11[%dma_wait3A_190, %dma_wait3A_191, %dma_wait3A_192] : memref<8x8x129xf32, #tpu.memory_space<vmem>> -> memref<8x8x128xf32, #tpu.memory_space<vmem>>
    %dma_wait3A_194 = arith.constant 0 : i32
    %dma_wait3A_195 = arith.constant 0 : i32
    %dma_wait3A_196 = arith.constant 0 : i32
    %dma_wait3A_197 = tpu.memref_slice %arg4[%select_n3A_147, %dma_wait3A_194, %add3A_189, %dma_wait3A_195, %dma_wait3A_196] : memref<200x8x32x8x128xf32, #tpu.memory_space<hbm>> -> memref<1x8x1x8x128xf32, #tpu.memory_space<hbm>>
    %dma_wait3A_198 = tpu.memref_squeeze %dma_wait3A_197 : memref<1x8x1x8x128xf32, #tpu.memory_space<hbm>> -> memref<8x8x128xf32, #tpu.memory_space<hbm>>
    %dma_wait3A_199 = arith.constant 0 : i32
    %dma_wait3A_200 = arith.constant 0 : i32
    %dma_wait3A_201 = arith.constant 0 : i32
    %dma_wait3A_202 = tpu.memref_slice %arg4[%select_n3A_147, %dma_wait3A_199, %add3A_189, %dma_wait3A_200, %dma_wait3A_201] : memref<200x8x32x8x128xf32, #tpu.memory_space<hbm>> -> memref<1x8x1x8x128xf32, #tpu.memory_space<hbm>>
    %dma_wait3A_203 = tpu.memref_squeeze %dma_wait3A_202 : memref<1x8x1x8x128xf32, #tpu.memory_space<hbm>> -> memref<8x8x128xf32, #tpu.memory_space<hbm>>
    %dma_wait3A_204 = arith.constant 0 : i32
    %dma_wait3A_205 = arith.constant 0 : i32
    %dma_wait3A_206 = arith.constant 0 : i32
    %dma_wait3A_207 = tpu.memref_slice %arg11[%dma_wait3A_204, %dma_wait3A_205, %dma_wait3A_206] : memref<8x8x129xf32, #tpu.memory_space<vmem>> -> memref<8x8x128xf32, #tpu.memory_space<vmem>>
    tpu.wait_dma2 semaphore(%arg19 : memref<!tpu.dma_semaphore, #tpu.memory_space<semaphore_mem>>) src(%dma_wait3A_207 : memref<8x8x128xf32, #tpu.memory_space<vmem>>) dst(%dma_wait3A_203 : memref<8x8x128xf32, #tpu.memory_space<hbm>>)
    %add3A_208 = arith.constant 25344 : i32
    %add3A_209 = arith.addi %mul3A_2, %add3A_208 : i32
    %jit3A_210 = arith.constant 4096 : i32
    %div3A_211 = arith.divsi %add3A_209, %jit3A_210 : i32
    %sign3A_212 = arith.constant 0 : i32
    %sign3A_213 = arith.cmpi sgt, %add3A_209, %sign3A_212 : i32
    %sign3A_214 = arith.extui %sign3A_213 : i1 to i32
    %sign3A_215 = arith.constant 0 : i32
    %sign3A_216 = arith.cmpi slt, %add3A_209, %sign3A_215 : i32
    %sign3A_217 = arith.extui %sign3A_216 : i1 to i32
    %sign3A_218 = arith.subi %sign3A_214, %sign3A_217 : i32
    %sign3A_219 = arith.constant 0 : i32
    %sign3A_220 = arith.cmpi sgt, %jit3A_210, %sign3A_219 : i32
    %sign3A_221 = arith.extui %sign3A_220 : i1 to i32
    %sign3A_222 = arith.constant 0 : i32
    %sign3A_223 = arith.cmpi slt, %jit3A_210, %sign3A_222 : i32
    %sign3A_224 = arith.extui %sign3A_223 : i1 to i32
    %sign3A_225 = arith.subi %sign3A_221, %sign3A_224 : i32
    %ne3A_226 = arith.cmpi ne, %sign3A_218, %sign3A_225 : i32
    %rem3A_227 = arith.remsi %add3A_209, %jit3A_210 : i32
    %ne3A_228 = arith.constant 0 : i32
    %ne3A_229 = arith.cmpi ne, %rem3A_227, %ne3A_228 : i32
    %and3A_230 = arith.andi %ne3A_226, %ne3A_229 : i1
    %sub3A_231 = arith.constant 1 : i32
    %sub3A_232 = arith.subi %div3A_211, %sub3A_231 : i32
    %select_n3A_233 = arith.select %and3A_230, %sub3A_232, %div3A_211 : i32
    %jit3A_234 = arith.constant 4096 : i32
    %eq3A_235 = arith.constant 0 : i32
    %eq3A_236 = arith.cmpi eq, %jit3A_234, %eq3A_235 : i32
    %jit3A_237 = arith.constant 1 : i32
    %select_n3A_238 = arith.select %eq3A_236, %jit3A_237, %jit3A_234 : i32
    %rem3A_239 = arith.remsi %add3A_209, %select_n3A_238 : i32
    %ne3A_240 = arith.constant 0 : i32
    %ne3A_241 = arith.cmpi ne, %rem3A_239, %ne3A_240 : i32
    %lt3A_242 = arith.constant 0 : i32
    %lt3A_243 = arith.cmpi slt, %rem3A_239, %lt3A_242 : i32
    %lt3A_244 = arith.constant 0 : i32
    %lt3A_245 = arith.cmpi slt, %select_n3A_238, %lt3A_244 : i32
    %ne3A_246 = arith.xori %lt3A_243, %lt3A_245 : i1
    %and3A_247 = arith.andi %ne3A_246, %ne3A_241 : i1
    %add3A_248 = arith.addi %rem3A_239, %select_n3A_238 : i32
    %select_n3A_249 = arith.select %and3A_247, %add3A_248, %rem3A_239 : i32
    %jit3A_250 = arith.constant 128 : i32
    %div3A_251 = arith.divsi %select_n3A_249, %jit3A_250 : i32
    %sign3A_252 = arith.constant 0 : i32
    %sign3A_253 = arith.cmpi sgt, %select_n3A_249, %sign3A_252 : i32
    %sign3A_254 = arith.extui %sign3A_253 : i1 to i32
    %sign3A_255 = arith.constant 0 : i32
    %sign3A_256 = arith.cmpi slt, %select_n3A_249, %sign3A_255 : i32
    %sign3A_257 = arith.extui %sign3A_256 : i1 to i32
    %sign3A_258 = arith.subi %sign3A_254, %sign3A_257 : i32
    %sign3A_259 = arith.constant 0 : i32
    %sign3A_260 = arith.cmpi sgt, %jit3A_250, %sign3A_259 : i32
    %sign3A_261 = arith.extui %sign3A_260 : i1 to i32
    %sign3A_262 = arith.constant 0 : i32
    %sign3A_263 = arith.cmpi slt, %jit3A_250, %sign3A_262 : i32
    %sign3A_264 = arith.extui %sign3A_263 : i1 to i32
    %sign3A_265 = arith.subi %sign3A_261, %sign3A_264 : i32
    %ne3A_266 = arith.cmpi ne, %sign3A_258, %sign3A_265 : i32
    %rem3A_267 = arith.remsi %select_n3A_249, %jit3A_250 : i32
    %ne3A_268 = arith.constant 0 : i32
    %ne3A_269 = arith.cmpi ne, %rem3A_267, %ne3A_268 : i32
    %and3A_270 = arith.andi %ne3A_266, %ne3A_269 : i1
    %sub3A_271 = arith.constant 1 : i32
    %sub3A_272 = arith.subi %div3A_251, %sub3A_271 : i32
    %select_n3A_273 = arith.select %and3A_270, %sub3A_272, %div3A_251 : i32
    %add3A_274 = arith.constant 0 : i32
    %add3A_275 = arith.addi %select_n3A_273, %add3A_274 : i32
    %dma_wait3A_276 = arith.constant 0 : i32
    %dma_wait3A_277 = arith.constant 0 : i32
    %dma_wait3A_278 = arith.constant 0 : i32
    %dma_wait3A_279 = tpu.memref_slice %arg12[%dma_wait3A_276, %dma_wait3A_277, %dma_wait3A_278] : memref<8x8x129xf32, #tpu.memory_space<vmem>> -> memref<8x8x128xf32, #tpu.memory_space<vmem>>
    %dma_wait3A_280 = arith.constant 0 : i32
    %dma_wait3A_281 = arith.constant 0 : i32
    %dma_wait3A_282 = arith.constant 0 : i32
    %dma_wait3A_283 = tpu.memref_slice %arg4[%select_n3A_233, %dma_wait3A_280, %add3A_275, %dma_wait3A_281, %dma_wait3A_282] : memref<200x8x32x8x128xf32, #tpu.memory_space<hbm>> -> memref<1x8x1x8x128xf32, #tpu.memory_space<hbm>>
    %dma_wait3A_284 = tpu.memref_squeeze %dma_wait3A_283 : memref<1x8x1x8x128xf32, #tpu.memory_space<hbm>> -> memref<8x8x128xf32, #tpu.memory_space<hbm>>
    %dma_wait3A_285 = arith.constant 0 : i32
    %dma_wait3A_286 = arith.constant 0 : i32
    %dma_wait3A_287 = arith.constant 0 : i32
    %dma_wait3A_288 = tpu.memref_slice %arg4[%select_n3A_233, %dma_wait3A_285, %add3A_275, %dma_wait3A_286, %dma_wait3A_287] : memref<200x8x32x8x128xf32, #tpu.memory_space<hbm>> -> memref<1x8x1x8x128xf32, #tpu.memory_space<hbm>>
    %dma_wait3A_289 = tpu.memref_squeeze %dma_wait3A_288 : memref<1x8x1x8x128xf32, #tpu.memory_space<hbm>> -> memref<8x8x128xf32, #tpu.memory_space<hbm>>
    %dma_wait3A_290 = arith.constant 0 : i32
    %dma_wait3A_291 = arith.constant 0 : i32
    %dma_wait3A_292 = arith.constant 0 : i32
    %dma_wait3A_293 = tpu.memref_slice %arg12[%dma_wait3A_290, %dma_wait3A_291, %dma_wait3A_292] : memref<8x8x129xf32, #tpu.memory_space<vmem>> -> memref<8x8x128xf32, #tpu.memory_space<vmem>>
    tpu.wait_dma2 semaphore(%arg20 : memref<!tpu.dma_semaphore, #tpu.memory_space<semaphore_mem>>) src(%dma_wait3A_293 : memref<8x8x128xf32, #tpu.memory_space<vmem>>) dst(%dma_wait3A_289 : memref<8x8x128xf32, #tpu.memory_space<hbm>>)
    %add3A_294 = arith.constant 25472 : i32
    %add3A_295 = arith.addi %mul3A_2, %add3A_294 : i32
    %jit3A_296 = arith.constant 4096 : i32
    %div3A_297 = arith.divsi %add3A_295, %jit3A_296 : i32
    %sign3A_298 = arith.constant 0 : i32
    %sign3A_299 = arith.cmpi sgt, %add3A_295, %sign3A_298 : i32
    %sign3A_300 = arith.extui %sign3A_299 : i1 to i32
    %sign3A_301 = arith.constant 0 : i32
    %sign3A_302 = arith.cmpi slt, %add3A_295, %sign3A_301 : i32
    %sign3A_303 = arith.extui %sign3A_302 : i1 to i32
    %sign3A_304 = arith.subi %sign3A_300, %sign3A_303 : i32
    %sign3A_305 = arith.constant 0 : i32
    %sign3A_306 = arith.cmpi sgt, %jit3A_296, %sign3A_305 : i32
    %sign3A_307 = arith.extui %sign3A_306 : i1 to i32
    %sign3A_308 = arith.constant 0 : i32
    %sign3A_309 = arith.cmpi slt, %jit3A_296, %sign3A_308 : i32
    %sign3A_310 = arith.extui %sign3A_309 : i1 to i32
    %sign3A_311 = arith.subi %sign3A_307, %sign3A_310 : i32
    %ne3A_312 = arith.cmpi ne, %sign3A_304, %sign3A_311 : i32
    %rem3A_313 = arith.remsi %add3A_295, %jit3A_296 : i32
    %ne3A_314 = arith.constant 0 : i32
    %ne3A_315 = arith.cmpi ne, %rem3A_313, %ne3A_314 : i32
    %and3A_316 = arith.andi %ne3A_312, %ne3A_315 : i1
    %sub3A_317 = arith.constant 1 : i32
    %sub3A_318 = arith.subi %div3A_297, %sub3A_317 : i32
    %select_n3A_319 = arith.select %and3A_316, %sub3A_318, %div3A_297 : i32
    %jit3A_320 = arith.constant 4096 : i32
    %eq3A_321 = arith.constant 0 : i32
    %eq3A_322 = arith.cmpi eq, %jit3A_320, %eq3A_321 : i32
    %jit3A_323 = arith.constant 1 : i32
    %select_n3A_324 = arith.select %eq3A_322, %jit3A_323, %jit3A_320 : i32
    %rem3A_325 = arith.remsi %add3A_295, %select_n3A_324 : i32
    %ne3A_326 = arith.constant 0 : i32
    %ne3A_327 = arith.cmpi ne, %rem3A_325, %ne3A_326 : i32
    %lt3A_328 = arith.constant 0 : i32
    %lt3A_329 = arith.cmpi slt, %rem3A_325, %lt3A_328 : i32
    %lt3A_330 = arith.constant 0 : i32
    %lt3A_331 = arith.cmpi slt, %select_n3A_324, %lt3A_330 : i32
    %ne3A_332 = arith.xori %lt3A_329, %lt3A_331 : i1
    %and3A_333 = arith.andi %ne3A_332, %ne3A_327 : i1
    %add3A_334 = arith.addi %rem3A_325, %select_n3A_324 : i32
    %select_n3A_335 = arith.select %and3A_333, %add3A_334, %rem3A_325 : i32
    %jit3A_336 = arith.constant 128 : i32
    %div3A_337 = arith.divsi %select_n3A_335, %jit3A_336 : i32
    %sign3A_338 = arith.constant 0 : i32
    %sign3A_339 = arith.cmpi sgt, %select_n3A_335, %sign3A_338 : i32
    %sign3A_340 = arith.extui %sign3A_339 : i1 to i32
    %sign3A_341 = arith.constant 0 : i32
    %sign3A_342 = arith.cmpi slt, %select_n3A_335, %sign3A_341 : i32
    %sign3A_343 = arith.extui %sign3A_342 : i1 to i32
    %sign3A_344 = arith.subi %sign3A_340, %sign3A_343 : i32
    %sign3A_345 = arith.constant 0 : i32
    %sign3A_346 = arith.cmpi sgt, %jit3A_336, %sign3A_345 : i32
    %sign3A_347 = arith.extui %sign3A_346 : i1 to i32
    %sign3A_348 = arith.constant 0 : i32
    %sign3A_349 = arith.cmpi slt, %jit3A_336, %sign3A_348 : i32
    %sign3A_350 = arith.extui %sign3A_349 : i1 to i32
    %sign3A_351 = arith.subi %sign3A_347, %sign3A_350 : i32
    %ne3A_352 = arith.cmpi ne, %sign3A_344, %sign3A_351 : i32
    %rem3A_353 = arith.remsi %select_n3A_335, %jit3A_336 : i32
    %ne3A_354 = arith.constant 0 : i32
    %ne3A_355 = arith.cmpi ne, %rem3A_353, %ne3A_354 : i32
    %and3A_356 = arith.andi %ne3A_352, %ne3A_355 : i1
    %sub3A_357 = arith.constant 1 : i32
    %sub3A_358 = arith.subi %div3A_337, %sub3A_357 : i32
    %select_n3A_359 = arith.select %and3A_356, %sub3A_358, %div3A_337 : i32
    %add3A_360 = arith.constant 0 : i32
    %add3A_361 = arith.addi %select_n3A_359, %add3A_360 : i32
    %dma_wait3A_362 = arith.constant 0 : i32
    %dma_wait3A_363 = arith.constant 0 : i32
    %dma_wait3A_364 = arith.constant 0 : i32
    %dma_wait3A_365 = tpu.memref_slice %arg13[%dma_wait3A_362, %dma_wait3A_363, %dma_wait3A_364] : memref<8x8x129xf32, #tpu.memory_space<vmem>> -> memref<8x8x128xf32, #tpu.memory_space<vmem>>
    %dma_wait3A_366 = arith.constant 0 : i32
    %dma_wait3A_367 = arith.constant 0 : i32
    %dma_wait3A_368 = arith.constant 0 : i32
    %dma_wait3A_369 = tpu.memref_slice %arg4[%select_n3A_319, %dma_wait3A_366, %add3A_361, %dma_wait3A_367, %dma_wait3A_368] : memref<200x8x32x8x128xf32, #tpu.memory_space<hbm>> -> memref<1x8x1x8x128xf32, #tpu.memory_space<hbm>>
    %dma_wait3A_370 = tpu.memref_squeeze %dma_wait3A_369 : memref<1x8x1x8x128xf32, #tpu.memory_space<hbm>> -> memref<8x8x128xf32, #tpu.memory_space<hbm>>
    %dma_wait3A_371 = arith.constant 0 : i32
    %dma_wait3A_372 = arith.constant 0 : i32
    %dma_wait3A_373 = arith.constant 0 : i32
    %dma_wait3A_374 = tpu.memref_slice %arg4[%select_n3A_319, %dma_wait3A_371, %add3A_361, %dma_wait3A_372, %dma_wait3A_373] : memref<200x8x32x8x128xf32, #tpu.memory_space<hbm>> -> memref<1x8x1x8x128xf32, #tpu.memory_space<hbm>>
    %dma_wait3A_375 = tpu.memref_squeeze %dma_wait3A_374 : memref<1x8x1x8x128xf32, #tpu.memory_space<hbm>> -> memref<8x8x128xf32, #tpu.memory_space<hbm>>
    %dma_wait3A_376 = arith.constant 0 : i32
    %dma_wait3A_377 = arith.constant 0 : i32
    %dma_wait3A_378 = arith.constant 0 : i32
    %dma_wait3A_379 = tpu.memref_slice %arg13[%dma_wait3A_376, %dma_wait3A_377, %dma_wait3A_378] : memref<8x8x129xf32, #tpu.memory_space<vmem>> -> memref<8x8x128xf32, #tpu.memory_space<vmem>>
    tpu.wait_dma2 semaphore(%arg21 : memref<!tpu.dma_semaphore, #tpu.memory_space<semaphore_mem>>) src(%dma_wait3A_379 : memref<8x8x128xf32, #tpu.memory_space<vmem>>) dst(%dma_wait3A_375 : memref<8x8x128xf32, #tpu.memory_space<hbm>>)
    return
  }
}

module attributes {stable_mosaic.version = 14 : i64} {
  func.func @_prep_body(%arg0: i32, %arg1: memref<64x4096xf32, #tpu.memory_space<vmem>>, %arg2: memref<2048x128xf32, #tpu.memory_space<vmem>>) attributes {dimension_semantics = [#tpu.dimension_semantics<arbitrary>], iteration_bounds = array<i64: 25>, scalar_prefetch = 0 : i64, scratch_operands = 0 : i64, tpu.core_type = #tpu.core_type<tc>, window_params = [{transform_indices = @transform_0, window_bounds = array<i64: 64, 4096>}, {transform_indices = @transform_1, window_bounds = array<i64: 2048, 128>}]} {
    %get3A = arith.constant 0 : index
    %get3A_0 = arith.constant 0 : index
    %get3A_1 = vector.load %arg1[%get3A, %get3A_0] : memref<64x4096xf32, #tpu.memory_space<vmem>>, vector<64x4096xf32>
    %slice3A = vector.extract_strided_slice %get3A_1 {offsets = [0, 0], sizes = [64, 2048], strides = [1, 1]} : vector<64x4096xf32> to vector<64x2048xf32>
    %transpose3A = tpu.transpose %slice3A, [1, 0] : vector<64x2048xf32> -> vector<2048x64xf32>
    %slice3A_2 = vector.extract_strided_slice %get3A_1 {offsets = [0, 2048], sizes = [64, 2048], strides = [1, 1]} : vector<64x4096xf32> to vector<64x2048xf32>
    %transpose3A_3 = tpu.transpose %slice3A_2, [1, 0] : vector<64x2048xf32> -> vector<2048x64xf32>
    %concatenate3A = tpu.concatenate %transpose3A, %transpose3A_3 in 1 : vector<2048x64xf32>, vector<2048x64xf32> -> vector<2048x128xf32>
    %mul3A = arith.constant 8.000000e+00 : f32
    %mul3A_4 = vector.broadcast %mul3A : f32 to vector<2048x128xf32>
    %mul3A_5 = arith.mulf %concatenate3A, %mul3A_4 : vector<2048x128xf32>
    %swap3A = arith.constant 0 : index
    %swap3A_6 = arith.constant 0 : index
    %swap3A_7 = vector.load %arg2[%swap3A, %swap3A_6] : memref<2048x128xf32, #tpu.memory_space<vmem>>, vector<2048x128xf32>
    tpu.vector_store %arg2[%swap3A, %swap3A_6], %mul3A_5 {strides = array<i32>} : memref<2048x128xf32, #tpu.memory_space<vmem>>, vector<2048x128xf32>,
    return
  }
  func.func @transform_0(%arg0: i32) -> (i32, i32) {
    %c0_i32 = arith.constant 0 : i32
    %c0_i32_0 = arith.constant 0 : i32
    return %c0_i32, %arg0 : i32, i32
  }
  func.func @transform_1(%arg0: i32) -> (i32, i32) {
    %c0_i32 = arith.constant 0 : i32
    %c0_i32_0 = arith.constant 0 : i32
    return %arg0, %c0_i32 : i32, i32
  }
}

</mosaic_0001>

<sc_bundles>
// kernel: kernel.4.cloned.1.call-start
scs
__scs_entry_jumppad:
0x0: {  	(pc) =	sbr.rel $0x88, $3  }
0x1: {  	(tag) =	ssettag $0x0;
	lr =	simm.s32 $0x1  }
0x2: {  	[smem:$0x3F9F] =	sst lr;
	_ =	strace $0xD0000000  }
0x3: {  	_ = 	snop  }
0x4: {  	_ = 	snop  }
0x5: {  	_ = 	snop  }
0x6: {  	_ = 	snop  }
0x7: {  	_ = 	snop  }
__scs_overlays_trampoline_lowered:
0x8: {  	[smem:$0x3FAE] =	sst s0  }
0x9: {  	[smem:$0x3FAF] =	sst s1  }
0xa: {  	[smem:$0x3FB0] =	sst s2  }
0xb: {  	[smem:$0x3FB1] =	sst s3  }
0xc: {  	[smem:$0x3FB2] =	sst s4  }
0xd: {  	[smem:$0x3FB3] =	sst s5  }
0xe: {  	[smem:$0x3FB4] =	sst s6  }
0xf: {  	[smem:$0x3FB5] =	sst s7  }
0x10: {  	[smem:$0x3FB6] =	sst s8  }
0x11: {  	[smem:$0x3FB7] =	sst s9;
	s0 =	simm.s32 @!p0 $0x0  }
0x12: {  	s1 =	sld [smem:$0x3F9D];
	s0 =	simm.s32 @p0 $0x1  }
0x13: {  	[smem:$0x3FB8] =	sst s0;
	s0 =	simm.s32 @!p1 $0x0  }
0x14: {  	s2 =	sld [smem:$0x3F9C];
	s0 =	simm.s32 @p1 $0x1  }
0x15: {  	[smem:$0x3FB9] =	sst s0;
	s0 =	simm.s32 @!p2 $0x0  }
0x16: {  	s3 =	sld [smem:$0x3FDB];
	s0 =	simm.s32 @p2 $0x1  }
0x17: {  	s4 =	simm.s32 $0x1BF5;
	[smem:$0x3FBB] =	sst s0  }
0x18: {  	s0 =	sld [smem:$0x3F9E];
	_ =	swait.ge [sflag:s4], $0x0  }
0x19: {  	s7 =	sld [smem:$0x3F9F]  }
0x1a: {  	s8 =	sadd.s32 $0xFFFFE003, lr  }
0x1b: {  	s9 =	sadd.s32 $0xFFFFFEF7, lr;
	s5 =	simm.s32 $0xFFFFFFFF;
	p2 =	slt.u32 s8, $0xFFFFF086  }
0x1c: {  	p1 =	slt.u32 s9, $0xF7A;
	s5 =	simm.s32 @!p2 $0x0  }
0x1d: {  	s5 =	simm.s32 @p1 $0x1;
	p0 =	seq.s32 s7, s2  }
0x1e: {  	s7 =	smul.u32 @!p0 $0xF7A, s2;
	p2 =	seq.s32 @!p0 s5, $0x0  }
0x1f: {  	s9 =	smul.u32 $0xF7A, s1;
	s8 =	simm.s32 @!p0 $0x1BF5;
	p2 =	por !p2, p0  }
0x20: {  	[sflag:s8] =	ssyncset.s32 @!p0 $0xFFFFF086;
	s6 =	sadd.s32 @!p0 s3, s7;
	s7 =	simm.s32 @!p0 $0x108  }
0x21: {  	s3 =	sadd.s32 s3, s9;
	s6 =	sadd.s32 @!p0 $0x88, s6;
	s7 =	simm.s32 @p2 $0x1082  }
0x22: {  	[simem:s7], [sflag:s8] =	dma.local @!p0 [hbm:s6], $0xF7A  }
0x23: {  	s9 =	sor.u32 $0xD0000000, s2;
	s6 =	simm.s32 $0x108;
	_ =	swait.ge @!p0 [sflag:s8], $0x0  }
0x24: {  	s3 =	sadd.s32 $0x88, s3;
	s6 =	simm.s32 @!p1 $0x1082;
	[sflag:s4] =	ssyncset.s32 $0xFFFFF086  }
0x25: {  	[simem:s6], [sflag:s4] =	dma.local [hbm:s3], $0xF7A  }
0x26: {  	[smem:$0x3F9F] =	sst s1;
	(tag) =	ssettag s2;
	_ =	strace s9  }
0x27: {  	s1 =	sld [smem:$0x3FAF]  }
0x28: {  	s2 =	sld [smem:$0x3FB0]  }
0x29: {  	s4 =	sld [smem:$0x3FB2]  }
0x2a: {  	p0 =	seq.s32 s5, $0x0;
	s5 =	sld [smem:$0x3FB3]  }
0x2b: {  	s6 =	sld [smem:$0x3FB4]  }
0x2c: {  	s7 =	sld [smem:$0x3FB5]  }
0x2d: {  	s3 =	simm.s32 $0x108;
	s8 =	sld [smem:$0x3FB6]  }
0x2e: {  	s3 =	simm.s32 @!p0 $0x1082;
	s9 =	sld [smem:$0x3FB7]  }
0x2f: {  	lr =	sadd.s32 s0, s3;
	s0 =	sld [smem:$0x3FAE]  }
0x30: {  	s3 =	sld [smem:$0x3FB1]  }
0x31: {  	[smem:$0x3FBA] =	sst s10  }
0x32: {  	s10 =	sld [smem:$0x3FB8];
	_ =	sdelay $0x3  }
0x33: {  	p0 =	seq.s32 s10, $0x1;
	s10 =	sld [smem:$0x3FBA];
	_ =	sdelay $0x3  }
0x34: {  	[smem:$0x3FBA] =	sst s10  }
0x35: {  	s10 =	sld [smem:$0x3FB9];
	_ =	sdelay $0x3  }
0x36: {  	p1 =	seq.s32 s10, $0x1;
	s10 =	sld [smem:$0x3FBA];
	_ =	sdelay $0x3  }
0x37: {  	[smem:$0x3FBA] =	sst s10  }
0x38: {  	s10 =	sld [smem:$0x3FBB]  }
0x39: {  	_ = 	snop;
	(pc) =	sbr.ind lr, $3  }
0x3a: {  	_ = 	snop  }
0x3b: {  	_ = 	snop  }
0x3c: {  	p2 =	seq.s32 s10, $0x1;
	s10 =	sld [smem:$0x3FBA]  }
0x3d: {  	_ =	shalt  }
0x3e: {  	_ =	shalt  }
0x3f: {  	_ =	shalt  }
0x40: {  	_ =	shalt  }
0x41: {  	_ =	shalt  }
0x42: {  	_ =	shalt  }
0x43: {  	_ =	shalt  }
0x44: {  	_ =	shalt  }
0x45: {  	_ =	shalt  }
0x46: {  	_ =	shalt  }
0x47: {  	_ =	shalt  }
0x48: {  	_ =	shalt  }
0x49: {  	_ =	shalt  }
0x4a: {  	_ =	shalt  }
0x4b: {  	_ =	shalt  }
0x4c: {  	_ =	shalt  }
0x4d: {  	_ =	shalt  }
0x4e: {  	_ =	shalt  }
0x4f: {  	_ =	shalt  }
0x50: {  	_ =	shalt  }
0x51: {  	_ =	shalt  }
0x52: {  	_ =	shalt  }
0x53: {  	_ =	shalt  }
0x54: {  	_ =	shalt  }
0x55: {  	_ =	shalt  }
0x56: {  	_ =	shalt  }
0x57: {  	_ =	shalt  }
0x58: {  	_ =	shalt  }
0x59: {  	_ =	shalt  }
0x5a: {  	_ =	shalt  }
0x5b: {  	_ =	shalt  }
0x5c: {  	_ =	shalt  }
0x5d: {  	_ =	shalt  }
0x5e: {  	_ =	shalt  }
0x5f: {  	_ =	shalt  }
0x60: {  	_ =	shalt  }
0x61: {  	_ =	shalt  }
0x62: {  	_ =	shalt  }
0x63: {  	_ =	shalt  }
0x64: {  	_ =	shalt  }
0x65: {  	_ =	shalt  }
0x66: {  	_ =	shalt  }
0x67: {  	_ =	shalt  }
0x68: {  	_ =	shalt  }
0x69: {  	_ =	shalt  }
0x6a: {  	_ =	shalt  }
0x6b: {  	_ =	shalt  }
0x6c: {  	_ =	shalt  }
0x6d: {  	_ =	shalt  }
0x6e: {  	_ =	shalt  }
0x6f: {  	_ =	shalt  }
0x70: {  	_ =	shalt  }
0x71: {  	_ =	shalt  }
0x72: {  	_ =	shalt  }
0x73: {  	_ =	shalt  }
0x74: {  	_ =	shalt  }
0x75: {  	_ =	shalt  }
0x76: {  	_ =	shalt  }
0x77: {  	_ =	shalt  }
0x78: {  	_ =	shalt  }
0x79: {  	_ =	shalt  }
0x7a: {  	_ =	shalt  }
0x7b: {  	_ =	shalt  }
0x7c: {  	_ =	shalt  }
0x7d: {  	_ =	shalt  }
0x7e: {  	_ =	shalt  }
0x7f: {  	_ =	shalt  }
0x80: {  	_ =	shalt  }
0x81: {  	_ =	shalt  }
0x82: {  	_ =	shalt  }
0x83: {  	_ =	shalt  }
0x84: {  	_ =	shalt  }
0x85: {  	_ =	shalt  }
0x86: {  	_ =	shalt  }
0x87: {  	_ =	shalt  }
.Lfunc_end0:
.L_simem_size_0:
called_computation_lowered:
.L_overlay_start_0:
0x88: {  	s2 =	sld [smem:$0x3FD9]  }
0x89: {  	s3 =	sld [smem:$0x3FFE];
	_ =	sdelay $0x1  }
0x8a: {  	s1 =	srdreg.scid  }
0x8b: {  	s0 =	sand.u32 $0x1, s1  }
0x8c: {  	s17 =	sshll.u32 s0, $0xA;
	s2 =	sadd.s32 s3, s2  }
0x8d: {  	s2 =	sadd.s32 s2, s17  }
0x8e: {  	[smem:$0x3FC6] =	sst s2  }
0x8f: {  	_ = 	snop  }
0x90: {  	s2 =	sld [smem:$0x3FD0];
	(tm) =	ssettm $0x1  }
0x91: {  	s18 =	sld [smem:$0x3FFB];
	_ =	sdelay $0x3  }
0x92: {  	_ =	strace s18  }
0x93: {  	s3 =	sld [smem:$0x3FFC];
	_ =	sdelay $0x3  }
0x94: {  	_ =	strace s3  }
0x95: {  	s3 =	sld [smem:$0x3FFD];
	_ =	sdelay $0x3  }
0x96: {  	_ =	strace s3  }
0x97: {  	_ =	strace $0x8FFFFFFF  }
0x98: {  	s19 =	sld [smem:$0x3FDB];
	_ =	sdelay $0x1  }
0x99: {  	s4 =	simm.s32 $_scs_section_size  }
0x9a: {  	s5 =	simm.s32 $_size__tile_overlayer_lowered;
	s6 =	simm.s32 $_tile_overlayer_lowered  }
0x9b: {  	s22 =	simm.s32 $0x1BFF;
	s21 =	sshll.u32 s6, $0x1;
	s3 =	sadd.s32 s4, s19  }
0x9c: {  	s7 =	simm.s32 $0x0;
	s20 =	sshll.u32 s5, $0x1;
	s5 =	sadd.s32 s21, s3  }
0x9d: {  	[timem:s7], [sflag:s22] =	dma.local [hbm:s5], s20  }
0x9e: {  	_ =	swait.ge [sflag:s22], s20  }
0x9f: {  	s4 =	ssub.s32 $0x0, s20;
	[sflag:s22] =	ssyncset.done $0x0  }
0xa0: {  	[sflag:s22] =	ssyncadd.s32 s4;
	_ =	sdelay $0x1  }
0xa1: {  	s23 =	simm.s32 $0x1B8B  }
0xa2: {  	_ =	swait.ge [sflag:s23], $0x1  }
0xa3: {  	[sflag:s23] =	ssyncset.done $0x0  }
0xa4: {  	s25 =	simm.s32 $0x1B8E;
	s24 =	sld [smem:$0x3FFE];
	[sflag:s23] =	ssyncadd.s32 $0xFFFFFFFF  }
0xa5: {  	s26 =	simm.s32 $execute0_lowered;
	[smem:$0x3FD2] =	sst s25  }
0xa6: {  	s5 =	sshll.u32 s26, $0x1;
	_ =	strace $0x80000046;
	[dreg:$0x1] =	wrdreg $0xFFFFFFFF  }
0xa7: {  	s28 =	simm.s32 $_size_execute0_lowered;
	s3 =	sadd.s32 s3, s5;
	[dreg:$0x0] =	wrdreg $0x0  }
0xa8: {  	s5 =	sshll.u32 s28, $0x1;
	[dreg:$0x2] =	wrdreg s3  }
0xa9: {  	[dreg:$0x3] =	wrdreg s5  }
0xaa: {  	[dreg:$0x4] =	wrdreg $0xC0  }
0xab: {  	_ =	task [dreg:s7], $0x5FFFF  }
0xac: {  	[dreg:$0x1] =	wrdreg $0xFFFFFFFF  }
0xad: {  	[dreg:$0x0] =	wrdreg $0x60  }
0xae: {  	[dreg:$0x2] =	wrdreg s24  }
0xaf: {  	[dreg:$0x3] =	wrdreg s2  }
0xb0: {  	[dreg:$0x4] =	wrdreg $0x9  }
0xb1: {  	_ =	task.clear_ibuf [dreg:s7], $0x5FFFF;
	_ =	strace $0x90000046  }
0xb2: {  	s29 =	simm.s32 $0x9;
	_ =	strace $0x80000048  }
0xb3: {  	_ =	swait.ge [sflag:s29], $0x1  }
0xb4: {  	[sflag:s29] =	ssyncadd.s32 $0xFFFFFFFF  }
0xb5: {  	_ =	strace $0x90000048  }
0xb6: {  	_ =	sfence  }
0xb7: {  	s30 =	sld [smem:$0x0];
	_ =	sdelay $0x2  }
0xb8: {  	s31 =	sshll.u32 s1, $0xD;
	s1 =	sshrl.u32 s1, $0x2  }
0xb9: {  	s3 =	sand.u32 $0x4000, s31;
	s1 =	sadd.s32 s1, s30  }
0xba: {  	s0 =	sor.u32 s3, s0;
	s1 =	sshll.u32 s1, $0x11  }
0xbb: {  	s0 =	sor.u32 s1, s0  }
0xbc: {  	s0 =	sadd.s32 $0x8F2B, s0  }
0xbd: {  	[sflag:s0] =	ssyncadd.remote.s32 $0x1  }
0xbe: {  	_ =	sfence.sel $0xFFFF  }
0xbf: {  	[dreg:$0x0] =	wrdreg $0xFFFFFFFF;
	(pc) =	sbr.abs _section_cstart, $3  }
0xc0: {  	[dreg:$0x1] =	wrdreg $0xFFFFFFFF  }
0xc1: {  	_ =	task.clear_ibuf [dreg:s7], $0x2FFFF;
	_ =	strace $0x9FFFFFFF  }
0xc2: {  	(tm) =	ssettm $0x7FFFFFFF  }
0xc3: {  	_ =	shalt  }
tec
execute0_lowered:
.L_overlay_start_1:
0x0: {  	(tag) =	ssettag $0x1  }
0x1: {  	s0 =	srdreg.scid;
	s5 =	rddreg [dreg:$0x0]  }
0x2: {  	s1 =	stileid.u32;
	s2 =	rddreg [dreg:$0x1]  }
0x3: {  	s4 =	simm.s32 $0x0;
	s8 =	simm.s32 $0x9;
	s9 =	simm.s32 $0x80  }
0x4: {  	s16 =	simm.s32 $0x1;
	s17 =	simm.s32 $0xE400;
	s18 =	simm.s32 $0x2  }
0x5: {  	s19 =	simm.s32 $0x10600;
	s20 =	simm.s32 $0x3;
	s21 =	simm.s32 $0x12800  }
0x6: {  	s22 =	simm.s32 $0x4;
	s0 =	sand.u32 $0x1, s0;
	s1 =	sshll.u32 s1, $0x1  }
0x7: {  	s23 =	simm.s32 $0x14A00;
	s24 =	simm.s32 $0x5;
	s1 =	sor.u32 s0, s1  }
0x8: {  	s25 =	simm.s32 $0x6;
	s26 =	simm.s32 $0x7;
	s3 =	smul.u32 $0x6400, s1  }
0x9: {  	v0 =	vlaneseq.u32;
	s28 =	simm.s32 $0x8;
	s29 =	simm.s32 $0x0;
	s0 =	ssub.s32 $0x2, s0  }
0xa: {  	[smem:$0x7FF] =	sst s4;
	v0 =	vmul.u32 $0x88, v0;
	s6 =	sshrl.u32 s0, $0x1;
	s1 =	sshrl.u32 s3, $0x3  }
0xb: {  	_ =	strace $0x80000047;
	s0 =	ssub.s32 s0, s6;
	s1 =	sadd.s32 s1, s5  }
0xc: {  	v1 =	vadd.s32 $0x880, v0;
	v2 =	vadd.s32 $0x1100, v0;
	v3 =	vadd.s32 $0x1980, v0;
	s7 =	smax.u32 s0, $0x1;
	s5 =	sadd.s32 $0x19400, s5;
	s6 =	sadd.s32 $0x400, s1  }
.LBB2_1:
0xd: {  	[tilespmem:s4], [sflag:$0x9] =	stream.linear.gather [hbm4b:s6+s4], $0x6400, $0x38;
	[tilespmem:$0x16C00] =	vst v63  }
0xe: {  	_ =	swait.ge [sflag:s8], $0x6400  }
0xf: {  	[sflag:s8] =	ssyncset.done $0x0  }
0x10: {  	s0 =	simm.s32 $0x6400;
	[sflag:s8] =	ssyncadd.s32 $0xFFFF9C00  }
0x11: {  	[tilespmem:s0], [sflag:$0x1] =	stream.indirect.gather [hbm4b:s5+s9], $0x40, s4, s9, $0xb8;
	[tilespmem:$0x16C00] =	vst v63  }
0x12: {  	s13 =	simm.s32 $0x8400  }
0x13: {  	[tilespmem:s13], [sflag:$0x2] =	stream.indirect.gather [hbm4b:s5+s9], $0x40, s9, s9, $0xb8;
	[tilespmem:$0x16C00] =	vst v63  }
0x14: {  	s14 =	simm.s32 $0x100;
	s1 =	simm.s32 $0xA400  }
0x15: {  	[tilespmem:s1], [sflag:$0x3] =	stream.indirect.gather [hbm4b:s5+s9], $0x40, s14, s9, $0xb8;
	[tilespmem:$0x16C00] =	vst v63  }
0x16: {  	s15 =	simm.s32 $0x180;
	s31 =	simm.s32 $0xC400;
	s30 =	simm.s32 $0x0  }
0x17: {  	[tilespmem:s31], [sflag:$0x4] =	stream.indirect.gather [hbm4b:s5+s9], $0x40, s15, s9, $0xb8;
	[tilespmem:$0x16C00] =	vst v63  }
.LBB2_2:
0x18: {  	_ =	swait.ge [sflag:s16], $0x2000  }
0x19: {  	p0 =	seq.s32 s30, $0x0;
	[sflag:s16] =	ssyncset.done $0x0  }
0x1a: {  	s0 =	simm.s32 @!p0 $0x5;
	[sflag:s16] =	ssyncadd.s32 $0xFFFFE000  }
0x1b: {  	s1 =	simm.s32 $0x3;
	_ =	swait.ge @!p0 [sflag:s0], $0x2000  }
0x1c: {  	s10 =	simm.s32 $0x0;
	v4 =	vmov s1;
	[sflag:s0] =	ssyncset.done @!p0 $0x0  }
0x1d: {  	s11 =	simm.s32 $0x1;
	s1 =	simm.s32 $0x6480;
	v5 =	vand.u32 $0x7F, v4;
	v4 =	vmov s10;
	[sflag:s0] =	ssyncadd.s32 @!p0 $0xFFFFE000  }
0x1e: {  	v8 =	vadd.s32 v0, v5;
	v6 =	vand.u32 $0x7C, v4;
	v4 =	vmov s11;
	v7 =	vld [tilespmem:s1+$0x40]  }
0x1f: {  	v10 =	vadd.s32 v0, v6;
	v11 =	vand.u32 $0x7D, v4;
	v9 =	vld [tilespmem:s1+$0xFFFFFF80]  }
0x20: {  	s12 =	simm.s32 $0x2;
	v12 =	vadd.s32 v0, v11;
	v4 =	vld [tilespmem:s1+$0xFFFFFFC0]  }
0x21: {  	v13 =	vmov s12  }
0x22: {  	v13 =	vand.u32 $0x7E, v13  }
0x23: {  	v15 =	vadd.s32 v0, v13;
	v14 =	vld [tilespmem:s1+$0x0];
	[tilespmem:v8+s17+$0x0] =	vst.idx.msk $0xffff, v7  }
0x24: {  	v8 =	vadd.s32 v1, v5;
	[tilespmem:v10+s17+$0x0] =	vst.idx.msk $0xffff, v9;
	v7 =	vld [tilespmem:s1+$0x50]  }
0x25: {  	v10 =	vadd.s32 v1, v6;
	[tilespmem:v12+s17+$0x0] =	vst.idx.msk $0xffff, v4;
	v9 =	vld [tilespmem:s1+$0xFFFFFF90]  }
0x26: {  	v12 =	vadd.s32 v1, v11;
	v4 =	vld [tilespmem:s1+$0xFFFFFFD0];
	_ =	sdelay $0x1  }
0x27: {  	[tilespmem:v15+s17+$0x0] =	vst.idx.msk $0xffff, v14  }
0x28: {  	v16 =	vadd.s32 v1, v13;
	v15 =	vld [tilespmem:s1+$0x10];
	[tilespmem:v8+s17+$0x0] =	vst.idx.msk $0xffff, v7  }
0x29: {  	s13 =	simm.s32 $0x7;
	v14 =	vadd.s32 v2, v5;
	[tilespmem:v10+s17+$0x0] =	vst.idx.msk $0xffff, v9;
	v7 =	vld [tilespmem:s1+$0x60]  }
0x2a: {  	v10 =	vadd.s32 v2, v6;
	v8 =	vmov s13;
	[tilespmem:v12+s17+$0x0] =	vst.idx.msk $0xffff, v4;
	v9 =	vld [tilespmem:s1+$0xFFFFFFA0]  }
0x2b: {  	v17 =	vadd.s32 v2, v11;
	s0 =	simm.s32 $0x6580;
	v8 =	vand.u32 $0x7F, v8;
	v12 =	vld [tilespmem:s1+$0xFFFFFFE0]  }
0x2c: {  	s10 =	simm.s32 $0x4;
	v18 =	vld [tilespmem:s0+$0x40];
	v19 =	vadd.s32 v0, v8  }
0x2d: {  	s14 =	simm.s32 $0x5;
	v4 =	vmov s10;
	[tilespmem:v16+s17+$0x0] =	vst.idx.msk $0xffff, v15  }
0x2e: {  	v22 =	vmov s14;
	v4 =	vand.u32 $0x7C, v4;
	[tilespmem:v14+s17+$0x0] =	vst.idx.msk $0xffff, v7  }
0x2f: {  	s15 =	simm.s32 $0x6;
	v20 =	vld [tilespmem:s0+$0xFFFFFF80];
	v21 =	vadd.s32 v0, v4;
	v7 =	vand.u32 $0x7D, v22;
	[tilespmem:v10+s17+$0x0] =	vst.idx.msk $0xffff, v9  }
0x30: {  	v14 =	vmov s15;
	v9 =	vld [tilespmem:s0+$0xFFFFFFC0];
	[tilespmem:v17+s17+$0x0] =	vst.idx.msk $0xffff, v12;
	v10 =	vadd.s32 v0, v7  }
0x31: {  	v16 =	vadd.s32 v3, v5;
	v12 =	vld [tilespmem:s1+$0x20];
	v5 =	vand.u32 $0x7E, v14;
	[tilespmem:v19+s17+$0x0] =	vst.idx.msk $0xffff, v18;
	v18 =	vadd.s32 v2, v13  }
0x32: {  	v14 =	vld [tilespmem:s0+$0x0];
	v63 =	vadd.s32 v0, v5  }
0x33: {  	v15 =	vld [tilespmem:s1+$0x70]  }
0x34: {  	[tilespmem:v21+s17+$0x0] =	vst.idx.msk $0xffff, v20;
	v20 =	vadd.s32 v1, v8;
	v19 =	vld [tilespmem:s0+$0x50]  }
0x35: {  	v23 =	vadd.s32 v1, v4;
	v21 =	vld [tilespmem:s0+$0xFFFFFF90];
	[tilespmem:v10+s17+$0x0] =	vst.idx.msk $0xffff, v9  }
0x36: {  	v25 =	vadd.s32 v3, v11;
	v24 =	vld [tilespmem:s1+$0xFFFFFFF0];
	[tilespmem:v18+s17+$0x0] =	vst.idx.msk $0xffff, v12  }
0x37: {  	v18 =	vadd.s32 v1, v7;
	v17 =	vld [tilespmem:s0+$0xFFFFFFD0];
	[tilespmem:v63+s17+$0x0] =	vst.idx.msk $0xffff, v14  }
0x38: {  	[tilespmem:v16+s17+$0x0] =	vst.idx.msk $0xffff, v15;
	v16 =	vadd.s32 v1, v5;
	v14 =	vld [tilespmem:s0+$0x10]  }
0x39: {  	v15 =	vadd.s32 v3, v13;
	[tilespmem:v20+s17+$0x0] =	vst.idx.msk $0xffff, v19;
	v10 =	vld [tilespmem:s1+$0x30]  }
0x3a: {  	s31 =	sshll.u32 s30, $0x9;
	v12 =	vadd.s32 v2, v8;
	[tilespmem:v23+s17+$0x0] =	vst.idx.msk $0xffff, v21;
	v9 =	vld [tilespmem:s0+$0x60]  }
0x3b: {  	s12 =	simm.s32 $0xB;
	s11 =	simm.s32 $0xC;
	s10 =	simm.s32 $0x8;
	v13 =	vadd.s32 v2, v4;
	[tilespmem:v25+s17+$0x0] =	vst.idx.msk $0xffff, v24;
	v11 =	vld [tilespmem:s0+$0xFFFFFFA0]  }
.LBB2_3:
0x3c: {  	p1 =	slt.u32 s11, $0x7C;
	v19 =	vmov s12;
	[tilespmem:v18+s17+$0x0] =	vst.idx.msk $0xffff, v17;
	v17 =	vld [tilespmem:s1+$0xFFFFFFB0];
	v18 =	vadd.s32 v3, v6;
	v6 =	vmov v4;
	s1 =	smov.u32 s0  }
0x3d: {  	v4 =	vmov s10;
	v21 =	vadd.s32 v2, v7;
	s0 =	sadd.s32 $0x100, s0;
	v19 =	vand.u32 $0x7F, v19;
	v20 =	vld [tilespmem:s1+$0xFFFFFFE0];
	[tilespmem:v16+s17+$0x0] =	vst.idx.msk $0xffff, v14  }
0x3e: {  	s12 =	sadd.s32 $0x1, s10;
	v4 =	vand.u32 $0x7C, v4;
	v14 =	vld [tilespmem:s0+$0x40];
	v16 =	vadd.s32 v0, v19;
	[tilespmem:v15+s17+$0x0] =	vst.idx.msk $0xffff, v10  }
0x3f: {  	v22 =	vmov s12;
	s12 =	sadd.s32 $0x2, s10;
	s10 =	smov.u32 s11;
	v15 =	vadd.s32 v0, v4;
	v10 =	vld [tilespmem:s0+$0xFFFFFF80];
	[tilespmem:v12+s17+$0x0] =	vst.idx.msk $0xffff, v9  }
0x40: {  	v9 =	vand.u32 $0x7D, v22;
	v12 =	vmov s12;
	[tilespmem:v13+s17+$0x0] =	vst.idx.msk $0xffff, v11;
	v11 =	vld [tilespmem:s1+$0x70];
	v13 =	vadd.s32 v3, v8;
	v8 =	vmovc v19  }
0x41: {  	v22 =	vadd.s32 v0, v9;
	v12 =	vand.u32 $0x7E, v12;
	v19 =	vld [tilespmem:s0+$0xFFFFFFC0];
	[tilespmem:v18+s17+$0x0] =	vst.idx.msk $0xffff, v17  }
0x42: {  	v24 =	vadd.s32 v0, v12;
	v23 =	vld [tilespmem:s0+$0x0];
	[tilespmem:v21+s17+$0x0] =	vst.idx.msk $0xffff, v20  }
0x43: {  	v21 =	vadd.s32 v2, v5;
	[tilespmem:v16+s17+$0x0] =	vst.idx.msk $0xffff, v14;
	v20 =	vld [tilespmem:s1+$0x20]  }
0x44: {  	[tilespmem:v15+s17+$0x0] =	vst.idx.msk $0xffff, v10;
	v10 =	vld [tilespmem:s0+$0x50];
	v15 =	vadd.s32 v1, v8  }
0x45: {  	v26 =	vadd.s32 v1, v4;
	v25 =	vld [tilespmem:s0+$0xFFFFFF90];
	[tilespmem:v13+s17+$0x0] =	vst.idx.msk $0xffff, v11  }
0x46: {  	[tilespmem:v22+s17+$0x0] =	vst.idx.msk $0xffff, v19;
	v19 =	vld [tilespmem:s1+$0xFFFFFFF0];
	v22 =	vadd.s32 v3, v7;
	v7 =	vmov v9  }
.Ltmp0:
0x47: {  	v17 =	vld [tilespmem:s0+$0xFFFFFFD0];
	v18 =	vadd.s32 v1, v7;
	[tilespmem:v24+s17+$0x0] =	vst.idx.msk $0xffff, v23;
	(pc) =	sbr.rel @p1 .LBB2_3-.Ltmp0, $4  }
0x48: {  	v16 =	vadd.s32 v1, v12;
	v14 =	vld [tilespmem:s0+$0x10];
	[tilespmem:v21+s17+$0x0] =	vst.idx.msk $0xffff, v20  }
0x49: {  	[tilespmem:v15+s17+$0x0] =	vst.idx.msk $0xffff, v10;
	v10 =	vld [tilespmem:s1+$0x30];
	v15 =	vadd.s32 v3, v5;
	v5 =	vmov v12  }
0x4a: {  	v12 =	vadd.s32 v2, v8;
	[tilespmem:v26+s17+$0x0] =	vst.idx.msk $0xffff, v25;
	v9 =	vld [tilespmem:s0+$0x60]  }
0x4b: {  	s11 =	sadd.s32 $0x4, s11;
	s12 =	sadd.s32 $0x3, s10;
	v13 =	vadd.s32 v2, v4;
	v11 =	vld [tilespmem:s0+$0xFFFFFFA0];
	[tilespmem:v22+s17+$0x0] =	vst.idx.msk $0xffff, v19  }
0x4c: {  	_ =	sdelay $0x2  }
0x4d: {  	v19 =	vmov s12  }
0x4e: {  	s11 =	sadd.s32 $0x1, s10;
	[tilespmem:v18+s17+$0x0] =	vst.idx.msk $0xffff, v17;
	v30 =	vld [tilespmem:s1+$0xFFFFFFB0];
	v6 =	vadd.s32 v3, v6;
	s12 =	sadd.s32 $0x100, s0;
	v21 =	vmov s10;
	v31 =	vand.u32 $0x7F, v19  }
0x4f: {  	s13 =	sadd.s32 $0x2, s10;
	v32 =	vmov s11;
	[tilespmem:v16+s17+$0x0] =	vst.idx.msk $0xffff, v14;
	v33 =	vld [tilespmem:s12+$0x40];
	v21 =	vand.u32 $0x7C, v21;
	v34 =	vadd.s32 v0, v31  }
0x50: {  	v20 =	vmov s13;
	v22 =	vld [tilespmem:s12+$0xFFFFFF80];
	v19 =	vand.u32 $0x7D, v32;
	[tilespmem:v15+s17+$0x0] =	vst.idx.msk $0xffff, v10;
	v39 =	vadd.s32 v0, v21  }
0x51: {  	v35 =	vld [tilespmem:s12+$0xFFFFFFC0];
	v20 =	vand.u32 $0x7E, v20;
	v36 =	vadd.s32 v0, v19;
	[tilespmem:v12+s17+$0x0] =	vst.idx.msk $0xffff, v9  }
0x52: {  	v37 =	vld [tilespmem:s12+$0x0];
	v38 =	vadd.s32 v0, v20;
	[tilespmem:v13+s17+$0x0] =	vst.idx.msk $0xffff, v11  }
0x53: {  	v41 =	vadd.s32 v2, v7;
	v40 =	vld [tilespmem:s0+$0xFFFFFFE0];
	[tilespmem:v6+s17+$0x0] =	vst.idx.msk $0xffff, v30  }
0x54: {  	v49 =	vadd.s32 v2, v5;
	v48 =	vld [tilespmem:s0+$0x20];
	[tilespmem:v34+s17+$0x0] =	vst.idx.msk $0xffff, v33  }
0x55: {  	v43 =	vadd.s32 v1, v31;
	[tilespmem:v39+s17+$0x0] =	vst.idx.msk $0xffff, v22;
	v14 =	vld [tilespmem:s12+$0x50]  }
0x56: {  	v47 =	vadd.s32 v1, v21;
	[tilespmem:v36+s17+$0x0] =	vst.idx.msk $0xffff, v35;
	v46 =	vld [tilespmem:s12+$0xFFFFFF90]  }
0x57: {  	v44 =	vadd.s32 v1, v19;
	[tilespmem:v38+s17+$0x0] =	vst.idx.msk $0xffff, v37;
	v10 =	vld [tilespmem:s12+$0xFFFFFFD0]  }
0x58: {  	v45 =	vadd.s32 v1, v20;
	[tilespmem:v41+s17+$0x0] =	vst.idx.msk $0xffff, v40;
	v9 =	vld [tilespmem:s12+$0x10]  }
0x59: {  	v8 =	vadd.s32 v3, v8;
	v42 =	vld [tilespmem:s0+$0x70];
	[tilespmem:v49+s17+$0x0] =	vst.idx.msk $0xffff, v48  }
0x5a: {  	v5 =	vadd.s32 v3, v5;
	v13 =	vld [tilespmem:s0+$0x30];
	[tilespmem:v43+s17+$0x0] =	vst.idx.msk $0xffff, v14  }
0x5b: {  	v52 =	vadd.s32 v2, v31;
	[tilespmem:v47+s17+$0x0] =	vst.idx.msk $0xffff, v46;
	v14 =	vld [tilespmem:s12+$0x60]  }
0x5c: {  	v57 =	vadd.s32 v2, v21;
	[tilespmem:v44+s17+$0x0] =	vst.idx.msk $0xffff, v10;
	v56 =	vld [tilespmem:s12+$0xFFFFFFA0]  }
0x5d: {  	v53 =	vadd.s32 v2, v19;
	[tilespmem:v45+s17+$0x0] =	vst.idx.msk $0xffff, v9;
	v10 =	vld [tilespmem:s12+$0xFFFFFFE0]  }
0x5e: {  	v55 =	vadd.s32 v2, v20;
	[tilespmem:v8+s17+$0x0] =	vst.idx.msk $0xffff, v42;
	v54 =	vld [tilespmem:s12+$0x20]  }
0x5f: {  	v4 =	vadd.s32 v3, v4;
	v58 =	vld [tilespmem:s0+$0xFFFFFFB0];
	[tilespmem:v5+s17+$0x0] =	vst.idx.msk $0xffff, v13  }
0x60: {  	v51 =	vadd.s32 v3, v7;
	v50 =	vld [tilespmem:s0+$0xFFFFFFF0];
	[tilespmem:v52+s17+$0x0] =	vst.idx.msk $0xffff, v14  }
0x61: {  	v60 =	vadd.s32 v3, v31;
	[tilespmem:v57+s17+$0x0] =	vst.idx.msk $0xffff, v56;
	v59 =	vld [tilespmem:s12+$0x70]  }
0x62: {  	v63 =	vadd.s32 v3, v21;
	[tilespmem:v53+s17+$0x0] =	vst.idx.msk $0xffff, v10;
	v5 =	vld [tilespmem:s12+$0xFFFFFFB0]  }
0x63: {  	v61 =	vadd.s32 v3, v19;
	[tilespmem:v55+s17+$0x0] =	vst.idx.msk $0xffff, v54;
	v10 =	vld [tilespmem:s12+$0xFFFFFFF0]  }
0x64: {  	v62 =	vadd.s32 v3, v20;
	[tilespmem:v4+s17+$0x0] =	vst.idx.msk $0xffff, v58;
	v6 =	vld [tilespmem:s12+$0x30]  }
0x65: {  	[tilespmem:v51+s17+$0x0] =	vst.idx.msk $0xffff, v50  }
0x66: {  	p1 =	seq.s32 s30, $0x31;
	[tilespmem:v60+s17+$0x0] =	vst.idx.msk $0xffff, v59  }
0x67: {  	s0 =	sshll.u32 @!p1 s30, $0x9;
	[tilespmem:v63+s17+$0x0] =	vst.idx.msk $0xffff, v5  }
0x68: {  	s14 =	sadd.s32 s3, s31;
	s1 =	sand.u32 @!p1 $0x3FFFFE00, s0;
	[tilespmem:v61+s17+$0x0] =	vst.idx.msk $0xffff, v10  }
0x69: {  	s10 =	simm.s32 @!p1 $0x80;
	s11 =	simm.s32 @!p1 $0x6400;
	s0 =	sadd.s32 @!p1 $0x200, s1;
	[tilespmem:v62+s17+$0x0] =	vst.idx.msk $0xffff, v6  }
0x6a: {  	[tilespmem:s11], [sflag:$0x1] =	stream.indirect.gather @!p1 [hbm4b:s5+s10], $0x40, s0, s10, $0xb8;
	[tilespmem:$0x16C00] =	vst v63  }
0x6b: {  	s15 =	sshll.u32 s14, $0x3;
	s0 =	sand.u32 $0xE00, s14  }
0x6c: {  	s10 =	sand.u32 $0xFFF8000, s15;
	s0 =	sadd.s32 s2, s0  }
0x6d: {  	s11 =	simm.s32 $0xE400;
	s10 =	sadd.s32 s10, s0  }
0x6e: {  	[hbm4b:s10+s4] =	stream.linear.scatter [tilespmem:s11], [sflag:$0x5], $0x80, $0x38;
	[tilespmem:$0x16C00] =	vst v63  }
0x6f: {  	s12 =	simm.s32 $0xE488;
	s13 =	sadd.s32 $0x10, s10  }
0x70: {  	[hbm4b:s13+s4] =	stream.linear.scatter [tilespmem:s12], [sflag:$0x5], $0x80, $0x38;
	[tilespmem:$0x16C00] =	vst v63  }
0x71: {  	s14 =	simm.s32 $0xE510;
	s0 =	simm.s32 $0x440;
	s15 =	sadd.s32 $0x20, s10  }
0x72: {  	[hbm4b:s15+s4] =	stream.linear.scatter [tilespmem:s14], [sflag:$0x5], $0x80, $0x38;
	[tilespmem:$0x16C00] =	vst v63  }
0x73: {  	s11 =	simm.s32 $0x2200;
	s12 =	simm.s32 $0xE598;
	s13 =	sadd.s32 $0x30, s10  }
0x74: {  	[hbm4b:s13+s4] =	stream.linear.scatter [tilespmem:s12], [sflag:$0x5], $0x80, $0x38;
	[tilespmem:$0x16C00] =	vst v63  }
0x75: {  	s14 =	simm.s32 $0xE620;
	s15 =	sadd.s32 $0x40, s10;
	s12 =	simm.s32 $0xE6A8  }
0x76: {  	[hbm4b:s15+s4] =	stream.linear.scatter [tilespmem:s14], [sflag:$0x5], $0x80, $0x38;
	[tilespmem:$0x16C00] =	vst v63  }
0x77: {  	s13 =	sadd.s32 $0x50, s10;
	s14 =	simm.s32 $0xE730;
	s15 =	sadd.s32 $0x60, s10  }
0x78: {  	[hbm4b:s13+s4] =	stream.linear.scatter [tilespmem:s12], [sflag:$0x5], $0x80, $0x38;
	[tilespmem:$0x16C00] =	vst v63  }
0x79: {  	s12 =	simm.s32 $0xE7B8;
	s13 =	sadd.s32 $0x70, s10;
	s10 =	sadd.s32 $0x1000, s10  }
0x7a: {  	[hbm4b:s15+s4] =	stream.linear.scatter [tilespmem:s14], [sflag:$0x5], $0x80, $0x38;
	[tilespmem:$0x16C00] =	vst v63  }
.LBB2_5:
0x7b: {  	[hbm4b:s13+s4] =	stream.linear.scatter [tilespmem:s12], [sflag:$0x5], $0x80, $0x38;
	[tilespmem:$0x16C00] =	vst v63  }
0x7c: {  	s12 =	smov.u32 s0;
	s0 =	smov.u32 s11  }
0x7d: {  	s14 =	sadd.s32 $0x1100, s11;
	s0 =	sshra.s32 s0, $0x2;
	s13 =	sadd.s32 $0xE400, s12  }
0x7e: {  	[hbm4b:s10+s4] =	stream.linear.scatter [tilespmem:s13], [sflag:$0x5], $0x80, $0x38;
	[tilespmem:$0x16C00] =	vst v63  }
0x7f: {  	p2 =	sne.s32 s11, $0x7700;
	s11 =	sadd.s32 $0xE488, s12;
	s13 =	sadd.s32 $0x10, s10  }
0x80: {  	[hbm4b:s13+s4] =	stream.linear.scatter [tilespmem:s11], [sflag:$0x5], $0x80, $0x38;
	[tilespmem:$0x16C00] =	vst v63  }
0x81: {  	s11 =	sadd.s32 $0xE510, s12;
	s13 =	sadd.s32 $0x20, s10  }
0x82: {  	[hbm4b:s13+s4] =	stream.linear.scatter [tilespmem:s11], [sflag:$0x5], $0x80, $0x38;
	[tilespmem:$0x16C00] =	vst v63  }
0x83: {  	s11 =	sadd.s32 $0xE598, s12;
	s13 =	sadd.s32 $0x30, s10  }
0x84: {  	[hbm4b:s13+s4] =	stream.linear.scatter [tilespmem:s11], [sflag:$0x5], $0x80, $0x38;
	[tilespmem:$0x16C00] =	vst v63  }
0x85: {  	s11 =	sadd.s32 $0xE620, s12;
	s13 =	sadd.s32 $0x40, s10  }
0x86: {  	[hbm4b:s13+s4] =	stream.linear.scatter [tilespmem:s11], [sflag:$0x5], $0x80, $0x38;
	[tilespmem:$0x16C00] =	vst v63  }
.Ltmp1:
0x87: {  	s11 =	sadd.s32 $0xE6A8, s12;
	s13 =	sadd.s32 $0x50, s10;
	(pc) =	sbr.rel @p2 .LBB2_5-.Ltmp1, $4  }
0x88: {  	[hbm4b:s13+s4] =	stream.linear.scatter [tilespmem:s11], [sflag:$0x5], $0x80, $0x38;
	[tilespmem:$0x16C00] =	vst v63  }
0x89: {  	s11 =	sadd.s32 $0xE730, s12;
	s13 =	sadd.s32 $0x60, s10;
	s12 =	sadd.s32 $0xE7B8, s12  }
0x8a: {  	[hbm4b:s13+s4] =	stream.linear.scatter [tilespmem:s11], [sflag:$0x5], $0x80, $0x38;
	[tilespmem:$0x16C00] =	vst v63  }
0x8b: {  	s13 =	sadd.s32 $0x70, s10;
	s10 =	sadd.s32 $0x1000, s10;
	s11 =	smov.u32 s14  }
0x8c: {  	[hbm4b:s13+s4] =	stream.linear.scatter [tilespmem:s12], [sflag:$0x5], $0x80, $0x38;
	[tilespmem:$0x16C00] =	vst v63  }
0x8d: {  	s11 =	sadd.s32 $0xE400, s0  }
0x8e: {  	[hbm4b:s10+s4] =	stream.linear.scatter [tilespmem:s11], [sflag:$0x5], $0x80, $0x38;
	[tilespmem:$0x16C00] =	vst v63  }
0x8f: {  	s12 =	sadd.s32 $0xE488, s0;
	s13 =	sadd.s32 $0x10, s10  }
0x90: {  	[hbm4b:s13+s4] =	stream.linear.scatter [tilespmem:s12], [sflag:$0x5], $0x80, $0x38;
	[tilespmem:$0x16C00] =	vst v63  }
0x91: {  	s14 =	sadd.s32 $0xE510, s0;
	s15 =	sadd.s32 $0x20, s10  }
0x92: {  	[hbm4b:s15+s4] =	stream.linear.scatter [tilespmem:s14], [sflag:$0x5], $0x80, $0x38;
	[tilespmem:$0x16C00] =	vst v63  }
0x93: {  	s12 =	sadd.s32 $0xE598, s0;
	s13 =	sadd.s32 $0x30, s10  }
0x94: {  	[hbm4b:s13+s4] =	stream.linear.scatter [tilespmem:s12], [sflag:$0x5], $0x80, $0x38;
	[tilespmem:$0x16C00] =	vst v63  }
0x95: {  	s14 =	sadd.s32 $0xE620, s0;
	s15 =	sadd.s32 $0x40, s10  }
0x96: {  	[hbm4b:s15+s4] =	stream.linear.scatter [tilespmem:s14], [sflag:$0x5], $0x80, $0x38;
	[tilespmem:$0x16C00] =	vst v63  }
0x97: {  	s12 =	sadd.s32 $0xE6A8, s0;
	s13 =	sadd.s32 $0x50, s10  }
0x98: {  	[hbm4b:s13+s4] =	stream.linear.scatter [tilespmem:s12], [sflag:$0x5], $0x80, $0x38;
	[tilespmem:$0x16C00] =	vst v63  }
0x99: {  	s14 =	sadd.s32 $0xE730, s0;
	s15 =	sadd.s32 $0x60, s10  }
0x9a: {  	[hbm4b:s15+s4] =	stream.linear.scatter [tilespmem:s14], [sflag:$0x5], $0x80, $0x38;
	[tilespmem:$0x16C00] =	vst v63  }
0x9b: {  	s11 =	sadd.s32 $0xE7B8, s0;
	s12 =	sadd.s32 $0x70, s10  }
0x9c: {  	[hbm4b:s12+s4] =	stream.linear.scatter [tilespmem:s11], [sflag:$0x5], $0x80, $0x38;
	[tilespmem:$0x16C00] =	vst v63  }
0x9d: {  	_ =	swait.ge [sflag:s18], $0x2000  }
0x9e: {  	[sflag:s18] =	ssyncset.done $0x0  }
0x9f: {  	s0 =	simm.s32 @!p0 $0x6;
	[sflag:s18] =	ssyncadd.s32 $0xFFFFE000  }
0xa0: {  	s13 =	simm.s32 $0x3;
	_ =	swait.ge @!p0 [sflag:s0], $0x2000  }
0xa1: {  	v4 =	vmov s13;
	s14 =	simm.s32 $0x0;
	[sflag:s0] =	ssyncset.done @!p0 $0x0  }
0xa2: {  	s10 =	simm.s32 $0x8480;
	v5 =	vand.u32 $0x7F, v4;
	s15 =	simm.s32 $0x1;
	v4 =	vmov s14;
	[sflag:s0] =	ssyncadd.s32 @!p0 $0xFFFFE000  }
0xa3: {  	v8 =	vadd.s32 v0, v5;
	v6 =	vand.u32 $0x7C, v4;
	v4 =	vmov s15;
	v7 =	vld [tilespmem:s10+$0x40]  }
0xa4: {  	v10 =	vadd.s32 v0, v6;
	v11 =	vand.u32 $0x7D, v4;
	v9 =	vld [tilespmem:s10+$0xFFFFFF80]  }
0xa5: {  	s11 =	simm.s32 $0x2;
	v12 =	vadd.s32 v0, v11;
	v4 =	vld [tilespmem:s10+$0xFFFFFFC0]  }
0xa6: {  	v13 =	vmov s11  }
0xa7: {  	v13 =	vand.u32 $0x7E, v13  }
0xa8: {  	v15 =	vadd.s32 v0, v13;
	v14 =	vld [tilespmem:s10+$0x0];
	[tilespmem:v8+s19+$0x0] =	vst.idx.msk $0xffff, v7  }
0xa9: {  	v8 =	vadd.s32 v1, v5;
	[tilespmem:v10+s19+$0x0] =	vst.idx.msk $0xffff, v9;
	v7 =	vld [tilespmem:s10+$0x50]  }
0xaa: {  	v10 =	vadd.s32 v1, v6;
	[tilespmem:v12+s19+$0x0] =	vst.idx.msk $0xffff, v4;
	v9 =	vld [tilespmem:s10+$0xFFFFFF90]  }
0xab: {  	v12 =	vadd.s32 v1, v11;
	v4 =	vld [tilespmem:s10+$0xFFFFFFD0];
	_ =	sdelay $0x1  }
0xac: {  	[tilespmem:v15+s19+$0x0] =	vst.idx.msk $0xffff, v14  }
0xad: {  	v16 =	vadd.s32 v1, v13;
	v15 =	vld [tilespmem:s10+$0x10];
	[tilespmem:v8+s19+$0x0] =	vst.idx.msk $0xffff, v7  }
0xae: {  	s12 =	simm.s32 $0x7;
	v14 =	vadd.s32 v2, v5;
	[tilespmem:v10+s19+$0x0] =	vst.idx.msk $0xffff, v9;
	v7 =	vld [tilespmem:s10+$0x60]  }
0xaf: {  	v10 =	vadd.s32 v2, v6;
	v8 =	vmov s12;
	[tilespmem:v12+s19+$0x0] =	vst.idx.msk $0xffff, v4;
	v9 =	vld [tilespmem:s10+$0xFFFFFFA0]  }
0xb0: {  	v17 =	vadd.s32 v2, v11;
	s0 =	simm.s32 $0x8580;
	v8 =	vand.u32 $0x7F, v8;
	v12 =	vld [tilespmem:s10+$0xFFFFFFE0]  }
0xb1: {  	s13 =	simm.s32 $0x4;
	v18 =	vld [tilespmem:s0+$0x40];
	v19 =	vadd.s32 v0, v8  }
0xb2: {  	s14 =	simm.s32 $0x5;
	v4 =	vmov s13;
	[tilespmem:v16+s19+$0x0] =	vst.idx.msk $0xffff, v15  }
0xb3: {  	v22 =	vmov s14;
	v4 =	vand.u32 $0x7C, v4;
	[tilespmem:v14+s19+$0x0] =	vst.idx.msk $0xffff, v7  }
0xb4: {  	s15 =	simm.s32 $0x6;
	v20 =	vld [tilespmem:s0+$0xFFFFFF80];
	v21 =	vadd.s32 v0, v4;
	v7 =	vand.u32 $0x7D, v22;
	[tilespmem:v10+s19+$0x0] =	vst.idx.msk $0xffff, v9  }
0xb5: {  	v14 =	vmov s15;
	v9 =	vld [tilespmem:s0+$0xFFFFFFC0];
	[tilespmem:v17+s19+$0x0] =	vst.idx.msk $0xffff, v12;
	v10 =	vadd.s32 v0, v7  }
0xb6: {  	v16 =	vadd.s32 v3, v5;
	v12 =	vld [tilespmem:s10+$0x20];
	v5 =	vand.u32 $0x7E, v14;
	[tilespmem:v19+s19+$0x0] =	vst.idx.msk $0xffff, v18;
	v18 =	vadd.s32 v2, v13  }
0xb7: {  	v14 =	vld [tilespmem:s0+$0x0];
	v63 =	vadd.s32 v0, v5  }
0xb8: {  	v15 =	vld [tilespmem:s10+$0x70]  }
0xb9: {  	[tilespmem:v21+s19+$0x0] =	vst.idx.msk $0xffff, v20;
	v20 =	vadd.s32 v1, v8;
	v19 =	vld [tilespmem:s0+$0x50]  }
0xba: {  	v23 =	vadd.s32 v1, v4;
	v21 =	vld [tilespmem:s0+$0xFFFFFF90];
	[tilespmem:v10+s19+$0x0] =	vst.idx.msk $0xffff, v9  }
0xbb: {  	v25 =	vadd.s32 v3, v11;
	v24 =	vld [tilespmem:s10+$0xFFFFFFF0];
	[tilespmem:v18+s19+$0x0] =	vst.idx.msk $0xffff, v12  }
0xbc: {  	v18 =	vadd.s32 v1, v7;
	v17 =	vld [tilespmem:s0+$0xFFFFFFD0];
	[tilespmem:v63+s19+$0x0] =	vst.idx.msk $0xffff, v14  }
0xbd: {  	[tilespmem:v16+s19+$0x0] =	vst.idx.msk $0xffff, v15;
	v16 =	vadd.s32 v1, v5;
	v15 =	vld [tilespmem:s0+$0x10]  }
0xbe: {  	[tilespmem:v20+s19+$0x0] =	vst.idx.msk $0xffff, v19;
	v11 =	vld [tilespmem:s10+$0x30];
	v14 =	vadd.s32 v3, v13  }
0xbf: {  	v12 =	vadd.s32 v2, v8;
	[tilespmem:v23+s19+$0x0] =	vst.idx.msk $0xffff, v21;
	v9 =	vld [tilespmem:s0+$0x60]  }
0xc0: {  	s11 =	simm.s32 $0x8;
	s13 =	simm.s32 $0xB;
	s12 =	simm.s32 $0xC;
	[tilespmem:v25+s19+$0x0] =	vst.idx.msk $0xffff, v24;
	v13 =	vadd.s32 v2, v4;
	v10 =	vld [tilespmem:s0+$0xFFFFFFA0]  }
.LBB2_7:
0xc1: {  	p2 =	slt.u32 s12, $0x7C;
	v19 =	vmov s13;
	[tilespmem:v18+s19+$0x0] =	vst.idx.msk $0xffff, v17;
	v17 =	vld [tilespmem:s10+$0xFFFFFFB0];
	v18 =	vadd.s32 v3, v6;
	v6 =	vmov v4;
	s10 =	smov.u32 s0  }
0xc2: {  	v4 =	vmov s11;
	v21 =	vadd.s32 v2, v7;
	s0 =	sadd.s32 $0x100, s0;
	v19 =	vand.u32 $0x7F, v19;
	v20 =	vld [tilespmem:s10+$0xFFFFFFE0];
	[tilespmem:v16+s19+$0x0] =	vst.idx.msk $0xffff, v15  }
0xc3: {  	s13 =	sadd.s32 $0x1, s11;
	v4 =	vand.u32 $0x7C, v4;
	v15 =	vld [tilespmem:s0+$0x40];
	v16 =	vadd.s32 v0, v19;
	[tilespmem:v14+s19+$0x0] =	vst.idx.msk $0xffff, v11  }
0xc4: {  	v22 =	vmov s13;
	s13 =	sadd.s32 $0x2, s11;
	s11 =	smov.u32 s12;
	v14 =	vadd.s32 v0, v4;
	v11 =	vld [tilespmem:s0+$0xFFFFFF80];
	[tilespmem:v12+s19+$0x0] =	vst.idx.msk $0xffff, v9  }
0xc5: {  	v9 =	vand.u32 $0x7D, v22;
	v12 =	vmov s13;
	[tilespmem:v13+s19+$0x0] =	vst.idx.msk $0xffff, v10;
	v10 =	vld [tilespmem:s10+$0x70];
	v13 =	vadd.s32 v3, v8;
	v8 =	vmovc v19  }
0xc6: {  	v22 =	vadd.s32 v0, v9;
	v12 =	vand.u32 $0x7E, v12;
	v19 =	vld [tilespmem:s0+$0xFFFFFFC0];
	[tilespmem:v18+s19+$0x0] =	vst.idx.msk $0xffff, v17  }
0xc7: {  	v24 =	vadd.s32 v0, v12;
	v23 =	vld [tilespmem:s0+$0x0];
	[tilespmem:v21+s19+$0x0] =	vst.idx.msk $0xffff, v20  }
0xc8: {  	v21 =	vadd.s32 v2, v5;
	[tilespmem:v16+s19+$0x0] =	vst.idx.msk $0xffff, v15;
	v20 =	vld [tilespmem:s10+$0x20]  }
0xc9: {  	[tilespmem:v14+s19+$0x0] =	vst.idx.msk $0xffff, v11;
	v11 =	vld [tilespmem:s0+$0x50];
	v14 =	vadd.s32 v1, v8  }
0xca: {  	v26 =	vadd.s32 v1, v4;
	v25 =	vld [tilespmem:s0+$0xFFFFFF90];
	[tilespmem:v13+s19+$0x0] =	vst.idx.msk $0xffff, v10  }
0xcb: {  	[tilespmem:v22+s19+$0x0] =	vst.idx.msk $0xffff, v19;
	v19 =	vld [tilespmem:s10+$0xFFFFFFF0];
	v22 =	vadd.s32 v3, v7;
	v7 =	vmov v9  }
.Ltmp2:
0xcc: {  	v17 =	vld [tilespmem:s0+$0xFFFFFFD0];
	v18 =	vadd.s32 v1, v7;
	[tilespmem:v24+s19+$0x0] =	vst.idx.msk $0xffff, v23;
	(pc) =	sbr.rel @p2 .LBB2_7-.Ltmp2, $4  }
0xcd: {  	v16 =	vadd.s32 v1, v12;
	v15 =	vld [tilespmem:s0+$0x10];
	[tilespmem:v21+s19+$0x0] =	vst.idx.msk $0xffff, v20  }
0xce: {  	[tilespmem:v14+s19+$0x0] =	vst.idx.msk $0xffff, v11;
	v11 =	vld [tilespmem:s10+$0x30];
	v14 =	vadd.s32 v3, v5;
	v5 =	vmov v12  }
0xcf: {  	v12 =	vadd.s32 v2, v8;
	[tilespmem:v26+s19+$0x0] =	vst.idx.msk $0xffff, v25;
	v9 =	vld [tilespmem:s0+$0x60]  }
0xd0: {  	s12 =	sadd.s32 $0x4, s12;
	s13 =	sadd.s32 $0x3, s11;
	v13 =	vadd.s32 v2, v4;
	v10 =	vld [tilespmem:s0+$0xFFFFFFA0];
	[tilespmem:v22+s19+$0x0] =	vst.idx.msk $0xffff, v19  }
0xd1: {  	_ =	sdelay $0x2  }
0xd2: {  	v19 =	vmov s13  }
0xd3: {  	s12 =	sadd.s32 $0x1, s11;
	[tilespmem:v18+s19+$0x0] =	vst.idx.msk $0xffff, v17;
	v30 =	vld [tilespmem:s10+$0xFFFFFFB0];
	v6 =	vadd.s32 v3, v6;
	s14 =	sadd.s32 $0x100, s0;
	v21 =	vmov s11;
	v31 =	vand.u32 $0x7F, v19  }
0xd4: {  	s15 =	sadd.s32 $0x2, s11;
	v32 =	vmov s12;
	[tilespmem:v16+s19+$0x0] =	vst.idx.msk $0xffff, v15;
	v33 =	vld [tilespmem:s14+$0x40];
	v21 =	vand.u32 $0x7C, v21;
	v34 =	vadd.s32 v0, v31  }
0xd5: {  	v20 =	vmov s15;
	v22 =	vld [tilespmem:s14+$0xFFFFFF80];
	v19 =	vand.u32 $0x7D, v32;
	[tilespmem:v14+s19+$0x0] =	vst.idx.msk $0xffff, v11;
	v39 =	vadd.s32 v0, v21  }
0xd6: {  	v35 =	vld [tilespmem:s14+$0xFFFFFFC0];
	v20 =	vand.u32 $0x7E, v20;
	v36 =	vadd.s32 v0, v19;
	[tilespmem:v12+s19+$0x0] =	vst.idx.msk $0xffff, v9  }
0xd7: {  	v37 =	vld [tilespmem:s14+$0x0];
	v38 =	vadd.s32 v0, v20;
	[tilespmem:v13+s19+$0x0] =	vst.idx.msk $0xffff, v10  }
0xd8: {  	v41 =	vadd.s32 v2, v7;
	v40 =	vld [tilespmem:s0+$0xFFFFFFE0];
	[tilespmem:v6+s19+$0x0] =	vst.idx.msk $0xffff, v30  }
0xd9: {  	v49 =	vadd.s32 v2, v5;
	v48 =	vld [tilespmem:s0+$0x20];
	[tilespmem:v34+s19+$0x0] =	vst.idx.msk $0xffff, v33  }
0xda: {  	v43 =	vadd.s32 v1, v31;
	[tilespmem:v39+s19+$0x0] =	vst.idx.msk $0xffff, v22;
	v15 =	vld [tilespmem:s14+$0x50]  }
0xdb: {  	v47 =	vadd.s32 v1, v21;
	[tilespmem:v36+s19+$0x0] =	vst.idx.msk $0xffff, v35;
	v46 =	vld [tilespmem:s14+$0xFFFFFF90]  }
0xdc: {  	v44 =	vadd.s32 v1, v19;
	[tilespmem:v38+s19+$0x0] =	vst.idx.msk $0xffff, v37;
	v11 =	vld [tilespmem:s14+$0xFFFFFFD0]  }
0xdd: {  	v45 =	vadd.s32 v1, v20;
	[tilespmem:v41+s19+$0x0] =	vst.idx.msk $0xffff, v40;
	v9 =	vld [tilespmem:s14+$0x10]  }
0xde: {  	v8 =	vadd.s32 v3, v8;
	v42 =	vld [tilespmem:s0+$0x70];
	[tilespmem:v49+s19+$0x0] =	vst.idx.msk $0xffff, v48  }
0xdf: {  	v5 =	vadd.s32 v3, v5;
	v13 =	vld [tilespmem:s0+$0x30];
	[tilespmem:v43+s19+$0x0] =	vst.idx.msk $0xffff, v15  }
0xe0: {  	v52 =	vadd.s32 v2, v31;
	[tilespmem:v47+s19+$0x0] =	vst.idx.msk $0xffff, v46;
	v15 =	vld [tilespmem:s14+$0x60]  }
0xe1: {  	v57 =	vadd.s32 v2, v21;
	[tilespmem:v44+s19+$0x0] =	vst.idx.msk $0xffff, v11;
	v56 =	vld [tilespmem:s14+$0xFFFFFFA0]  }
0xe2: {  	v53 =	vadd.s32 v2, v19;
	[tilespmem:v45+s19+$0x0] =	vst.idx.msk $0xffff, v9;
	v11 =	vld [tilespmem:s14+$0xFFFFFFE0]  }
0xe3: {  	v55 =	vadd.s32 v2, v20;
	[tilespmem:v8+s19+$0x0] =	vst.idx.msk $0xffff, v42;
	v54 =	vld [tilespmem:s14+$0x20]  }
0xe4: {  	v4 =	vadd.s32 v3, v4;
	v58 =	vld [tilespmem:s0+$0xFFFFFFB0];
	[tilespmem:v5+s19+$0x0] =	vst.idx.msk $0xffff, v13  }
0xe5: {  	v51 =	vadd.s32 v3, v7;
	v50 =	vld [tilespmem:s0+$0xFFFFFFF0];
	[tilespmem:v52+s19+$0x0] =	vst.idx.msk $0xffff, v15  }
0xe6: {  	v60 =	vadd.s32 v3, v31;
	[tilespmem:v57+s19+$0x0] =	vst.idx.msk $0xffff, v56;
	v59 =	vld [tilespmem:s14+$0x70]  }
0xe7: {  	v63 =	vadd.s32 v3, v21;
	[tilespmem:v53+s19+$0x0] =	vst.idx.msk $0xffff, v11;
	v5 =	vld [tilespmem:s14+$0xFFFFFFB0]  }
0xe8: {  	v61 =	vadd.s32 v3, v19;
	[tilespmem:v55+s19+$0x0] =	vst.idx.msk $0xffff, v54;
	v11 =	vld [tilespmem:s14+$0xFFFFFFF0]  }
0xe9: {  	v62 =	vadd.s32 v3, v20;
	[tilespmem:v4+s19+$0x0] =	vst.idx.msk $0xffff, v58;
	v6 =	vld [tilespmem:s14+$0x30]  }
0xea: {  	[tilespmem:v51+s19+$0x0] =	vst.idx.msk $0xffff, v50  }
0xeb: {  	[tilespmem:v60+s19+$0x0] =	vst.idx.msk $0xffff, v59  }
0xec: {  	[tilespmem:v63+s19+$0x0] =	vst.idx.msk $0xffff, v5  }
0xed: {  	[tilespmem:v61+s19+$0x0] =	vst.idx.msk $0xffff, v11  }
0xee: {  	s10 =	simm.s32 @!p1 $0x80;
	s11 =	simm.s32 @!p1 $0x8400;
	s0 =	sadd.s32 @!p1 $0x280, s1;
	[tilespmem:v62+s19+$0x0] =	vst.idx.msk $0xffff, v6  }
0xef: {  	[tilespmem:s11], [sflag:$0x2] =	stream.indirect.gather @!p1 [hbm4b:s5+s10], $0x40, s0, s10, $0xb8;
	[tilespmem:$0x16C00] =	vst v63  }
0xf0: {  	s0 =	sadd.s32 s31, s3  }
0xf1: {  	s13 =	sadd.s32 $0x80, s0  }
0xf2: {  	s14 =	sshll.u32 s13, $0x3;
	s10 =	sand.u32 $0xE80, s13  }
0xf3: {  	s11 =	sand.u32 $0xFFF8000, s14;
	s10 =	sadd.s32 s2, s10  }
0xf4: {  	s15 =	simm.s32 $0x10600;
	s11 =	sadd.s32 s11, s10  }
0xf5: {  	[hbm4b:s11+s4] =	stream.linear.scatter [tilespmem:s15], [sflag:$0x6], $0x80, $0x38;
	[tilespmem:$0x16C00] =	vst v63  }
0xf6: {  	s12 =	simm.s32 $0x10688;
	s13 =	sadd.s32 $0x10, s11  }
0xf7: {  	[hbm4b:s13+s4] =	stream.linear.scatter [tilespmem:s12], [sflag:$0x6], $0x80, $0x38;
	[tilespmem:$0x16C00] =	vst v63  }
0xf8: {  	s14 =	simm.s32 $0x10710;
	s15 =	sadd.s32 $0x20, s11  }
0xf9: {  	[hbm4b:s15+s4] =	stream.linear.scatter [tilespmem:s14], [sflag:$0x6], $0x80, $0x38;
	[tilespmem:$0x16C00] =	vst v63  }
0xfa: {  	s12 =	simm.s32 $0x10798;
	s13 =	sadd.s32 $0x30, s11  }
0xfb: {  	[hbm4b:s13+s4] =	stream.linear.scatter [tilespmem:s12], [sflag:$0x6], $0x80, $0x38;
	[tilespmem:$0x16C00] =	vst v63  }
0xfc: {  	s14 =	simm.s32 $0x10820;
	s15 =	sadd.s32 $0x40, s11  }
0xfd: {  	[hbm4b:s15+s4] =	stream.linear.scatter [tilespmem:s14], [sflag:$0x6], $0x80, $0x38;
	[tilespmem:$0x16C00] =	vst v63  }
0xfe: {  	s10 =	simm.s32 $0x440;
	s12 =	simm.s32 $0x108A8;
	s13 =	sadd.s32 $0x50, s11  }
0xff: {  	[hbm4b:s13+s4] =	stream.linear.scatter [tilespmem:s12], [sflag:$0x6], $0x80, $0x38;
	[tilespmem:$0x16C00] =	vst v63  }
0x100: {  	s14 =	simm.s32 $0x10930;
	s15 =	sadd.s32 $0x60, s11;
	s12 =	simm.s32 $0x2200  }
0x101: {  	[hbm4b:s15+s4] =	stream.linear.scatter [tilespmem:s14], [sflag:$0x6], $0x80, $0x38;
	[tilespmem:$0x16C00] =	vst v63  }
0x102: {  	s13 =	simm.s32 $0x109B8;
	s14 =	sadd.s32 $0x70, s11;
	s11 =	sadd.s32 $0x1000, s11  }
.LBB2_9:
0x103: {  	[hbm4b:s14+s4] =	stream.linear.scatter [tilespmem:s13], [sflag:$0x6], $0x80, $0x38;
	[tilespmem:$0x16C00] =	vst v63  }
0x104: {  	s13 =	smov.u32 s10;
	s10 =	smov.u32 s12  }
0x105: {  	s15 =	sadd.s32 $0x1100, s12;
	s10 =	sshra.s32 s10, $0x2;
	s14 =	sadd.s32 $0x10600, s13  }
0x106: {  	[hbm4b:s11+s4] =	stream.linear.scatter [tilespmem:s14], [sflag:$0x6], $0x80, $0x38;
	[tilespmem:$0x16C00] =	vst v63  }
0x107: {  	p2 =	sne.s32 s12, $0x7700;
	s12 =	sadd.s32 $0x10688, s13;
	s14 =	sadd.s32 $0x10, s11  }
0x108: {  	[hbm4b:s14+s4] =	stream.linear.scatter [tilespmem:s12], [sflag:$0x6], $0x80, $0x38;
	[tilespmem:$0x16C00] =	vst v63  }
0x109: {  	s12 =	sadd.s32 $0x10710, s13;
	s14 =	sadd.s32 $0x20, s11  }
0x10a: {  	[hbm4b:s14+s4] =	stream.linear.scatter [tilespmem:s12], [sflag:$0x6], $0x80, $0x38;
	[tilespmem:$0x16C00] =	vst v63  }
0x10b: {  	s12 =	sadd.s32 $0x10798, s13;
	s14 =	sadd.s32 $0x30, s11  }
0x10c: {  	[hbm4b:s14+s4] =	stream.linear.scatter [tilespmem:s12], [sflag:$0x6], $0x80, $0x38;
	[tilespmem:$0x16C00] =	vst v63  }
0x10d: {  	s12 =	sadd.s32 $0x10820, s13;
	s14 =	sadd.s32 $0x40, s11  }
0x10e: {  	[hbm4b:s14+s4] =	stream.linear.scatter [tilespmem:s12], [sflag:$0x6], $0x80, $0x38;
	[tilespmem:$0x16C00] =	vst v63  }
.Ltmp3:
0x10f: {  	s12 =	sadd.s32 $0x108A8, s13;
	s14 =	sadd.s32 $0x50, s11;
	(pc) =	sbr.rel @p2 .LBB2_9-.Ltmp3, $4  }
0x110: {  	[hbm4b:s14+s4] =	stream.linear.scatter [tilespmem:s12], [sflag:$0x6], $0x80, $0x38;
	[tilespmem:$0x16C00] =	vst v63  }
0x111: {  	s12 =	sadd.s32 $0x10930, s13;
	s14 =	sadd.s32 $0x60, s11;
	s13 =	sadd.s32 $0x109B8, s13  }
0x112: {  	[hbm4b:s14+s4] =	stream.linear.scatter [tilespmem:s12], [sflag:$0x6], $0x80, $0x38;
	[tilespmem:$0x16C00] =	vst v63  }
0x113: {  	s14 =	sadd.s32 $0x70, s11;
	s11 =	sadd.s32 $0x1000, s11;
	s12 =	smov.u32 s15  }
0x114: {  	[hbm4b:s14+s4] =	stream.linear.scatter [tilespmem:s13], [sflag:$0x6], $0x80, $0x38;
	[tilespmem:$0x16C00] =	vst v63  }
0x115: {  	s12 =	sadd.s32 $0x10600, s10  }
0x116: {  	[hbm4b:s11+s4] =	stream.linear.scatter [tilespmem:s12], [sflag:$0x6], $0x80, $0x38;
	[tilespmem:$0x16C00] =	vst v63  }
0x117: {  	s14 =	sadd.s32 $0x10688, s10;
	s15 =	sadd.s32 $0x10, s11  }
0x118: {  	[hbm4b:s15+s4] =	stream.linear.scatter [tilespmem:s14], [sflag:$0x6], $0x80, $0x38;
	[tilespmem:$0x16C00] =	vst v63  }
0x119: {  	s14 =	sadd.s32 $0x10710, s10;
	s15 =	sadd.s32 $0x20, s11  }
0x11a: {  	[hbm4b:s15+s4] =	stream.linear.scatter [tilespmem:s14], [sflag:$0x6], $0x80, $0x38;
	[tilespmem:$0x16C00] =	vst v63  }
0x11b: {  	s14 =	sadd.s32 $0x10798, s10;
	s15 =	sadd.s32 $0x30, s11  }
0x11c: {  	[hbm4b:s15+s4] =	stream.linear.scatter [tilespmem:s14], [sflag:$0x6], $0x80, $0x38;
	[tilespmem:$0x16C00] =	vst v63  }
0x11d: {  	s14 =	sadd.s32 $0x10820, s10;
	s15 =	sadd.s32 $0x40, s11  }
0x11e: {  	[hbm4b:s15+s4] =	stream.linear.scatter [tilespmem:s14], [sflag:$0x6], $0x80, $0x38;
	[tilespmem:$0x16C00] =	vst v63  }
0x11f: {  	s14 =	sadd.s32 $0x108A8, s10;
	s15 =	sadd.s32 $0x50, s11  }
0x120: {  	[hbm4b:s15+s4] =	stream.linear.scatter [tilespmem:s14], [sflag:$0x6], $0x80, $0x38;
	[tilespmem:$0x16C00] =	vst v63  }
0x121: {  	s14 =	sadd.s32 $0x10930, s10;
	s15 =	sadd.s32 $0x60, s11  }
0x122: {  	[hbm4b:s15+s4] =	stream.linear.scatter [tilespmem:s14], [sflag:$0x6], $0x80, $0x38;
	[tilespmem:$0x16C00] =	vst v63  }
0x123: {  	s14 =	sadd.s32 $0x109B8, s10;
	s15 =	sadd.s32 $0x70, s11  }
0x124: {  	[hbm4b:s15+s4] =	stream.linear.scatter [tilespmem:s14], [sflag:$0x6], $0x80, $0x38;
	[tilespmem:$0x16C00] =	vst v63  }
0x125: {  	_ =	swait.ge [sflag:s20], $0x2000  }
0x126: {  	[sflag:s20] =	ssyncset.done $0x0  }
0x127: {  	s10 =	simm.s32 @!p0 $0x7;
	[sflag:s20] =	ssyncadd.s32 $0xFFFFE000  }
0x128: {  	s12 =	simm.s32 $0x3;
	_ =	swait.ge @!p0 [sflag:s10], $0x2000  }
0x129: {  	s13 =	simm.s32 $0x0;
	v4 =	vmov s12;
	[sflag:s10] =	ssyncset.done @!p0 $0x0  }
0x12a: {  	v5 =	vand.u32 $0x7F, v4;
	v4 =	vmov s13;
	s11 =	simm.s32 $0xA480;
	s14 =	simm.s32 $0x1;
	[sflag:s10] =	ssyncadd.s32 @!p0 $0xFFFFE000  }
0x12b: {  	v8 =	vadd.s32 v0, v5;
	v6 =	vand.u32 $0x7C, v4;
	v4 =	vmov s14;
	v7 =	vld [tilespmem:s11+$0x40]  }
0x12c: {  	v10 =	vadd.s32 v0, v6;
	v11 =	vand.u32 $0x7D, v4;
	v9 =	vld [tilespmem:s11+$0xFFFFFF80]  }
0x12d: {  	s15 =	simm.s32 $0x2;
	v12 =	vadd.s32 v0, v11;
	v4 =	vld [tilespmem:s11+$0xFFFFFFC0]  }
0x12e: {  	v13 =	vmov s15  }
0x12f: {  	v13 =	vand.u32 $0x7E, v13  }
0x130: {  	v15 =	vadd.s32 v0, v13;
	v14 =	vld [tilespmem:s11+$0x0];
	[tilespmem:v8+s21+$0x0] =	vst.idx.msk $0xffff, v7  }
0x131: {  	v8 =	vadd.s32 v1, v5;
	[tilespmem:v10+s21+$0x0] =	vst.idx.msk $0xffff, v9;
	v7 =	vld [tilespmem:s11+$0x50]  }
0x132: {  	v10 =	vadd.s32 v1, v6;
	[tilespmem:v12+s21+$0x0] =	vst.idx.msk $0xffff, v4;
	v9 =	vld [tilespmem:s11+$0xFFFFFF90]  }
0x133: {  	v12 =	vadd.s32 v1, v11;
	v4 =	vld [tilespmem:s11+$0xFFFFFFD0];
	_ =	sdelay $0x1  }
0x134: {  	[tilespmem:v15+s21+$0x0] =	vst.idx.msk $0xffff, v14  }
0x135: {  	v16 =	vadd.s32 v1, v13;
	v15 =	vld [tilespmem:s11+$0x10];
	[tilespmem:v8+s21+$0x0] =	vst.idx.msk $0xffff, v7  }
0x136: {  	s12 =	simm.s32 $0x7;
	v14 =	vadd.s32 v2, v5;
	[tilespmem:v10+s21+$0x0] =	vst.idx.msk $0xffff, v9;
	v7 =	vld [tilespmem:s11+$0x60]  }
0x137: {  	v10 =	vadd.s32 v2, v6;
	v8 =	vmov s12;
	[tilespmem:v12+s21+$0x0] =	vst.idx.msk $0xffff, v4;
	v9 =	vld [tilespmem:s11+$0xFFFFFFA0]  }
0x138: {  	v17 =	vadd.s32 v2, v11;
	s10 =	simm.s32 $0xA580;
	v8 =	vand.u32 $0x7F, v8;
	v12 =	vld [tilespmem:s11+$0xFFFFFFE0]  }
0x139: {  	s13 =	simm.s32 $0x4;
	v18 =	vld [tilespmem:s10+$0x40];
	v19 =	vadd.s32 v0, v8  }
0x13a: {  	s14 =	simm.s32 $0x5;
	v4 =	vmov s13;
	[tilespmem:v16+s21+$0x0] =	vst.idx.msk $0xffff, v15  }
0x13b: {  	v22 =	vmov s14;
	v4 =	vand.u32 $0x7C, v4;
	[tilespmem:v14+s21+$0x0] =	vst.idx.msk $0xffff, v7  }
0x13c: {  	s15 =	simm.s32 $0x6;
	v20 =	vld [tilespmem:s10+$0xFFFFFF80];
	v21 =	vadd.s32 v0, v4;
	v7 =	vand.u32 $0x7D, v22;
	[tilespmem:v10+s21+$0x0] =	vst.idx.msk $0xffff, v9  }
0x13d: {  	v14 =	vmov s15;
	v9 =	vld [tilespmem:s10+$0xFFFFFFC0];
	[tilespmem:v17+s21+$0x0] =	vst.idx.msk $0xffff, v12;
	v10 =	vadd.s32 v0, v7  }
0x13e: {  	v16 =	vadd.s32 v3, v5;
	v12 =	vld [tilespmem:s11+$0x20];
	v5 =	vand.u32 $0x7E, v14;
	[tilespmem:v19+s21+$0x0] =	vst.idx.msk $0xffff, v18;
	v18 =	vadd.s32 v2, v13  }
0x13f: {  	v14 =	vld [tilespmem:s10+$0x0];
	v63 =	vadd.s32 v0, v5  }
0x140: {  	v15 =	vld [tilespmem:s11+$0x70]  }
0x141: {  	[tilespmem:v21+s21+$0x0] =	vst.idx.msk $0xffff, v20;
	v20 =	vadd.s32 v1, v8;
	v19 =	vld [tilespmem:s10+$0x50]  }
0x142: {  	v23 =	vadd.s32 v1, v4;
	v21 =	vld [tilespmem:s10+$0xFFFFFF90];
	[tilespmem:v10+s21+$0x0] =	vst.idx.msk $0xffff, v9  }
0x143: {  	v25 =	vadd.s32 v3, v11;
	v24 =	vld [tilespmem:s11+$0xFFFFFFF0];
	[tilespmem:v18+s21+$0x0] =	vst.idx.msk $0xffff, v12  }
0x144: {  	v18 =	vadd.s32 v1, v7;
	v17 =	vld [tilespmem:s10+$0xFFFFFFD0];
	[tilespmem:v63+s21+$0x0] =	vst.idx.msk $0xffff, v14  }
0x145: {  	[tilespmem:v16+s21+$0x0] =	vst.idx.msk $0xffff, v15;
	v16 =	vadd.s32 v1, v5;
	v15 =	vld [tilespmem:s10+$0x10]  }
0x146: {  	[tilespmem:v20+s21+$0x0] =	vst.idx.msk $0xffff, v19;
	v11 =	vld [tilespmem:s11+$0x30];
	v14 =	vadd.s32 v3, v13  }
0x147: {  	v12 =	vadd.s32 v2, v8;
	[tilespmem:v23+s21+$0x0] =	vst.idx.msk $0xffff, v21;
	v9 =	vld [tilespmem:s10+$0x60]  }
0x148: {  	s14 =	simm.s32 $0xB;
	s12 =	simm.s32 $0x8;
	s13 =	simm.s32 $0xC;
	[tilespmem:v25+s21+$0x0] =	vst.idx.msk $0xffff, v24;
	v13 =	vadd.s32 v2, v4;
	v10 =	vld [tilespmem:s10+$0xFFFFFFA0]  }
.LBB2_11:
0x149: {  	p2 =	slt.u32 s13, $0x7C;
	v19 =	vmov s14;
	[tilespmem:v18+s21+$0x0] =	vst.idx.msk $0xffff, v17;
	v17 =	vld [tilespmem:s11+$0xFFFFFFB0];
	v18 =	vadd.s32 v3, v6;
	v6 =	vmov v4;
	s11 =	smov.u32 s10  }
0x14a: {  	v4 =	vmov s12;
	v21 =	vadd.s32 v2, v7;
	s10 =	sadd.s32 $0x100, s10;
	v19 =	vand.u32 $0x7F, v19;
	v20 =	vld [tilespmem:s11+$0xFFFFFFE0];
	[tilespmem:v16+s21+$0x0] =	vst.idx.msk $0xffff, v15  }
0x14b: {  	s14 =	sadd.s32 $0x1, s12;
	v4 =	vand.u32 $0x7C, v4;
	v15 =	vld [tilespmem:s10+$0x40];
	v16 =	vadd.s32 v0, v19;
	[tilespmem:v14+s21+$0x0] =	vst.idx.msk $0xffff, v11  }
0x14c: {  	v22 =	vmov s14;
	s14 =	sadd.s32 $0x2, s12;
	s12 =	smov.u32 s13;
	v14 =	vadd.s32 v0, v4;
	v11 =	vld [tilespmem:s10+$0xFFFFFF80];
	[tilespmem:v12+s21+$0x0] =	vst.idx.msk $0xffff, v9  }
0x14d: {  	v9 =	vand.u32 $0x7D, v22;
	v12 =	vmov s14;
	[tilespmem:v13+s21+$0x0] =	vst.idx.msk $0xffff, v10;
	v10 =	vld [tilespmem:s11+$0x70];
	v13 =	vadd.s32 v3, v8;
	v8 =	vmovc v19  }
0x14e: {  	v22 =	vadd.s32 v0, v9;
	v12 =	vand.u32 $0x7E, v12;
	v19 =	vld [tilespmem:s10+$0xFFFFFFC0];
	[tilespmem:v18+s21+$0x0] =	vst.idx.msk $0xffff, v17  }
0x14f: {  	v24 =	vadd.s32 v0, v12;
	v23 =	vld [tilespmem:s10+$0x0];
	[tilespmem:v21+s21+$0x0] =	vst.idx.msk $0xffff, v20  }
0x150: {  	v21 =	vadd.s32 v2, v5;
	[tilespmem:v16+s21+$0x0] =	vst.idx.msk $0xffff, v15;
	v20 =	vld [tilespmem:s11+$0x20]  }
0x151: {  	[tilespmem:v14+s21+$0x0] =	vst.idx.msk $0xffff, v11;
	v11 =	vld [tilespmem:s10+$0x50];
	v14 =	vadd.s32 v1, v8  }
0x152: {  	v26 =	vadd.s32 v1, v4;
	v25 =	vld [tilespmem:s10+$0xFFFFFF90];
	[tilespmem:v13+s21+$0x0] =	vst.idx.msk $0xffff, v10  }
0x153: {  	[tilespmem:v22+s21+$0x0] =	vst.idx.msk $0xffff, v19;
	v19 =	vld [tilespmem:s11+$0xFFFFFFF0];
	v22 =	vadd.s32 v3, v7;
	v7 =	vmov v9  }
.Ltmp4:
0x154: {  	v17 =	vld [tilespmem:s10+$0xFFFFFFD0];
	v18 =	vadd.s32 v1, v7;
	[tilespmem:v24+s21+$0x0] =	vst.idx.msk $0xffff, v23;
	(pc) =	sbr.rel @p2 .LBB2_11-.Ltmp4, $4  }
0x155: {  	v16 =	vadd.s32 v1, v12;
	v15 =	vld [tilespmem:s10+$0x10];
	[tilespmem:v21+s21+$0x0] =	vst.idx.msk $0xffff, v20  }
0x156: {  	[tilespmem:v14+s21+$0x0] =	vst.idx.msk $0xffff, v11;
	v11 =	vld [tilespmem:s11+$0x30];
	v14 =	vadd.s32 v3, v5;
	v5 =	vmov v12  }
0x157: {  	v12 =	vadd.s32 v2, v8;
	[tilespmem:v26+s21+$0x0] =	vst.idx.msk $0xffff, v25;
	v9 =	vld [tilespmem:s10+$0x60]  }
0x158: {  	s13 =	sadd.s32 $0x4, s13;
	s14 =	sadd.s32 $0x3, s12;
	v13 =	vadd.s32 v2, v4;
	v10 =	vld [tilespmem:s10+$0xFFFFFFA0];
	[tilespmem:v22+s21+$0x0] =	vst.idx.msk $0xffff, v19  }
0x159: {  	_ =	sdelay $0x2  }
0x15a: {  	v19 =	vmov s14  }
0x15b: {  	s13 =	sadd.s32 $0x1, s12;
	[tilespmem:v18+s21+$0x0] =	vst.idx.msk $0xffff, v17;
	v30 =	vld [tilespmem:s11+$0xFFFFFFB0];
	v6 =	vadd.s32 v3, v6;
	s15 =	sadd.s32 $0x100, s10;
	v21 =	vmov s12;
	v31 =	vand.u32 $0x7F, v19  }
0x15c: {  	s14 =	sadd.s32 $0x2, s12;
	v32 =	vmov s13;
	[tilespmem:v16+s21+$0x0] =	vst.idx.msk $0xffff, v15;
	v33 =	vld [tilespmem:s15+$0x40];
	v21 =	vand.u32 $0x7C, v21;
	v34 =	vadd.s32 v0, v31  }
0x15d: {  	v20 =	vmov s14;
	v22 =	vld [tilespmem:s15+$0xFFFFFF80];
	v19 =	vand.u32 $0x7D, v32;
	[tilespmem:v14+s21+$0x0] =	vst.idx.msk $0xffff, v11;
	v39 =	vadd.s32 v0, v21  }
0x15e: {  	v35 =	vld [tilespmem:s15+$0xFFFFFFC0];
	v20 =	vand.u32 $0x7E, v20;
	v36 =	vadd.s32 v0, v19;
	[tilespmem:v12+s21+$0x0] =	vst.idx.msk $0xffff, v9  }
0x15f: {  	v37 =	vld [tilespmem:s15+$0x0];
	v38 =	vadd.s32 v0, v20;
	[tilespmem:v13+s21+$0x0] =	vst.idx.msk $0xffff, v10  }
0x160: {  	v41 =	vadd.s32 v2, v7;
	v40 =	vld [tilespmem:s10+$0xFFFFFFE0];
	[tilespmem:v6+s21+$0x0] =	vst.idx.msk $0xffff, v30  }
0x161: {  	v49 =	vadd.s32 v2, v5;
	v48 =	vld [tilespmem:s10+$0x20];
	[tilespmem:v34+s21+$0x0] =	vst.idx.msk $0xffff, v33  }
0x162: {  	v43 =	vadd.s32 v1, v31;
	[tilespmem:v39+s21+$0x0] =	vst.idx.msk $0xffff, v22;
	v15 =	vld [tilespmem:s15+$0x50]  }
0x163: {  	v47 =	vadd.s32 v1, v21;
	[tilespmem:v36+s21+$0x0] =	vst.idx.msk $0xffff, v35;
	v46 =	vld [tilespmem:s15+$0xFFFFFF90]  }
0x164: {  	v44 =	vadd.s32 v1, v19;
	[tilespmem:v38+s21+$0x0] =	vst.idx.msk $0xffff, v37;
	v11 =	vld [tilespmem:s15+$0xFFFFFFD0]  }
0x165: {  	v45 =	vadd.s32 v1, v20;
	[tilespmem:v41+s21+$0x0] =	vst.idx.msk $0xffff, v40;
	v9 =	vld [tilespmem:s15+$0x10]  }
0x166: {  	v8 =	vadd.s32 v3, v8;
	v42 =	vld [tilespmem:s10+$0x70];
	[tilespmem:v49+s21+$0x0] =	vst.idx.msk $0xffff, v48  }
0x167: {  	v5 =	vadd.s32 v3, v5;
	v13 =	vld [tilespmem:s10+$0x30];
	[tilespmem:v43+s21+$0x0] =	vst.idx.msk $0xffff, v15  }
0x168: {  	v52 =	vadd.s32 v2, v31;
	[tilespmem:v47+s21+$0x0] =	vst.idx.msk $0xffff, v46;
	v15 =	vld [tilespmem:s15+$0x60]  }
0x169: {  	v57 =	vadd.s32 v2, v21;
	[tilespmem:v44+s21+$0x0] =	vst.idx.msk $0xffff, v11;
	v56 =	vld [tilespmem:s15+$0xFFFFFFA0]  }
0x16a: {  	v53 =	vadd.s32 v2, v19;
	[tilespmem:v45+s21+$0x0] =	vst.idx.msk $0xffff, v9;
	v11 =	vld [tilespmem:s15+$0xFFFFFFE0]  }
0x16b: {  	v55 =	vadd.s32 v2, v20;
	[tilespmem:v8+s21+$0x0] =	vst.idx.msk $0xffff, v42;
	v54 =	vld [tilespmem:s15+$0x20]  }
0x16c: {  	v4 =	vadd.s32 v3, v4;
	v58 =	vld [tilespmem:s10+$0xFFFFFFB0];
	[tilespmem:v5+s21+$0x0] =	vst.idx.msk $0xffff, v13  }
0x16d: {  	v51 =	vadd.s32 v3, v7;
	v50 =	vld [tilespmem:s10+$0xFFFFFFF0];
	[tilespmem:v52+s21+$0x0] =	vst.idx.msk $0xffff, v15  }
0x16e: {  	v60 =	vadd.s32 v3, v31;
	[tilespmem:v57+s21+$0x0] =	vst.idx.msk $0xffff, v56;
	v59 =	vld [tilespmem:s15+$0x70]  }
0x16f: {  	v63 =	vadd.s32 v3, v21;
	[tilespmem:v53+s21+$0x0] =	vst.idx.msk $0xffff, v11;
	v5 =	vld [tilespmem:s15+$0xFFFFFFB0]  }
0x170: {  	v61 =	vadd.s32 v3, v19;
	[tilespmem:v55+s21+$0x0] =	vst.idx.msk $0xffff, v54;
	v11 =	vld [tilespmem:s15+$0xFFFFFFF0]  }
0x171: {  	v62 =	vadd.s32 v3, v20;
	[tilespmem:v4+s21+$0x0] =	vst.idx.msk $0xffff, v58;
	v6 =	vld [tilespmem:s15+$0x30]  }
0x172: {  	[tilespmem:v51+s21+$0x0] =	vst.idx.msk $0xffff, v50  }
0x173: {  	[tilespmem:v60+s21+$0x0] =	vst.idx.msk $0xffff, v59  }
0x174: {  	[tilespmem:v63+s21+$0x0] =	vst.idx.msk $0xffff, v5  }
0x175: {  	s11 =	simm.s32 @!p1 $0x80;
	s12 =	simm.s32 @!p1 $0xA400;
	s0 =	sadd.s32 $0x100, s0;
	[tilespmem:v61+s21+$0x0] =	vst.idx.msk $0xffff, v11  }
0x176: {  	s10 =	sadd.s32 @!p1 $0x300, s1;
	s15 =	sshll.u32 s0, $0x3;
	s0 =	sand.u32 $0xF00, s0;
	[tilespmem:v62+s21+$0x0] =	vst.idx.msk $0xffff, v6  }
0x177: {  	[tilespmem:s12], [sflag:$0x3] =	stream.indirect.gather @!p1 [hbm4b:s5+s11], $0x40, s10, s11, $0xb8;
	[tilespmem:$0x16C00] =	vst v63  }
0x178: {  	s0 =	sadd.s32 s2, s0;
	s10 =	sand.u32 $0xFFF8000, s15  }
0x179: {  	s11 =	simm.s32 $0x12800;
	s10 =	sadd.s32 s10, s0  }
0x17a: {  	[hbm4b:s10+s4] =	stream.linear.scatter [tilespmem:s11], [sflag:$0x7], $0x80, $0x38;
	[tilespmem:$0x16C00] =	vst v63  }
0x17b: {  	s12 =	simm.s32 $0x12888;
	s13 =	sadd.s32 $0x10, s10  }
0x17c: {  	[hbm4b:s13+s4] =	stream.linear.scatter [tilespmem:s12], [sflag:$0x7], $0x80, $0x38;
	[tilespmem:$0x16C00] =	vst v63  }
0x17d: {  	s14 =	simm.s32 $0x12910;
	s0 =	simm.s32 $0x440;
	s15 =	sadd.s32 $0x20, s10  }
0x17e: {  	[hbm4b:s15+s4] =	stream.linear.scatter [tilespmem:s14], [sflag:$0x7], $0x80, $0x38;
	[tilespmem:$0x16C00] =	vst v63  }
0x17f: {  	s11 =	simm.s32 $0x2200;
	s12 =	simm.s32 $0x12998;
	s13 =	sadd.s32 $0x30, s10  }
0x180: {  	[hbm4b:s13+s4] =	stream.linear.scatter [tilespmem:s12], [sflag:$0x7], $0x80, $0x38;
	[tilespmem:$0x16C00] =	vst v63  }
0x181: {  	s14 =	simm.s32 $0x12A20;
	s15 =	sadd.s32 $0x40, s10;
	s12 =	simm.s32 $0x12AA8  }
0x182: {  	[hbm4b:s15+s4] =	stream.linear.scatter [tilespmem:s14], [sflag:$0x7], $0x80, $0x38;
	[tilespmem:$0x16C00] =	vst v63  }
0x183: {  	s13 =	sadd.s32 $0x50, s10;
	s14 =	simm.s32 $0x12B30;
	s15 =	sadd.s32 $0x60, s10  }
0x184: {  	[hbm4b:s13+s4] =	stream.linear.scatter [tilespmem:s12], [sflag:$0x7], $0x80, $0x38;
	[tilespmem:$0x16C00] =	vst v63  }
0x185: {  	s12 =	simm.s32 $0x12BB8;
	s13 =	sadd.s32 $0x70, s10;
	s10 =	sadd.s32 $0x1000, s10  }
0x186: {  	[hbm4b:s15+s4] =	stream.linear.scatter [tilespmem:s14], [sflag:$0x7], $0x80, $0x38;
	[tilespmem:$0x16C00] =	vst v63  }
.LBB2_13:
0x187: {  	[hbm4b:s13+s4] =	stream.linear.scatter [tilespmem:s12], [sflag:$0x7], $0x80, $0x38;
	[tilespmem:$0x16C00] =	vst v63  }
0x188: {  	s12 =	smov.u32 s0;
	s0 =	smov.u32 s11  }
0x189: {  	s14 =	sadd.s32 $0x1100, s11;
	s0 =	sshra.s32 s0, $0x2;
	s13 =	sadd.s32 $0x12800, s12  }
0x18a: {  	[hbm4b:s10+s4] =	stream.linear.scatter [tilespmem:s13], [sflag:$0x7], $0x80, $0x38;
	[tilespmem:$0x16C00] =	vst v63  }
0x18b: {  	p2 =	sne.s32 s11, $0x7700;
	s11 =	sadd.s32 $0x12888, s12;
	s13 =	sadd.s32 $0x10, s10  }
0x18c: {  	[hbm4b:s13+s4] =	stream.linear.scatter [tilespmem:s11], [sflag:$0x7], $0x80, $0x38;
	[tilespmem:$0x16C00] =	vst v63  }
0x18d: {  	s11 =	sadd.s32 $0x12910, s12;
	s13 =	sadd.s32 $0x20, s10  }
0x18e: {  	[hbm4b:s13+s4] =	stream.linear.scatter [tilespmem:s11], [sflag:$0x7], $0x80, $0x38;
	[tilespmem:$0x16C00] =	vst v63  }
0x18f: {  	s11 =	sadd.s32 $0x12998, s12;
	s13 =	sadd.s32 $0x30, s10  }
0x190: {  	[hbm4b:s13+s4] =	stream.linear.scatter [tilespmem:s11], [sflag:$0x7], $0x80, $0x38;
	[tilespmem:$0x16C00] =	vst v63  }
0x191: {  	s11 =	sadd.s32 $0x12A20, s12;
	s13 =	sadd.s32 $0x40, s10  }
0x192: {  	[hbm4b:s13+s4] =	stream.linear.scatter [tilespmem:s11], [sflag:$0x7], $0x80, $0x38;
	[tilespmem:$0x16C00] =	vst v63  }
.Ltmp5:
0x193: {  	s11 =	sadd.s32 $0x12AA8, s12;
	s13 =	sadd.s32 $0x50, s10;
	(pc) =	sbr.rel @p2 .LBB2_13-.Ltmp5, $4  }
0x194: {  	[hbm4b:s13+s4] =	stream.linear.scatter [tilespmem:s11], [sflag:$0x7], $0x80, $0x38;
	[tilespmem:$0x16C00] =	vst v63  }
0x195: {  	s11 =	sadd.s32 $0x12B30, s12;
	s13 =	sadd.s32 $0x60, s10;
	s12 =	sadd.s32 $0x12BB8, s12  }
0x196: {  	[hbm4b:s13+s4] =	stream.linear.scatter [tilespmem:s11], [sflag:$0x7], $0x80, $0x38;
	[tilespmem:$0x16C00] =	vst v63  }
0x197: {  	s13 =	sadd.s32 $0x70, s10;
	s10 =	sadd.s32 $0x1000, s10;
	s11 =	smov.u32 s14  }
0x198: {  	[hbm4b:s13+s4] =	stream.linear.scatter [tilespmem:s12], [sflag:$0x7], $0x80, $0x38;
	[tilespmem:$0x16C00] =	vst v63  }
0x199: {  	s11 =	sadd.s32 $0x12800, s0  }
0x19a: {  	[hbm4b:s10+s4] =	stream.linear.scatter [tilespmem:s11], [sflag:$0x7], $0x80, $0x38;
	[tilespmem:$0x16C00] =	vst v63  }
0x19b: {  	s12 =	sadd.s32 $0x12888, s0;
	s13 =	sadd.s32 $0x10, s10  }
0x19c: {  	[hbm4b:s13+s4] =	stream.linear.scatter [tilespmem:s12], [sflag:$0x7], $0x80, $0x38;
	[tilespmem:$0x16C00] =	vst v63  }
0x19d: {  	s14 =	sadd.s32 $0x12910, s0;
	s15 =	sadd.s32 $0x20, s10  }
0x19e: {  	[hbm4b:s15+s4] =	stream.linear.scatter [tilespmem:s14], [sflag:$0x7], $0x80, $0x38;
	[tilespmem:$0x16C00] =	vst v63  }
0x19f: {  	s12 =	sadd.s32 $0x12998, s0;
	s13 =	sadd.s32 $0x30, s10  }
0x1a0: {  	[hbm4b:s13+s4] =	stream.linear.scatter [tilespmem:s12], [sflag:$0x7], $0x80, $0x38;
	[tilespmem:$0x16C00] =	vst v63  }
0x1a1: {  	s14 =	sadd.s32 $0x12A20, s0;
	s15 =	sadd.s32 $0x40, s10  }
0x1a2: {  	[hbm4b:s15+s4] =	stream.linear.scatter [tilespmem:s14], [sflag:$0x7], $0x80, $0x38;
	[tilespmem:$0x16C00] =	vst v63  }
0x1a3: {  	s12 =	sadd.s32 $0x12AA8, s0;
	s13 =	sadd.s32 $0x50, s10  }
0x1a4: {  	[hbm4b:s13+s4] =	stream.linear.scatter [tilespmem:s12], [sflag:$0x7], $0x80, $0x38;
	[tilespmem:$0x16C00] =	vst v63  }
0x1a5: {  	s14 =	sadd.s32 $0x12B30, s0;
	s15 =	sadd.s32 $0x60, s10  }
0x1a6: {  	[hbm4b:s15+s4] =	stream.linear.scatter [tilespmem:s14], [sflag:$0x7], $0x80, $0x38;
	[tilespmem:$0x16C00] =	vst v63  }
0x1a7: {  	s11 =	sadd.s32 $0x12BB8, s0;
	s12 =	sadd.s32 $0x70, s10  }
0x1a8: {  	[hbm4b:s12+s4] =	stream.linear.scatter [tilespmem:s11], [sflag:$0x7], $0x80, $0x38;
	[tilespmem:$0x16C00] =	vst v63  }
0x1a9: {  	_ =	swait.ge [sflag:s22], $0x2000  }
0x1aa: {  	[sflag:s22] =	ssyncset.done $0x0  }
0x1ab: {  	s0 =	simm.s32 @!p0 $0x8;
	[sflag:s22] =	ssyncadd.s32 $0xFFFFE000  }
0x1ac: {  	s13 =	simm.s32 $0x3;
	_ =	swait.ge @!p0 [sflag:s0], $0x2000  }
0x1ad: {  	v4 =	vmov s13;
	s14 =	simm.s32 $0x0;
	[sflag:s0] =	ssyncset.done @!p0 $0x0  }
0x1ae: {  	v5 =	vand.u32 $0x7F, v4;
	s15 =	simm.s32 $0x1;
	v4 =	vmov s14;
	s11 =	simm.s32 $0xC480;
	[sflag:s0] =	ssyncadd.s32 @!p0 $0xFFFFE000  }
0x1af: {  	v8 =	vadd.s32 v0, v5;
	v6 =	vand.u32 $0x7C, v4;
	v4 =	vmov s15;
	v7 =	vld [tilespmem:s11+$0x40]  }
0x1b0: {  	v10 =	vadd.s32 v0, v6;
	v11 =	vand.u32 $0x7D, v4;
	v9 =	vld [tilespmem:s11+$0xFFFFFF80]  }
0x1b1: {  	s10 =	simm.s32 $0x2;
	v12 =	vadd.s32 v0, v11;
	v4 =	vld [tilespmem:s11+$0xFFFFFFC0]  }
0x1b2: {  	v13 =	vmov s10  }
0x1b3: {  	v13 =	vand.u32 $0x7E, v13  }
0x1b4: {  	v15 =	vadd.s32 v0, v13;
	v14 =	vld [tilespmem:s11+$0x0];
	[tilespmem:v8+s23+$0x0] =	vst.idx.msk $0xffff, v7  }
0x1b5: {  	v8 =	vadd.s32 v1, v5;
	[tilespmem:v10+s23+$0x0] =	vst.idx.msk $0xffff, v9;
	v7 =	vld [tilespmem:s11+$0x50]  }
0x1b6: {  	v10 =	vadd.s32 v1, v6;
	[tilespmem:v12+s23+$0x0] =	vst.idx.msk $0xffff, v4;
	v9 =	vld [tilespmem:s11+$0xFFFFFF90]  }
0x1b7: {  	v12 =	vadd.s32 v1, v11;
	v4 =	vld [tilespmem:s11+$0xFFFFFFD0];
	_ =	sdelay $0x1  }
0x1b8: {  	[tilespmem:v15+s23+$0x0] =	vst.idx.msk $0xffff, v14  }
0x1b9: {  	v16 =	vadd.s32 v1, v13;
	v15 =	vld [tilespmem:s11+$0x10];
	[tilespmem:v8+s23+$0x0] =	vst.idx.msk $0xffff, v7  }
0x1ba: {  	s12 =	simm.s32 $0x7;
	v14 =	vadd.s32 v2, v5;
	[tilespmem:v10+s23+$0x0] =	vst.idx.msk $0xffff, v9;
	v7 =	vld [tilespmem:s11+$0x60]  }
0x1bb: {  	v10 =	vadd.s32 v2, v6;
	v8 =	vmov s12;
	[tilespmem:v12+s23+$0x0] =	vst.idx.msk $0xffff, v4;
	v9 =	vld [tilespmem:s11+$0xFFFFFFA0]  }
0x1bc: {  	v17 =	vadd.s32 v2, v11;
	s0 =	simm.s32 $0xC580;
	v8 =	vand.u32 $0x7F, v8;
	v12 =	vld [tilespmem:s11+$0xFFFFFFE0]  }
0x1bd: {  	s13 =	simm.s32 $0x4;
	v18 =	vld [tilespmem:s0+$0x40];
	v19 =	vadd.s32 v0, v8  }
0x1be: {  	s14 =	simm.s32 $0x5;
	v4 =	vmov s13;
	[tilespmem:v16+s23+$0x0] =	vst.idx.msk $0xffff, v15  }
0x1bf: {  	v22 =	vmov s14;
	v4 =	vand.u32 $0x7C, v4;
	[tilespmem:v14+s23+$0x0] =	vst.idx.msk $0xffff, v7  }
0x1c0: {  	s15 =	simm.s32 $0x6;
	v20 =	vld [tilespmem:s0+$0xFFFFFF80];
	v21 =	vadd.s32 v0, v4;
	v7 =	vand.u32 $0x7D, v22;
	[tilespmem:v10+s23+$0x0] =	vst.idx.msk $0xffff, v9  }
0x1c1: {  	v14 =	vmov s15;
	v9 =	vld [tilespmem:s0+$0xFFFFFFC0];
	[tilespmem:v17+s23+$0x0] =	vst.idx.msk $0xffff, v12;
	v10 =	vadd.s32 v0, v7  }
0x1c2: {  	v16 =	vadd.s32 v3, v5;
	v12 =	vld [tilespmem:s11+$0x20];
	v5 =	vand.u32 $0x7E, v14;
	[tilespmem:v19+s23+$0x0] =	vst.idx.msk $0xffff, v18;
	v18 =	vadd.s32 v2, v13  }
0x1c3: {  	v14 =	vld [tilespmem:s0+$0x0];
	v63 =	vadd.s32 v0, v5  }
0x1c4: {  	v15 =	vld [tilespmem:s11+$0x70]  }
0x1c5: {  	[tilespmem:v21+s23+$0x0] =	vst.idx.msk $0xffff, v20;
	v20 =	vadd.s32 v1, v8;
	v19 =	vld [tilespmem:s0+$0x50]  }
0x1c6: {  	v23 =	vadd.s32 v1, v4;
	v21 =	vld [tilespmem:s0+$0xFFFFFF90];
	[tilespmem:v10+s23+$0x0] =	vst.idx.msk $0xffff, v9  }
0x1c7: {  	v25 =	vadd.s32 v3, v11;
	v24 =	vld [tilespmem:s11+$0xFFFFFFF0];
	[tilespmem:v18+s23+$0x0] =	vst.idx.msk $0xffff, v12  }
0x1c8: {  	v18 =	vadd.s32 v1, v7;
	v17 =	vld [tilespmem:s0+$0xFFFFFFD0];
	[tilespmem:v63+s23+$0x0] =	vst.idx.msk $0xffff, v14  }
0x1c9: {  	[tilespmem:v16+s23+$0x0] =	vst.idx.msk $0xffff, v15;
	v16 =	vadd.s32 v1, v5;
	v14 =	vld [tilespmem:s0+$0x10]  }
0x1ca: {  	v15 =	vadd.s32 v3, v13;
	[tilespmem:v20+s23+$0x0] =	vst.idx.msk $0xffff, v19;
	v10 =	vld [tilespmem:s11+$0x30]  }
0x1cb: {  	s10 =	sor.u32 $0x180, s31;
	v12 =	vadd.s32 v2, v8;
	[tilespmem:v23+s23+$0x0] =	vst.idx.msk $0xffff, v21;
	v9 =	vld [tilespmem:s0+$0x60]  }
0x1cc: {  	s14 =	simm.s32 $0xB;
	s12 =	simm.s32 $0x8;
	s13 =	simm.s32 $0xC;
	v13 =	vadd.s32 v2, v4;
	[tilespmem:v25+s23+$0x0] =	vst.idx.msk $0xffff, v24;
	v11 =	vld [tilespmem:s0+$0xFFFFFFA0]  }
.LBB2_15:
0x1cd: {  	p0 =	slt.u32 s13, $0x7C;
	v19 =	vmov s14;
	[tilespmem:v18+s23+$0x0] =	vst.idx.msk $0xffff, v17;
	v17 =	vld [tilespmem:s11+$0xFFFFFFB0];
	v18 =	vadd.s32 v3, v6;
	v6 =	vmov v4;
	s11 =	smov.u32 s0  }
0x1ce: {  	v4 =	vmov s12;
	v21 =	vadd.s32 v2, v7;
	s0 =	sadd.s32 $0x100, s0;
	v19 =	vand.u32 $0x7F, v19;
	v20 =	vld [tilespmem:s11+$0xFFFFFFE0];
	[tilespmem:v16+s23+$0x0] =	vst.idx.msk $0xffff, v14  }
0x1cf: {  	s14 =	sadd.s32 $0x1, s12;
	v4 =	vand.u32 $0x7C, v4;
	v14 =	vld [tilespmem:s0+$0x40];
	v16 =	vadd.s32 v0, v19;
	[tilespmem:v15+s23+$0x0] =	vst.idx.msk $0xffff, v10  }
0x1d0: {  	v22 =	vmov s14;
	s14 =	sadd.s32 $0x2, s12;
	s12 =	smov.u32 s13;
	v15 =	vadd.s32 v0, v4;
	v10 =	vld [tilespmem:s0+$0xFFFFFF80];
	[tilespmem:v12+s23+$0x0] =	vst.idx.msk $0xffff, v9  }
0x1d1: {  	v9 =	vand.u32 $0x7D, v22;
	v12 =	vmov s14;
	[tilespmem:v13+s23+$0x0] =	vst.idx.msk $0xffff, v11;
	v11 =	vld [tilespmem:s11+$0x70];
	v13 =	vadd.s32 v3, v8;
	v8 =	vmovc v19  }
0x1d2: {  	v22 =	vadd.s32 v0, v9;
	v12 =	vand.u32 $0x7E, v12;
	v19 =	vld [tilespmem:s0+$0xFFFFFFC0];
	[tilespmem:v18+s23+$0x0] =	vst.idx.msk $0xffff, v17  }
0x1d3: {  	v24 =	vadd.s32 v0, v12;
	v23 =	vld [tilespmem:s0+$0x0];
	[tilespmem:v21+s23+$0x0] =	vst.idx.msk $0xffff, v20  }
0x1d4: {  	v21 =	vadd.s32 v2, v5;
	[tilespmem:v16+s23+$0x0] =	vst.idx.msk $0xffff, v14;
	v20 =	vld [tilespmem:s11+$0x20]  }
0x1d5: {  	[tilespmem:v15+s23+$0x0] =	vst.idx.msk $0xffff, v10;
	v10 =	vld [tilespmem:s0+$0x50];
	v15 =	vadd.s32 v1, v8  }
0x1d6: {  	v26 =	vadd.s32 v1, v4;
	v25 =	vld [tilespmem:s0+$0xFFFFFF90];
	[tilespmem:v13+s23+$0x0] =	vst.idx.msk $0xffff, v11  }
0x1d7: {  	[tilespmem:v22+s23+$0x0] =	vst.idx.msk $0xffff, v19;
	v19 =	vld [tilespmem:s11+$0xFFFFFFF0];
	v22 =	vadd.s32 v3, v7;
	v7 =	vmov v9  }
.Ltmp6:
0x1d8: {  	v17 =	vld [tilespmem:s0+$0xFFFFFFD0];
	v18 =	vadd.s32 v1, v7;
	[tilespmem:v24+s23+$0x0] =	vst.idx.msk $0xffff, v23;
	(pc) =	sbr.rel @p0 .LBB2_15-.Ltmp6, $4  }
0x1d9: {  	v16 =	vadd.s32 v1, v12;
	v14 =	vld [tilespmem:s0+$0x10];
	[tilespmem:v21+s23+$0x0] =	vst.idx.msk $0xffff, v20  }
0x1da: {  	[tilespmem:v15+s23+$0x0] =	vst.idx.msk $0xffff, v10;
	v10 =	vld [tilespmem:s11+$0x30];
	v15 =	vadd.s32 v3, v5;
	v5 =	vmov v12  }
0x1db: {  	v12 =	vadd.s32 v2, v8;
	[tilespmem:v26+s23+$0x0] =	vst.idx.msk $0xffff, v25;
	v9 =	vld [tilespmem:s0+$0x60]  }
0x1dc: {  	s13 =	sadd.s32 $0x4, s13;
	s14 =	sadd.s32 $0x3, s12;
	v13 =	vadd.s32 v2, v4;
	v11 =	vld [tilespmem:s0+$0xFFFFFFA0];
	[tilespmem:v22+s23+$0x0] =	vst.idx.msk $0xffff, v19  }
0x1dd: {  	_ =	sdelay $0x2  }
0x1de: {  	v19 =	vmov s14  }
0x1df: {  	s13 =	sadd.s32 $0x1, s12;
	[tilespmem:v18+s23+$0x0] =	vst.idx.msk $0xffff, v17;
	v30 =	vld [tilespmem:s11+$0xFFFFFFB0];
	v6 =	vadd.s32 v3, v6;
	s31 =	sadd.s32 $0x100, s0;
	v21 =	vmov s12;
	v31 =	vand.u32 $0x7F, v19  }
0x1e0: {  	s14 =	sadd.s32 $0x2, s12;
	v32 =	vmov s13;
	[tilespmem:v16+s23+$0x0] =	vst.idx.msk $0xffff, v14;
	v33 =	vld [tilespmem:s31+$0x40];
	v21 =	vand.u32 $0x7C, v21;
	v34 =	vadd.s32 v0, v31  }
0x1e1: {  	v20 =	vmov s14;
	v22 =	vld [tilespmem:s31+$0xFFFFFF80];
	v19 =	vand.u32 $0x7D, v32;
	[tilespmem:v15+s23+$0x0] =	vst.idx.msk $0xffff, v10;
	v39 =	vadd.s32 v0, v21  }
0x1e2: {  	v35 =	vld [tilespmem:s31+$0xFFFFFFC0];
	v20 =	vand.u32 $0x7E, v20;
	v36 =	vadd.s32 v0, v19;
	[tilespmem:v12+s23+$0x0] =	vst.idx.msk $0xffff, v9  }
0x1e3: {  	v37 =	vld [tilespmem:s31+$0x0];
	v38 =	vadd.s32 v0, v20;
	[tilespmem:v13+s23+$0x0] =	vst.idx.msk $0xffff, v11  }
0x1e4: {  	v41 =	vadd.s32 v2, v7;
	v40 =	vld [tilespmem:s0+$0xFFFFFFE0];
	[tilespmem:v6+s23+$0x0] =	vst.idx.msk $0xffff, v30  }
0x1e5: {  	v49 =	vadd.s32 v2, v5;
	v48 =	vld [tilespmem:s0+$0x20];
	[tilespmem:v34+s23+$0x0] =	vst.idx.msk $0xffff, v33  }
0x1e6: {  	v43 =	vadd.s32 v1, v31;
	[tilespmem:v39+s23+$0x0] =	vst.idx.msk $0xffff, v22;
	v14 =	vld [tilespmem:s31+$0x50]  }
0x1e7: {  	v47 =	vadd.s32 v1, v21;
	[tilespmem:v36+s23+$0x0] =	vst.idx.msk $0xffff, v35;
	v46 =	vld [tilespmem:s31+$0xFFFFFF90]  }
0x1e8: {  	v44 =	vadd.s32 v1, v19;
	[tilespmem:v38+s23+$0x0] =	vst.idx.msk $0xffff, v37;
	v10 =	vld [tilespmem:s31+$0xFFFFFFD0]  }
0x1e9: {  	v45 =	vadd.s32 v1, v20;
	[tilespmem:v41+s23+$0x0] =	vst.idx.msk $0xffff, v40;
	v9 =	vld [tilespmem:s31+$0x10]  }
0x1ea: {  	v8 =	vadd.s32 v3, v8;
	v42 =	vld [tilespmem:s0+$0x70];
	[tilespmem:v49+s23+$0x0] =	vst.idx.msk $0xffff, v48  }
0x1eb: {  	v5 =	vadd.s32 v3, v5;
	v13 =	vld [tilespmem:s0+$0x30];
	[tilespmem:v43+s23+$0x0] =	vst.idx.msk $0xffff, v14  }
0x1ec: {  	v52 =	vadd.s32 v2, v31;
	[tilespmem:v47+s23+$0x0] =	vst.idx.msk $0xffff, v46;
	v14 =	vld [tilespmem:s31+$0x60]  }
0x1ed: {  	v57 =	vadd.s32 v2, v21;
	[tilespmem:v44+s23+$0x0] =	vst.idx.msk $0xffff, v10;
	v56 =	vld [tilespmem:s31+$0xFFFFFFA0]  }
0x1ee: {  	v53 =	vadd.s32 v2, v19;
	[tilespmem:v45+s23+$0x0] =	vst.idx.msk $0xffff, v9;
	v10 =	vld [tilespmem:s31+$0xFFFFFFE0]  }
0x1ef: {  	v55 =	vadd.s32 v2, v20;
	[tilespmem:v8+s23+$0x0] =	vst.idx.msk $0xffff, v42;
	v54 =	vld [tilespmem:s31+$0x20]  }
0x1f0: {  	v4 =	vadd.s32 v3, v4;
	v58 =	vld [tilespmem:s0+$0xFFFFFFB0];
	[tilespmem:v5+s23+$0x0] =	vst.idx.msk $0xffff, v13  }
0x1f1: {  	v51 =	vadd.s32 v3, v7;
	v50 =	vld [tilespmem:s0+$0xFFFFFFF0];
	[tilespmem:v52+s23+$0x0] =	vst.idx.msk $0xffff, v14  }
0x1f2: {  	v60 =	vadd.s32 v3, v31;
	[tilespmem:v57+s23+$0x0] =	vst.idx.msk $0xffff, v56;
	v59 =	vld [tilespmem:s31+$0x70]  }
0x1f3: {  	v63 =	vadd.s32 v3, v21;
	[tilespmem:v53+s23+$0x0] =	vst.idx.msk $0xffff, v10;
	v5 =	vld [tilespmem:s31+$0xFFFFFFB0]  }
0x1f4: {  	v61 =	vadd.s32 v3, v19;
	[tilespmem:v55+s23+$0x0] =	vst.idx.msk $0xffff, v54;
	v10 =	vld [tilespmem:s31+$0xFFFFFFF0]  }
0x1f5: {  	v62 =	vadd.s32 v3, v20;
	[tilespmem:v4+s23+$0x0] =	vst.idx.msk $0xffff, v58;
	v6 =	vld [tilespmem:s31+$0x30]  }
0x1f6: {  	[tilespmem:v51+s23+$0x0] =	vst.idx.msk $0xffff, v50  }
0x1f7: {  	[tilespmem:v60+s23+$0x0] =	vst.idx.msk $0xffff, v59  }
0x1f8: {  	[tilespmem:v63+s23+$0x0] =	vst.idx.msk $0xffff, v5  }
0x1f9: {  	s11 =	simm.s32 @!p1 $0xC400;
	[tilespmem:v61+s23+$0x0] =	vst.idx.msk $0xffff, v10  }
0x1fa: {  	s15 =	sadd.s32 s3, s10;
	s0 =	sadd.s32 @!p1 $0x380, s1;
	s1 =	simm.s32 @!p1 $0x80;
	[tilespmem:v62+s23+$0x0] =	vst.idx.msk $0xffff, v6  }
0x1fb: {  	[tilespmem:s11], [sflag:$0x4] =	stream.indirect.gather @!p1 [hbm4b:s5+s1], $0x40, s0, s1, $0xb8;
	[tilespmem:$0x16C00] =	vst v63  }
0x1fc: {  	s31 =	sshll.u32 s15, $0x3;
	s0 =	sand.u32 $0xF80, s15  }
0x1fd: {  	s1 =	sand.u32 $0xFFF8000, s31;
	s0 =	sadd.s32 s2, s0  }
0x1fe: {  	s10 =	simm.s32 $0x14A00;
	s1 =	sadd.s32 s1, s0  }
0x1ff: {  	[hbm4b:s1+s4] =	stream.linear.scatter [tilespmem:s10], [sflag:$0x8], $0x80, $0x38;
	[tilespmem:$0x16C00] =	vst v63  }
0x200: {  	s11 =	simm.s32 $0x14A88;
	s12 =	sadd.s32 $0x10, s1  }
0x201: {  	[hbm4b:s12+s4] =	stream.linear.scatter [tilespmem:s11], [sflag:$0x8], $0x80, $0x38;
	[tilespmem:$0x16C00] =	vst v63  }
0x202: {  	s13 =	simm.s32 $0x14B10;
	s15 =	simm.s32 $0x14B98;
	s14 =	sadd.s32 $0x20, s1  }
0x203: {  	[hbm4b:s14+s4] =	stream.linear.scatter [tilespmem:s13], [sflag:$0x8], $0x80, $0x38;
	[tilespmem:$0x16C00] =	vst v63  }
0x204: {  	s0 =	simm.s32 $0x440;
	s31 =	sadd.s32 $0x30, s1;
	s10 =	simm.s32 $0x2200  }
0x205: {  	[hbm4b:s31+s4] =	stream.linear.scatter [tilespmem:s15], [sflag:$0x8], $0x80, $0x38;
	[tilespmem:$0x16C00] =	vst v63  }
0x206: {  	s11 =	simm.s32 $0x14C20;
	s12 =	sadd.s32 $0x40, s1;
	s13 =	simm.s32 $0x14CA8  }
0x207: {  	[hbm4b:s12+s4] =	stream.linear.scatter [tilespmem:s11], [sflag:$0x8], $0x80, $0x38;
	[tilespmem:$0x16C00] =	vst v63  }
0x208: {  	s14 =	sadd.s32 $0x50, s1;
	s15 =	simm.s32 $0x14D30;
	s31 =	sadd.s32 $0x60, s1  }
0x209: {  	[hbm4b:s14+s4] =	stream.linear.scatter [tilespmem:s13], [sflag:$0x8], $0x80, $0x38;
	[tilespmem:$0x16C00] =	vst v63  }
0x20a: {  	s11 =	simm.s32 $0x14DB8;
	s12 =	sadd.s32 $0x70, s1;
	s1 =	sadd.s32 $0x1000, s1  }
0x20b: {  	[hbm4b:s31+s4] =	stream.linear.scatter [tilespmem:s15], [sflag:$0x8], $0x80, $0x38;
	[tilespmem:$0x16C00] =	vst v63  }
.LBB2_17:
0x20c: {  	[hbm4b:s12+s4] =	stream.linear.scatter [tilespmem:s11], [sflag:$0x8], $0x80, $0x38;
	[tilespmem:$0x16C00] =	vst v63  }
0x20d: {  	s11 =	smov.u32 s0;
	s0 =	smov.u32 s10  }
0x20e: {  	s13 =	sadd.s32 $0x1100, s10;
	s0 =	sshra.s32 s0, $0x2;
	s12 =	sadd.s32 $0x14A00, s11  }
0x20f: {  	[hbm4b:s1+s4] =	stream.linear.scatter [tilespmem:s12], [sflag:$0x8], $0x80, $0x38;
	[tilespmem:$0x16C00] =	vst v63  }
0x210: {  	p0 =	sne.s32 s10, $0x7700;
	s10 =	sadd.s32 $0x14A88, s11;
	s12 =	sadd.s32 $0x10, s1  }
0x211: {  	[hbm4b:s12+s4] =	stream.linear.scatter [tilespmem:s10], [sflag:$0x8], $0x80, $0x38;
	[tilespmem:$0x16C00] =	vst v63  }
0x212: {  	s10 =	sadd.s32 $0x14B10, s11;
	s12 =	sadd.s32 $0x20, s1  }
0x213: {  	[hbm4b:s12+s4] =	stream.linear.scatter [tilespmem:s10], [sflag:$0x8], $0x80, $0x38;
	[tilespmem:$0x16C00] =	vst v63  }
0x214: {  	s10 =	sadd.s32 $0x14B98, s11;
	s12 =	sadd.s32 $0x30, s1  }
0x215: {  	[hbm4b:s12+s4] =	stream.linear.scatter [tilespmem:s10], [sflag:$0x8], $0x80, $0x38;
	[tilespmem:$0x16C00] =	vst v63  }
0x216: {  	s10 =	sadd.s32 $0x14C20, s11;
	s12 =	sadd.s32 $0x40, s1  }
0x217: {  	[hbm4b:s12+s4] =	stream.linear.scatter [tilespmem:s10], [sflag:$0x8], $0x80, $0x38;
	[tilespmem:$0x16C00] =	vst v63  }
.Ltmp7:
0x218: {  	s10 =	sadd.s32 $0x14CA8, s11;
	s12 =	sadd.s32 $0x50, s1;
	(pc) =	sbr.rel @p0 .LBB2_17-.Ltmp7, $4  }
0x219: {  	[hbm4b:s12+s4] =	stream.linear.scatter [tilespmem:s10], [sflag:$0x8], $0x80, $0x38;
	[tilespmem:$0x16C00] =	vst v63  }
0x21a: {  	s10 =	sadd.s32 $0x14D30, s11;
	s12 =	sadd.s32 $0x60, s1;
	s11 =	sadd.s32 $0x14DB8, s11  }
0x21b: {  	[hbm4b:s12+s4] =	stream.linear.scatter [tilespmem:s10], [sflag:$0x8], $0x80, $0x38;
	[tilespmem:$0x16C00] =	vst v63  }
0x21c: {  	s12 =	sadd.s32 $0x70, s1;
	s1 =	sadd.s32 $0x1000, s1;
	s10 =	smov.u32 s13  }
0x21d: {  	[hbm4b:s12+s4] =	stream.linear.scatter [tilespmem:s11], [sflag:$0x8], $0x80, $0x38;
	[tilespmem:$0x16C00] =	vst v63  }
0x21e: {  	s10 =	sadd.s32 $0x14A00, s0  }
0x21f: {  	[hbm4b:s1+s4] =	stream.linear.scatter [tilespmem:s10], [sflag:$0x8], $0x80, $0x38;
	[tilespmem:$0x16C00] =	vst v63  }
0x220: {  	s15 =	sadd.s32 $0x14A88, s0;
	s31 =	sadd.s32 $0x10, s1  }
0x221: {  	[hbm4b:s31+s4] =	stream.linear.scatter [tilespmem:s15], [sflag:$0x8], $0x80, $0x38;
	[tilespmem:$0x16C00] =	vst v63  }
0x222: {  	s11 =	sadd.s32 $0x14B10, s0;
	s12 =	sadd.s32 $0x20, s1  }
0x223: {  	[hbm4b:s12+s4] =	stream.linear.scatter [tilespmem:s11], [sflag:$0x8], $0x80, $0x38;
	[tilespmem:$0x16C00] =	vst v63  }
0x224: {  	s13 =	sadd.s32 $0x14B98, s0;
	s14 =	sadd.s32 $0x30, s1  }
0x225: {  	[hbm4b:s14+s4] =	stream.linear.scatter [tilespmem:s13], [sflag:$0x8], $0x80, $0x38;
	[tilespmem:$0x16C00] =	vst v63  }
0x226: {  	s30 =	sadd.s32 $0x1, s30;
	s15 =	sadd.s32 $0x14C20, s0;
	s31 =	sadd.s32 $0x40, s1  }
0x227: {  	[hbm4b:s31+s4] =	stream.linear.scatter [tilespmem:s15], [sflag:$0x8], $0x80, $0x38;
	[tilespmem:$0x16C00] =	vst v63  }
0x228: {  	p0 =	sne.s32 s30, $0x32;
	s11 =	sadd.s32 $0x14CA8, s0;
	s12 =	sadd.s32 $0x50, s1  }
0x229: {  	[hbm4b:s12+s4] =	stream.linear.scatter [tilespmem:s11], [sflag:$0x8], $0x80, $0x38;
	[tilespmem:$0x16C00] =	vst v63  }
.Ltmp8:
0x22a: {  	_ = 	snop;
	(pc) =	sbr.rel @p0 .LBB2_2-.Ltmp8, $4  }
0x22b: {  	s13 =	sadd.s32 $0x14D30, s0;
	s14 =	sadd.s32 $0x60, s1  }
0x22c: {  	[hbm4b:s14+s4] =	stream.linear.scatter [tilespmem:s13], [sflag:$0x8], $0x80, $0x38;
	[tilespmem:$0x16C00] =	vst v63  }
0x22d: {  	s15 =	sadd.s32 $0x14DB8, s0;
	s31 =	sadd.s32 $0x70, s1  }
0x22e: {  	[hbm4b:s31+s4] =	stream.linear.scatter [tilespmem:s15], [sflag:$0x8], $0x80, $0x38;
	[tilespmem:$0x16C00] =	vst v63  }
0x22f: {  	_ =	swait.ge [sflag:s24], $0x2000  }
0x230: {  	[sflag:s24] =	ssyncset.done $0x0  }
0x231: {  	[sflag:s24] =	ssyncadd.s32 $0xFFFFE000  }
0x232: {  	_ =	swait.ge [sflag:s25], $0x2000  }
0x233: {  	[sflag:s25] =	ssyncset.done $0x0  }
0x234: {  	s29 =	sadd.s32 $0x1, s29;
	[sflag:s25] =	ssyncadd.s32 $0xFFFFE000  }
0x235: {  	p0 =	sne.s32 s29, s7;
	_ =	swait.ge [sflag:s26], $0x2000  }
.Ltmp9:
0x236: {  	[sflag:s26] =	ssyncset.done $0x0;
	(pc) =	sbr.rel @p0 .LBB2_1-.Ltmp9, $4  }
0x237: {  	[sflag:s26] =	ssyncadd.s32 $0xFFFFE000  }
0x238: {  	_ =	swait.ge [sflag:s28], $0x2000  }
0x239: {  	[sflag:s28] =	ssyncset.done $0x0  }
0x23a: {  	[sflag:s28] =	ssyncadd.s32 $0xFFFFE000  }
0x23b: {  	_ =	sfence.sel $0x180000  }
0x23c: {  	[bflag:$0x0] =	sbarrier.arrive $0xFFFF  }
0x23d: {  	_ =	strace $0x90000047  }
0x23e: {  	s0 =	stileid.u32;
	[bflag:$0x2] =	sbarrier.arrive $0xFFFF  }
0x23f: {  	p0 =	sne.s32 s0, $0x0;
	s0 =	rddreg [dreg:$0x2]  }
0x240: {  	s0 =	sadd.s32 @!p0 $0x100000, s0  }
0x241: {  	[sflag:s0] =	ssyncadd.tile.s32 @!p0 $0x1;
	_ =	shalt  }
.Lfunc_end2:
_tile_overlayer_lowered:
.L_overlay_start_2:
0x242: {  	(tag) =	ssettag $0x2  }
0x243: {  	s0 =	rddreg [dreg:$0x0];
	s2 =	stileid.u32  }
0x244: {  	s1 =	rddreg [dreg:$0x1];
	p0 =	sne.s32 s2, $0x0  }
0x245: {  	s3 =	rddreg [dreg:$0x2];
	[bflag:$0x3] =	sbarrier.arrive $0xFFFF;
	s2 =	simm.s32 @!p0 $0x1C09  }
0x246: {  	[timem:s3], [sflag:s2] =	dma.local @!p0 [hbm:s0], s1  }
0x247: {  	s0 =	simm.s32 @!p0 $0x9  }
0x248: {  	_ =	swait.ge @!p0 [sflag:s0], s1  }
0x249: {  	s1 =	ssub.s32 @!p0 $0x0, s1;
	[sflag:s0] =	ssyncset.done @!p0 $0x0  }
0x24a: {  	[sflag:s0] =	ssyncadd.s32 @!p0 s1  }
0x24b: {  	[bflag:$0x3] =	sbarrier.arrive $0xFFFF  }
0x24c: {  	_ =	shalt  }

</sc_bundles>
